<compile_context>
chip_gen: v7x
topology: tpu7x:2x2x1
jax: 0.10.2.dev20260603
libtpu: 0.0.44.dev20260713+nightly
codegen_flags: <defaults>
</compile_context>

<pallas_src>
import functools

import jax
import jax.numpy as jnp
from jax import lax
from jax.experimental import pallas as pl
from jax.experimental.pallas import tpu as pltpu
from jax.experimental.pallas import tpu_sc as plsc

_N = 10000
_N_PAD = 10240
_E = 320000
_E_PER_W = _E // 32
_SEQ = 500
_SEQ_P = 512
_D = 128
_NW = 32
_L = 16
_NR = 20
_RR = 512

_MESH = plsc.VectorSubcoreMesh(core_axis_name="c", subcore_axis_name="s")
_PARAMS = pltpu.CompilerParams(needs_layout_passes=False,
                               use_tc_tiling_on_sc=False)


def _wid():
  return lax.axis_index("c") * 16 + lax.axis_index("s")


def _a_body(edge_hbm, flags_hbm, idx_v, flags_v, sem):
  w = _wid()
  zeros = jnp.zeros((_L,), jnp.int32)
  ones = jnp.ones((_L,), jnp.int32)

  def _zero(i, carry):
    flags_v[pl.ds(i * _L, _L)] = zeros
    return carry
  lax.fori_loop(0, _N_PAD // _L, _zero, 0, unroll=8)

  pltpu.sync_copy(edge_hbm.at[pl.ds(w * _E_PER_W, _E_PER_W)], idx_v)

  def _scatter(i, carry):
    ii = idx_v[pl.ds(i * _L, _L)]
    plsc.store_scatter(flags_v, [ii], ones)
    return carry
  lax.fori_loop(0, _E_PER_W // _L, _scatter, 0, unroll=8)

  pltpu.sync_copy(flags_v, flags_hbm.at[w])


_kernel_a = functools.partial(
    pl.kernel,
    out_type=jax.ShapeDtypeStruct((_NW, _N_PAD), jnp.int32),
    mesh=_MESH,
    compiler_params=_PARAMS,
    scratch_types=[
        pltpu.VMEM((_E_PER_W,), jnp.int32),
        pltpu.VMEM((_N_PAD,), jnp.int32),
        pltpu.SemaphoreType.DMA,
    ],
)(_a_body)


def _or_body(f_ref, o_ref):
  acc = f_ref[0]
  for t in range(1, _NW):
    acc = acc | f_ref[t]
  o_ref[...] = acc


_combine = pl.pallas_call(
    _or_body,
    out_shape=jax.ShapeDtypeStruct((_N_PAD // _D, _D), jnp.int32),
)


def _c_body(comb_hbm, proj_hbm, out_hbm, comb_v, lcomp_v, lcomp0_v,
            nodes_v, rows_v, sem):
  w = _wid()
  iota = lax.iota(jnp.int32, _L)
  zeros = jnp.zeros((_L,), jnp.int32)

  pltpu.sync_copy(comb_hbm, comb_v)

  cs = []
  for r in range(_NR):
    def _acc(g, carry):
      return carry + comb_v[pl.ds(r * _RR + g * _L, _L)]
    acc = lax.fori_loop(0, _RR // _L, _acc, zeros, unroll=4)
    cs.append(jnp.sum(acc))
  offs = []
  tot = jnp.int32(0)
  for r in range(_NR):
    offs.append(tot)
    tot = tot + cs[r]
  total = tot

  j_lo = jnp.int32(w * _L)
  j_hi = jnp.minimum(j_lo + _L - 1, jnp.maximum(total - 1, 0))
  j_lo_c = jnp.minimum(j_lo, jnp.maximum(total - 1, 0))
  t_lo = jnp.int32(0)
  t_hi = jnp.int32(0)
  t0 = jnp.int32(0)
  off_lo = jnp.int32(0)
  for r in range(_NR):
    t_lo = t_lo + (offs[r] <= j_lo_c).astype(jnp.int32)
    t_hi = t_hi + (offs[r] <= j_hi).astype(jnp.int32)
    t0 = t0 + (offs[r] <= 0).astype(jnp.int32)
  t_lo = t_lo - 1
  t_hi = jnp.maximum(t_hi - 1, t_lo)
  t0 = t0 - 1
  for r in range(_NR):
    off_lo = off_lo + jnp.where(r < t_lo, cs[r], 0)

  def _compact_ranges(r_start, r_end, out_ref):
    def _outer(r, carry):
      def _inner(g, c2):
        f = comb_v[pl.ds(r * _RR + g * _L, _L)]
        m = f > 0
        pos = c2 + plsc.cumsum(f) - f
        vals = iota + (r * _RR + g * _L)
        plsc.store_scatter(out_ref, [pos], vals, mask=m)
        return c2 + jnp.sum(f)
      return lax.fori_loop(0, _RR // _L, _inner, carry)
    return lax.fori_loop(r_start, r_end, _outer, jnp.int32(0))

  _compact_ranges(t_lo, t_hi + 1, lcomp_v)
  _compact_ranges(t0, t0 + 1, lcomp0_v)
  node0 = lcomp0_v[pl.ds(0, _L)][0]

  jv = iota + j_lo
  valid = jv < total
  lidx = jnp.where(valid, jv - off_lo, zeros)
  node = plsc.load_gather(lcomp_v, [lidx])
  nodes_v[...] = jnp.where(valid, node, jnp.full((_L,), node0, jnp.int32))

  pltpu.async_copy(proj_hbm.at[nodes_v], rows_v, sem).wait()
  pltpu.sync_copy(rows_v, out_hbm.at[pl.ds(w * _L, _L)])


_kernel_c = functools.partial(
    pl.kernel,
    out_type=jax.ShapeDtypeStruct((_SEQ_P, _D), jnp.float32),
    mesh=_MESH,
    compiler_params=_PARAMS,
    scratch_types=[
        pltpu.VMEM((_N_PAD,), jnp.int32),
        pltpu.VMEM((2048,), jnp.int32),
        pltpu.VMEM((_RR,), jnp.int32),
        pltpu.VMEM((_L,), jnp.int32),
        pltpu.VMEM((_L, _D), jnp.float32),
        pltpu.SemaphoreType.DMA,
    ],
)(_c_body)


def _mm_body(x_ref, wt_ref, b_ref, o_ref):
  o_ref[...] = jnp.dot(x_ref[...], wt_ref[...],
                       preferred_element_type=jnp.float32) + b_ref[...]


_project = pl.pallas_call(
    _mm_body,
    out_shape=jax.ShapeDtypeStruct((_N, _D), jnp.float32),
)


@jax.jit
def kernel(x, edge_index, W, b):
  proj = _project(x, W.T, b.reshape(1, _D))
  flags = _kernel_a(edge_index[0])
  comb = _combine(flags.reshape(_NW, _N_PAD // _D, _D))
  out = _kernel_c(comb.reshape(_N_PAD), proj)
  return out[None, :_SEQ, :]

# --- scband reference (transcript-rebuilt; emitter-appended) ---
"""Pipeline reference for scband-graph-to-sequence-converter-23184233464440 (READ-ONLY COPY).

The authoritative reference and input builder live on the scoring server;
editing this copy changes nothing except your own understanding.
"""

import jax, jax.numpy as jnp
import numpy as np

N_NODES = 10000
D_IN = 128
D_OUT = 128
N_EDGES = 320000
MAX_SEQ_LEN = 500


def setup_inputs(seed: int = 0) -> dict:
    key = jax.random.key(seed)
    k1, k2, k3, k4 = jax.random.split(key, 4)
    x = jax.random.normal(k1, (N_NODES, D_IN), dtype=jnp.float32)
    edge_index = jax.random.randint(k2, (2, N_EDGES), 0, N_NODES, dtype=jnp.int32)
    # nn.Linear(node_features, seq_features): weight [out, in], bias [out]
    bound = 1.0 / np.sqrt(D_IN)
    W = jax.random.uniform(k3, (D_OUT, D_IN), dtype=jnp.float32, minval=-bound, maxval=bound)
    b = jax.random.uniform(k4, (D_OUT,), dtype=jnp.float32, minval=-bound, maxval=bound)
    return {"x": x, "edge_index": edge_index, "W": W, "b": b}


def reference(x, edge_index, W, b):
    # x = self.projection(x)
    proj = jnp.dot(x, W.T) + b
    # batch is None path:
    # nodes = torch.unique(edge_index[0], sorted=True)
    # if len(nodes) > max_seq_len: nodes = nodes[:max_seq_len]
    nodes = jnp.unique(edge_index[0], size=MAX_SEQ_LEN)
    # return x[nodes].unsqueeze(0)
    out = jnp.take(proj, nodes, axis=0)[None, :, :]
    return out

if __name__ == "__main__":
    import jax
    _d = setup_inputs()
    print(jax.jit(kernel)(*tuple(_d.values())))

</pallas_src>

<mosaic_0001>
#map = affine_map<(d0, d1) -> (0)>
#map1 = affine_map<(d0, d1) -> (0, 0)>
module attributes {stable_mosaic.version = 14 : i64} {
  func.func @_a_body(%arg0: i32, %arg1: i32, %arg2: memref<320000xi32, #tpu.memory_space<hbm>>, %arg3: memref<32x10240xi32, #tpu.memory_space<hbm>>, %arg4: memref<10000xi32, #tpu.memory_space<vmem>>, %arg5: memref<10240xi32, #tpu.memory_space<vmem>>, %arg6: memref<!tpu.dma_semaphore, #tpu.memory_space<semaphore_mem>>) attributes {dimension_semantics = [#tpu.dimension_semantics<core_parallel>, #tpu.dimension_semantics<subcore_parallel>], iteration_bounds = array<i64: 2, 16>, scalar_prefetch = 0 : i64, scratch_operands = 3 : i64, tpu.core_type = #tpu.core_type<sc_vector_subcore>, window_params = [{transform_indices = #map}, {transform_indices = #map1}]} {
    %mul3A = arith.constant 16 : i32
    %mul3A_0 = arith.muli %arg0, %mul3A : i32
    %add3A = arith.addi %mul3A_0, %arg1 : i32
    %broadcast_in_dim3A = arith.constant 0 : i32
    %broadcast_in_dim3A_1 = vector.broadcast %broadcast_in_dim3A : i32 to vector<16xi32>
    %broadcast_in_dim3A_2 = arith.constant 1 : i32
    %broadcast_in_dim3A_3 = vector.broadcast %broadcast_in_dim3A_2 : i32 to vector<16xi32>
    %scan3A = arith.constant 0 : i32
    %scan3A_4 = arith.constant 0 : i32
    %scan3A_5 = arith.constant 640 : i32
    %scan3A_6 = arith.addi %scan3A_4, %scan3A_5 : i32
    %scan3A_7 = arith.constant 8 : i32
    scf.for %scan3A_22 = %scan3A_4 to %scan3A_6 step %scan3A_7  : i32 {
      %mul3A_23 = arith.constant 16 : i32
      %mul3A_24 = arith.muli %scan3A_22, %mul3A_23 : i32
      %swap3A = arith.index_cast %mul3A_24 : i32 to index
      %swap3A_25 = tpu.vector_load %arg5[%swap3A] {strides = array<i32>} : memref<10240xi32, #tpu.memory_space<vmem>>, vector<16xi32>,
      tpu.vector_store %arg5[%swap3A], %broadcast_in_dim3A_1 {strides = array<i32>} : memref<10240xi32, #tpu.memory_space<vmem>>, vector<16xi32>,
      %scan3A_26 = arith.constant 1 : i32
      %scan3A_27 = arith.addi %scan3A_22, %scan3A_26 : i32
      %mul3A_28 = arith.constant 16 : i32
      %mul3A_29 = arith.muli %scan3A_27, %mul3A_28 : i32
      %swap3A_30 = arith.index_cast %mul3A_29 : i32 to index
      %swap3A_31 = tpu.vector_load %arg5[%swap3A_30] {strides = array<i32>} : memref<10240xi32, #tpu.memory_space<vmem>>, vector<16xi32>,
      tpu.vector_store %arg5[%swap3A_30], %broadcast_in_dim3A_1 {strides = array<i32>} : memref<10240xi32, #tpu.memory_space<vmem>>, vector<16xi32>,
      %scan3A_32 = arith.constant 2 : i32
      %scan3A_33 = arith.addi %scan3A_22, %scan3A_32 : i32
      %mul3A_34 = arith.constant 16 : i32
      %mul3A_35 = arith.muli %scan3A_33, %mul3A_34 : i32
      %swap3A_36 = arith.index_cast %mul3A_35 : i32 to index
      %swap3A_37 = tpu.vector_load %arg5[%swap3A_36] {strides = array<i32>} : memref<10240xi32, #tpu.memory_space<vmem>>, vector<16xi32>,
      tpu.vector_store %arg5[%swap3A_36], %broadcast_in_dim3A_1 {strides = array<i32>} : memref<10240xi32, #tpu.memory_space<vmem>>, vector<16xi32>,
      %scan3A_38 = arith.constant 3 : i32
      %scan3A_39 = arith.addi %scan3A_22, %scan3A_38 : i32
      %mul3A_40 = arith.constant 16 : i32
      %mul3A_41 = arith.muli %scan3A_39, %mul3A_40 : i32
      %swap3A_42 = arith.index_cast %mul3A_41 : i32 to index
      %swap3A_43 = tpu.vector_load %arg5[%swap3A_42] {strides = array<i32>} : memref<10240xi32, #tpu.memory_space<vmem>>, vector<16xi32>,
      tpu.vector_store %arg5[%swap3A_42], %broadcast_in_dim3A_1 {strides = array<i32>} : memref<10240xi32, #tpu.memory_space<vmem>>, vector<16xi32>,
      %scan3A_44 = arith.constant 4 : i32
      %scan3A_45 = arith.addi %scan3A_22, %scan3A_44 : i32
      %mul3A_46 = arith.constant 16 : i32
      %mul3A_47 = arith.muli %scan3A_45, %mul3A_46 : i32
      %swap3A_48 = arith.index_cast %mul3A_47 : i32 to index
      %swap3A_49 = tpu.vector_load %arg5[%swap3A_48] {strides = array<i32>} : memref<10240xi32, #tpu.memory_space<vmem>>, vector<16xi32>,
      tpu.vector_store %arg5[%swap3A_48], %broadcast_in_dim3A_1 {strides = array<i32>} : memref<10240xi32, #tpu.memory_space<vmem>>, vector<16xi32>,
      %scan3A_50 = arith.constant 5 : i32
      %scan3A_51 = arith.addi %scan3A_22, %scan3A_50 : i32
      %mul3A_52 = arith.constant 16 : i32
      %mul3A_53 = arith.muli %scan3A_51, %mul3A_52 : i32
      %swap3A_54 = arith.index_cast %mul3A_53 : i32 to index
      %swap3A_55 = tpu.vector_load %arg5[%swap3A_54] {strides = array<i32>} : memref<10240xi32, #tpu.memory_space<vmem>>, vector<16xi32>,
      tpu.vector_store %arg5[%swap3A_54], %broadcast_in_dim3A_1 {strides = array<i32>} : memref<10240xi32, #tpu.memory_space<vmem>>, vector<16xi32>,
      %scan3A_56 = arith.constant 6 : i32
      %scan3A_57 = arith.addi %scan3A_22, %scan3A_56 : i32
      %mul3A_58 = arith.constant 16 : i32
      %mul3A_59 = arith.muli %scan3A_57, %mul3A_58 : i32
      %swap3A_60 = arith.index_cast %mul3A_59 : i32 to index
      %swap3A_61 = tpu.vector_load %arg5[%swap3A_60] {strides = array<i32>} : memref<10240xi32, #tpu.memory_space<vmem>>, vector<16xi32>,
      tpu.vector_store %arg5[%swap3A_60], %broadcast_in_dim3A_1 {strides = array<i32>} : memref<10240xi32, #tpu.memory_space<vmem>>, vector<16xi32>,
      %scan3A_62 = arith.constant 7 : i32
      %scan3A_63 = arith.addi %scan3A_22, %scan3A_62 : i32
      %mul3A_64 = arith.constant 16 : i32
      %mul3A_65 = arith.muli %scan3A_63, %mul3A_64 : i32
      %swap3A_66 = arith.index_cast %mul3A_65 : i32 to index
      %swap3A_67 = tpu.vector_load %arg5[%swap3A_66] {strides = array<i32>} : memref<10240xi32, #tpu.memory_space<vmem>>, vector<16xi32>,
      tpu.vector_store %arg5[%swap3A_66], %broadcast_in_dim3A_1 {strides = array<i32>} : memref<10240xi32, #tpu.memory_space<vmem>>, vector<16xi32>,
    }
    %scan3A_8 = arith.constant 640 : i32
    %mul3A_9 = arith.constant 10000 : i32
    %mul3A_10 = arith.muli %add3A, %mul3A_9 : i32
    "tpu.region"() ({
      %run_scoped3A = tpu.sem_alloc : memref<!tpu.dma_semaphore, #tpu.memory_space<semaphore_mem>>
      %dma_start3A = tpu.memref_slice %arg2[%mul3A_10] : memref<320000xi32, #tpu.memory_space<hbm>> -> memref<10000xi32, #tpu.memory_space<hbm>>
      %dma_start3A_22 = tpu.memref_slice %arg2[%mul3A_10] : memref<320000xi32, #tpu.memory_space<hbm>> -> memref<10000xi32, #tpu.memory_space<hbm>>
      tpu.enqueue_dma source(%dma_start3A_22 : memref<10000xi32, #tpu.memory_space<hbm>>) target(%arg4 : memref<10000xi32, #tpu.memory_space<vmem>>) target_semaphore(%run_scoped3A : memref<!tpu.dma_semaphore, #tpu.memory_space<semaphore_mem>>)
      %dma_wait3A = tpu.memref_slice %arg2[%mul3A_10] : memref<320000xi32, #tpu.memory_space<hbm>> -> memref<10000xi32, #tpu.memory_space<hbm>>
      %dma_wait3A_23 = tpu.memref_slice %arg2[%mul3A_10] : memref<320000xi32, #tpu.memory_space<hbm>> -> memref<10000xi32, #tpu.memory_space<hbm>>
      tpu.wait_dma2 semaphore(%run_scoped3A : memref<!tpu.dma_semaphore, #tpu.memory_space<semaphore_mem>>) src(%dma_wait3A_23 : memref<10000xi32, #tpu.memory_space<hbm>>) dst(%arg4 : memref<10000xi32, #tpu.memory_space<vmem>>)
      tpu.yield
    }) : () -> ()
    %scan3A_11 = arith.constant 0 : i32
    %scan3A_12 = arith.constant 0 : i32
    %scan3A_13 = arith.constant 624 : i32
    %scan3A_14 = arith.addi %scan3A_12, %scan3A_13 : i32
    %scan3A_15 = arith.constant 8 : i32
    scf.for %scan3A_22 = %scan3A_12 to %scan3A_14 step %scan3A_15  : i32 {
      %mul3A_23 = arith.constant 16 : i32
      %mul3A_24 = arith.muli %scan3A_22, %mul3A_23 : i32
      %get3A_25 = arith.index_cast %mul3A_24 : i32 to index
      %get3A_26 = tpu.vector_load %arg4[%get3A_25] {strides = array<i32>} : memref<10000xi32, #tpu.memory_space<vmem>>, vector<16xi32>,
      tpu.vector_store_idx %arg5[%get3A_26], %broadcast_in_dim3A_3 : memref<10240xi32, #tpu.memory_space<vmem>>[vector<16xi32>], vector<16xi32>,
      %scan3A_27 = arith.constant 1 : i32
      %scan3A_28 = arith.addi %scan3A_22, %scan3A_27 : i32
      %mul3A_29 = arith.constant 16 : i32
      %mul3A_30 = arith.muli %scan3A_28, %mul3A_29 : i32
      %get3A_31 = arith.index_cast %mul3A_30 : i32 to index
      %get3A_32 = tpu.vector_load %arg4[%get3A_31] {strides = array<i32>} : memref<10000xi32, #tpu.memory_space<vmem>>, vector<16xi32>,
      tpu.vector_store_idx %arg5[%get3A_32], %broadcast_in_dim3A_3 : memref<10240xi32, #tpu.memory_space<vmem>>[vector<16xi32>], vector<16xi32>,
      %scan3A_33 = arith.constant 2 : i32
      %scan3A_34 = arith.addi %scan3A_22, %scan3A_33 : i32
      %mul3A_35 = arith.constant 16 : i32
      %mul3A_36 = arith.muli %scan3A_34, %mul3A_35 : i32
      %get3A_37 = arith.index_cast %mul3A_36 : i32 to index
      %get3A_38 = tpu.vector_load %arg4[%get3A_37] {strides = array<i32>} : memref<10000xi32, #tpu.memory_space<vmem>>, vector<16xi32>,
      tpu.vector_store_idx %arg5[%get3A_38], %broadcast_in_dim3A_3 : memref<10240xi32, #tpu.memory_space<vmem>>[vector<16xi32>], vector<16xi32>,
      %scan3A_39 = arith.constant 3 : i32
      %scan3A_40 = arith.addi %scan3A_22, %scan3A_39 : i32
      %mul3A_41 = arith.constant 16 : i32
      %mul3A_42 = arith.muli %scan3A_40, %mul3A_41 : i32
      %get3A_43 = arith.index_cast %mul3A_42 : i32 to index
      %get3A_44 = tpu.vector_load %arg4[%get3A_43] {strides = array<i32>} : memref<10000xi32, #tpu.memory_space<vmem>>, vector<16xi32>,
      tpu.vector_store_idx %arg5[%get3A_44], %broadcast_in_dim3A_3 : memref<10240xi32, #tpu.memory_space<vmem>>[vector<16xi32>], vector<16xi32>,
      %scan3A_45 = arith.constant 4 : i32
      %scan3A_46 = arith.addi %scan3A_22, %scan3A_45 : i32
      %mul3A_47 = arith.constant 16 : i32
      %mul3A_48 = arith.muli %scan3A_46, %mul3A_47 : i32
      %get3A_49 = arith.index_cast %mul3A_48 : i32 to index
      %get3A_50 = tpu.vector_load %arg4[%get3A_49] {strides = array<i32>} : memref<10000xi32, #tpu.memory_space<vmem>>, vector<16xi32>,
      tpu.vector_store_idx %arg5[%get3A_50], %broadcast_in_dim3A_3 : memref<10240xi32, #tpu.memory_space<vmem>>[vector<16xi32>], vector<16xi32>,
      %scan3A_51 = arith.constant 5 : i32
      %scan3A_52 = arith.addi %scan3A_22, %scan3A_51 : i32
      %mul3A_53 = arith.constant 16 : i32
      %mul3A_54 = arith.muli %scan3A_52, %mul3A_53 : i32
      %get3A_55 = arith.index_cast %mul3A_54 : i32 to index
      %get3A_56 = tpu.vector_load %arg4[%get3A_55] {strides = array<i32>} : memref<10000xi32, #tpu.memory_space<vmem>>, vector<16xi32>,
      tpu.vector_store_idx %arg5[%get3A_56], %broadcast_in_dim3A_3 : memref<10240xi32, #tpu.memory_space<vmem>>[vector<16xi32>], vector<16xi32>,
      %scan3A_57 = arith.constant 6 : i32
      %scan3A_58 = arith.addi %scan3A_22, %scan3A_57 : i32
      %mul3A_59 = arith.constant 16 : i32
      %mul3A_60 = arith.muli %scan3A_58, %mul3A_59 : i32
      %get3A_61 = arith.index_cast %mul3A_60 : i32 to index
      %get3A_62 = tpu.vector_load %arg4[%get3A_61] {strides = array<i32>} : memref<10000xi32, #tpu.memory_space<vmem>>, vector<16xi32>,
      tpu.vector_store_idx %arg5[%get3A_62], %broadcast_in_dim3A_3 : memref<10240xi32, #tpu.memory_space<vmem>>[vector<16xi32>], vector<16xi32>,
      %scan3A_63 = arith.constant 7 : i32
      %scan3A_64 = arith.addi %scan3A_22, %scan3A_63 : i32
      %mul3A_65 = arith.constant 16 : i32
      %mul3A_66 = arith.muli %scan3A_64, %mul3A_65 : i32
      %get3A_67 = arith.index_cast %mul3A_66 : i32 to index
      %get3A_68 = tpu.vector_load %arg4[%get3A_67] {strides = array<i32>} : memref<10000xi32, #tpu.memory_space<vmem>>, vector<16xi32>,
      tpu.vector_store_idx %arg5[%get3A_68], %broadcast_in_dim3A_3 : memref<10240xi32, #tpu.memory_space<vmem>>[vector<16xi32>], vector<16xi32>,
    }
    %scan3A_16 = arith.constant 624 : i32
    %scan3A_17 = arith.addi %scan3A_12, %scan3A_16 : i32
    %mul3A_18 = arith.constant 16 : i32
    %mul3A_19 = arith.muli %scan3A_17, %mul3A_18 : i32
    %get3A = arith.index_cast %mul3A_19 : i32 to index
    %get3A_20 = tpu.vector_load %arg4[%get3A] {strides = array<i32>} : memref<10000xi32, #tpu.memory_space<vmem>>, vector<16xi32>,
    tpu.vector_store_idx %arg5[%get3A_20], %broadcast_in_dim3A_3 : memref<10240xi32, #tpu.memory_space<vmem>>[vector<16xi32>], vector<16xi32>,
    %scan3A_21 = arith.constant 625 : i32
    "tpu.region"() ({
      %run_scoped3A = tpu.sem_alloc : memref<!tpu.dma_semaphore, #tpu.memory_space<semaphore_mem>>
      %dma_start3A = arith.constant 0 : i32
      %dma_start3A_22 = tpu.memref_slice %arg3[%add3A, %dma_start3A] : memref<32x10240xi32, #tpu.memory_space<hbm>> -> memref<1x10240xi32, #tpu.memory_space<hbm>>
      %dma_start3A_23 = tpu.memref_squeeze %dma_start3A_22 : memref<1x10240xi32, #tpu.memory_space<hbm>> -> memref<10240xi32, #tpu.memory_space<hbm>>
      %dma_start3A_24 = arith.constant 0 : i32
      %dma_start3A_25 = tpu.memref_slice %arg3[%add3A, %dma_start3A_24] : memref<32x10240xi32, #tpu.memory_space<hbm>> -> memref<1x10240xi32, #tpu.memory_space<hbm>>
      %dma_start3A_26 = tpu.memref_squeeze %dma_start3A_25 : memref<1x10240xi32, #tpu.memory_space<hbm>> -> memref<10240xi32, #tpu.memory_space<hbm>>
      tpu.enqueue_dma source(%arg5 : memref<10240xi32, #tpu.memory_space<vmem>>) target(%dma_start3A_26 : memref<10240xi32, #tpu.memory_space<hbm>>) target_semaphore(%run_scoped3A : memref<!tpu.dma_semaphore, #tpu.memory_space<semaphore_mem>>)
      %dma_wait3A = arith.constant 0 : i32
      %dma_wait3A_27 = tpu.memref_slice %arg3[%add3A, %dma_wait3A] : memref<32x10240xi32, #tpu.memory_space<hbm>> -> memref<1x10240xi32, #tpu.memory_space<hbm>>
      %dma_wait3A_28 = tpu.memref_squeeze %dma_wait3A_27 : memref<1x10240xi32, #tpu.memory_space<hbm>> -> memref<10240xi32, #tpu.memory_space<hbm>>
      %dma_wait3A_29 = arith.constant 0 : i32
      %dma_wait3A_30 = tpu.memref_slice %arg3[%add3A, %dma_wait3A_29] : memref<32x10240xi32, #tpu.memory_space<hbm>> -> memref<1x10240xi32, #tpu.memory_space<hbm>>
      %dma_wait3A_31 = tpu.memref_squeeze %dma_wait3A_30 : memref<1x10240xi32, #tpu.memory_space<hbm>> -> memref<10240xi32, #tpu.memory_space<hbm>>
      tpu.wait_dma2 semaphore(%run_scoped3A : memref<!tpu.dma_semaphore, #tpu.memory_space<semaphore_mem>>) src(%arg5 : memref<10240xi32, #tpu.memory_space<vmem>>) dst(%dma_wait3A_31 : memref<10240xi32, #tpu.memory_space<hbm>>)
      tpu.yield
    }) : () -> ()
    return
  }
}

#map = affine_map<(d0, d1) -> (0)>
#map1 = affine_map<(d0, d1) -> (0, 0)>
module attributes {stable_mosaic.version = 14 : i64} {
  func.func @_c_body(%arg0: i32, %arg1: i32, %arg2: memref<10240xi32, #tpu.memory_space<hbm>>, %arg3: memref<10000x128xf32, #tpu.memory_space<hbm>>, %arg4: memref<512x128xf32, #tpu.memory_space<hbm>>, %arg5: memref<10240xi32, #tpu.memory_space<vmem>>, %arg6: memref<2048xi32, #tpu.memory_space<vmem>>, %arg7: memref<512xi32, #tpu.memory_space<vmem>>, %arg8: memref<16xi32, #tpu.memory_space<vmem>>, %arg9: memref<16x128xf32, #tpu.memory_space<vmem>>, %arg10: memref<!tpu.dma_semaphore, #tpu.memory_space<semaphore_mem>>) attributes {dimension_semantics = [#tpu.dimension_semantics<core_parallel>, #tpu.dimension_semantics<subcore_parallel>], iteration_bounds = array<i64: 2, 16>, scalar_prefetch = 0 : i64, scratch_operands = 6 : i64, tpu.core_type = #tpu.core_type<sc_vector_subcore>, window_params = [{transform_indices = #map}, {transform_indices = #map1}, {transform_indices = #map1}]} {
    %mul3A = arith.constant 16 : i32
    %mul3A_0 = arith.muli %arg0, %mul3A : i32
    %add3A = arith.addi %mul3A_0, %arg1 : i32
    %iota3A = tpu.iota {dimensions = array<i32: 0>} : vector<16xi32>
    %broadcast_in_dim3A = arith.constant 0 : i32
    %broadcast_in_dim3A_1 = vector.broadcast %broadcast_in_dim3A : i32 to vector<16xi32>
    "tpu.region"() ({
      %run_scoped3A = tpu.sem_alloc : memref<!tpu.dma_semaphore, #tpu.memory_space<semaphore_mem>>
      tpu.enqueue_dma source(%arg2 : memref<10240xi32, #tpu.memory_space<hbm>>) target(%arg5 : memref<10240xi32, #tpu.memory_space<vmem>>) target_semaphore(%run_scoped3A : memref<!tpu.dma_semaphore, #tpu.memory_space<semaphore_mem>>)
      tpu.wait_dma2 semaphore(%run_scoped3A : memref<!tpu.dma_semaphore, #tpu.memory_space<semaphore_mem>>) src(%arg2 : memref<10240xi32, #tpu.memory_space<hbm>>) dst(%arg5 : memref<10240xi32, #tpu.memory_space<vmem>>)
      tpu.yield
    }) : () -> ()
    %scan3A = arith.constant 0 : i32
    %scan3A_2 = arith.constant 32 : i32
    %scan3A_3 = arith.addi %scan3A, %scan3A_2 : i32
    %scan3A_4 = arith.constant 4 : i32
    %scan3A_5 = scf.for %scan3A_584 = %scan3A to %scan3A_3 step %scan3A_4 iter_args(%scan3A_585 = %broadcast_in_dim3A_1) -> (vector<16xi32>)  : i32 {
      %mul3A_586 = arith.constant 16 : i32
      %mul3A_587 = arith.muli %scan3A_584, %mul3A_586 : i32
      %add3A_588 = arith.constant 0 : i32
      %add3A_589 = arith.addi %add3A_588, %mul3A_587 : i32
      %get3A_590 = arith.index_cast %add3A_589 : i32 to index
      %get3A_591 = tpu.vector_load %arg5[%get3A_590] {strides = array<i32>} : memref<10240xi32, #tpu.memory_space<vmem>>, vector<16xi32>,
      %add3A_592 = arith.addi %scan3A_585, %get3A_591 : vector<16xi32>
      %scan3A_593 = arith.constant 1 : i32
      %scan3A_594 = arith.addi %scan3A_584, %scan3A_593 : i32
      %mul3A_595 = arith.constant 16 : i32
      %mul3A_596 = arith.muli %scan3A_594, %mul3A_595 : i32
      %add3A_597 = arith.constant 0 : i32
      %add3A_598 = arith.addi %add3A_597, %mul3A_596 : i32
      %get3A_599 = arith.index_cast %add3A_598 : i32 to index
      %get3A_600 = tpu.vector_load %arg5[%get3A_599] {strides = array<i32>} : memref<10240xi32, #tpu.memory_space<vmem>>, vector<16xi32>,
      %add3A_601 = arith.addi %add3A_592, %get3A_600 : vector<16xi32>
      %scan3A_602 = arith.constant 2 : i32
      %scan3A_603 = arith.addi %scan3A_584, %scan3A_602 : i32
      %mul3A_604 = arith.constant 16 : i32
      %mul3A_605 = arith.muli %scan3A_603, %mul3A_604 : i32
      %add3A_606 = arith.constant 0 : i32
      %add3A_607 = arith.addi %add3A_606, %mul3A_605 : i32
      %get3A_608 = arith.index_cast %add3A_607 : i32 to index
      %get3A_609 = tpu.vector_load %arg5[%get3A_608] {strides = array<i32>} : memref<10240xi32, #tpu.memory_space<vmem>>, vector<16xi32>,
      %add3A_610 = arith.addi %add3A_601, %get3A_609 : vector<16xi32>
      %scan3A_611 = arith.constant 3 : i32
      %scan3A_612 = arith.addi %scan3A_584, %scan3A_611 : i32
      %mul3A_613 = arith.constant 16 : i32
      %mul3A_614 = arith.muli %scan3A_612, %mul3A_613 : i32
      %add3A_615 = arith.constant 0 : i32
      %add3A_616 = arith.addi %add3A_615, %mul3A_614 : i32
      %get3A_617 = arith.index_cast %add3A_616 : i32 to index
      %get3A_618 = tpu.vector_load %arg5[%get3A_617] {strides = array<i32>} : memref<10240xi32, #tpu.memory_space<vmem>>, vector<16xi32>,
      %add3A_619 = arith.addi %add3A_610, %get3A_618 : vector<16xi32>
      scf.yield %add3A_619 : vector<16xi32>
    }
    %scan3A_6 = arith.constant 32 : i32
    %reduce_sum3A = arith.constant true
    %reduce_sum3A_7 = vector.broadcast %reduce_sum3A : i1 to vector<16xi1>
    %reduce_sum3A_8 = tpu.scan <sum>, %scan3A_5 masked %reduce_sum3A_7 : vector<16xi32>, vector<16xi1> -> vector<16xi32>
    %reduce_sum3A_9 = vector.extract %reduce_sum3A_8[15] : i32 from vector<16xi32>
    %scan3A_10 = arith.constant 0 : i32
    %scan3A_11 = arith.constant 32 : i32
    %scan3A_12 = arith.addi %scan3A_10, %scan3A_11 : i32
    %scan3A_13 = arith.constant 4 : i32
    %scan3A_14 = scf.for %scan3A_584 = %scan3A_10 to %scan3A_12 step %scan3A_13 iter_args(%scan3A_585 = %broadcast_in_dim3A_1) -> (vector<16xi32>)  : i32 {
      %mul3A_586 = arith.constant 16 : i32
      %mul3A_587 = arith.muli %scan3A_584, %mul3A_586 : i32
      %add3A_588 = arith.constant 512 : i32
      %add3A_589 = arith.addi %add3A_588, %mul3A_587 : i32
      %get3A_590 = arith.index_cast %add3A_589 : i32 to index
      %get3A_591 = tpu.vector_load %arg5[%get3A_590] {strides = array<i32>} : memref<10240xi32, #tpu.memory_space<vmem>>, vector<16xi32>,
      %add3A_592 = arith.addi %scan3A_585, %get3A_591 : vector<16xi32>
      %scan3A_593 = arith.constant 1 : i32
      %scan3A_594 = arith.addi %scan3A_584, %scan3A_593 : i32
      %mul3A_595 = arith.constant 16 : i32
      %mul3A_596 = arith.muli %scan3A_594, %mul3A_595 : i32
      %add3A_597 = arith.constant 512 : i32
      %add3A_598 = arith.addi %add3A_597, %mul3A_596 : i32
      %get3A_599 = arith.index_cast %add3A_598 : i32 to index
      %get3A_600 = tpu.vector_load %arg5[%get3A_599] {strides = array<i32>} : memref<10240xi32, #tpu.memory_space<vmem>>, vector<16xi32>,
      %add3A_601 = arith.addi %add3A_592, %get3A_600 : vector<16xi32>
      %scan3A_602 = arith.constant 2 : i32
      %scan3A_603 = arith.addi %scan3A_584, %scan3A_602 : i32
      %mul3A_604 = arith.constant 16 : i32
      %mul3A_605 = arith.muli %scan3A_603, %mul3A_604 : i32
      %add3A_606 = arith.constant 512 : i32
      %add3A_607 = arith.addi %add3A_606, %mul3A_605 : i32
      %get3A_608 = arith.index_cast %add3A_607 : i32 to index
      %get3A_609 = tpu.vector_load %arg5[%get3A_608] {strides = array<i32>} : memref<10240xi32, #tpu.memory_space<vmem>>, vector<16xi32>,
      %add3A_610 = arith.addi %add3A_601, %get3A_609 : vector<16xi32>
      %scan3A_611 = arith.constant 3 : i32
      %scan3A_612 = arith.addi %scan3A_584, %scan3A_611 : i32
      %mul3A_613 = arith.constant 16 : i32
      %mul3A_614 = arith.muli %scan3A_612, %mul3A_613 : i32
      %add3A_615 = arith.constant 512 : i32
      %add3A_616 = arith.addi %add3A_615, %mul3A_614 : i32
      %get3A_617 = arith.index_cast %add3A_616 : i32 to index
      %get3A_618 = tpu.vector_load %arg5[%get3A_617] {strides = array<i32>} : memref<10240xi32, #tpu.memory_space<vmem>>, vector<16xi32>,
      %add3A_619 = arith.addi %add3A_610, %get3A_618 : vector<16xi32>
      scf.yield %add3A_619 : vector<16xi32>
    }
    %scan3A_15 = arith.constant 32 : i32
    %reduce_sum3A_16 = arith.constant true
    %reduce_sum3A_17 = vector.broadcast %reduce_sum3A_16 : i1 to vector<16xi1>
    %reduce_sum3A_18 = tpu.scan <sum>, %scan3A_14 masked %reduce_sum3A_17 : vector<16xi32>, vector<16xi1> -> vector<16xi32>
    %reduce_sum3A_19 = vector.extract %reduce_sum3A_18[15] : i32 from vector<16xi32>
    %scan3A_20 = arith.constant 0 : i32
    %scan3A_21 = arith.constant 32 : i32
    %scan3A_22 = arith.addi %scan3A_20, %scan3A_21 : i32
    %scan3A_23 = arith.constant 4 : i32
    %scan3A_24 = scf.for %scan3A_584 = %scan3A_20 to %scan3A_22 step %scan3A_23 iter_args(%scan3A_585 = %broadcast_in_dim3A_1) -> (vector<16xi32>)  : i32 {
      %mul3A_586 = arith.constant 16 : i32
      %mul3A_587 = arith.muli %scan3A_584, %mul3A_586 : i32
      %add3A_588 = arith.constant 1024 : i32
      %add3A_589 = arith.addi %add3A_588, %mul3A_587 : i32
      %get3A_590 = arith.index_cast %add3A_589 : i32 to index
      %get3A_591 = tpu.vector_load %arg5[%get3A_590] {strides = array<i32>} : memref<10240xi32, #tpu.memory_space<vmem>>, vector<16xi32>,
      %add3A_592 = arith.addi %scan3A_585, %get3A_591 : vector<16xi32>
      %scan3A_593 = arith.constant 1 : i32
      %scan3A_594 = arith.addi %scan3A_584, %scan3A_593 : i32
      %mul3A_595 = arith.constant 16 : i32
      %mul3A_596 = arith.muli %scan3A_594, %mul3A_595 : i32
      %add3A_597 = arith.constant 1024 : i32
      %add3A_598 = arith.addi %add3A_597, %mul3A_596 : i32
      %get3A_599 = arith.index_cast %add3A_598 : i32 to index
      %get3A_600 = tpu.vector_load %arg5[%get3A_599] {strides = array<i32>} : memref<10240xi32, #tpu.memory_space<vmem>>, vector<16xi32>,
      %add3A_601 = arith.addi %add3A_592, %get3A_600 : vector<16xi32>
      %scan3A_602 = arith.constant 2 : i32
      %scan3A_603 = arith.addi %scan3A_584, %scan3A_602 : i32
      %mul3A_604 = arith.constant 16 : i32
      %mul3A_605 = arith.muli %scan3A_603, %mul3A_604 : i32
      %add3A_606 = arith.constant 1024 : i32
      %add3A_607 = arith.addi %add3A_606, %mul3A_605 : i32
      %get3A_608 = arith.index_cast %add3A_607 : i32 to index
      %get3A_609 = tpu.vector_load %arg5[%get3A_608] {strides = array<i32>} : memref<10240xi32, #tpu.memory_space<vmem>>, vector<16xi32>,
      %add3A_610 = arith.addi %add3A_601, %get3A_609 : vector<16xi32>
      %scan3A_611 = arith.constant 3 : i32
      %scan3A_612 = arith.addi %scan3A_584, %scan3A_611 : i32
      %mul3A_613 = arith.constant 16 : i32
      %mul3A_614 = arith.muli %scan3A_612, %mul3A_613 : i32
      %add3A_615 = arith.constant 1024 : i32
      %add3A_616 = arith.addi %add3A_615, %mul3A_614 : i32
      %get3A_617 = arith.index_cast %add3A_616 : i32 to index
      %get3A_618 = tpu.vector_load %arg5[%get3A_617] {strides = array<i32>} : memref<10240xi32, #tpu.memory_space<vmem>>, vector<16xi32>,
      %add3A_619 = arith.addi %add3A_610, %get3A_618 : vector<16xi32>
      scf.yield %add3A_619 : vector<16xi32>
    }
    %scan3A_25 = arith.constant 32 : i32
    %reduce_sum3A_26 = arith.constant true
    %reduce_sum3A_27 = vector.broadcast %reduce_sum3A_26 : i1 to vector<16xi1>
    %reduce_sum3A_28 = tpu.scan <sum>, %scan3A_24 masked %reduce_sum3A_27 : vector<16xi32>, vector<16xi1> -> vector<16xi32>
    %reduce_sum3A_29 = vector.extract %reduce_sum3A_28[15] : i32 from vector<16xi32>
    %scan3A_30 = arith.constant 0 : i32
    %scan3A_31 = arith.constant 32 : i32
    %scan3A_32 = arith.addi %scan3A_30, %scan3A_31 : i32
    %scan3A_33 = arith.constant 4 : i32
    %scan3A_34 = scf.for %scan3A_584 = %scan3A_30 to %scan3A_32 step %scan3A_33 iter_args(%scan3A_585 = %broadcast_in_dim3A_1) -> (vector<16xi32>)  : i32 {
      %mul3A_586 = arith.constant 16 : i32
      %mul3A_587 = arith.muli %scan3A_584, %mul3A_586 : i32
      %add3A_588 = arith.constant 1536 : i32
      %add3A_589 = arith.addi %add3A_588, %mul3A_587 : i32
      %get3A_590 = arith.index_cast %add3A_589 : i32 to index
      %get3A_591 = tpu.vector_load %arg5[%get3A_590] {strides = array<i32>} : memref<10240xi32, #tpu.memory_space<vmem>>, vector<16xi32>,
      %add3A_592 = arith.addi %scan3A_585, %get3A_591 : vector<16xi32>
      %scan3A_593 = arith.constant 1 : i32
      %scan3A_594 = arith.addi %scan3A_584, %scan3A_593 : i32
      %mul3A_595 = arith.constant 16 : i32
      %mul3A_596 = arith.muli %scan3A_594, %mul3A_595 : i32
      %add3A_597 = arith.constant 1536 : i32
      %add3A_598 = arith.addi %add3A_597, %mul3A_596 : i32
      %get3A_599 = arith.index_cast %add3A_598 : i32 to index
      %get3A_600 = tpu.vector_load %arg5[%get3A_599] {strides = array<i32>} : memref<10240xi32, #tpu.memory_space<vmem>>, vector<16xi32>,
      %add3A_601 = arith.addi %add3A_592, %get3A_600 : vector<16xi32>
      %scan3A_602 = arith.constant 2 : i32
      %scan3A_603 = arith.addi %scan3A_584, %scan3A_602 : i32
      %mul3A_604 = arith.constant 16 : i32
      %mul3A_605 = arith.muli %scan3A_603, %mul3A_604 : i32
      %add3A_606 = arith.constant 1536 : i32
      %add3A_607 = arith.addi %add3A_606, %mul3A_605 : i32
      %get3A_608 = arith.index_cast %add3A_607 : i32 to index
      %get3A_609 = tpu.vector_load %arg5[%get3A_608] {strides = array<i32>} : memref<10240xi32, #tpu.memory_space<vmem>>, vector<16xi32>,
      %add3A_610 = arith.addi %add3A_601, %get3A_609 : vector<16xi32>
      %scan3A_611 = arith.constant 3 : i32
      %scan3A_612 = arith.addi %scan3A_584, %scan3A_611 : i32
      %mul3A_613 = arith.constant 16 : i32
      %mul3A_614 = arith.muli %scan3A_612, %mul3A_613 : i32
      %add3A_615 = arith.constant 1536 : i32
      %add3A_616 = arith.addi %add3A_615, %mul3A_614 : i32
      %get3A_617 = arith.index_cast %add3A_616 : i32 to index
      %get3A_618 = tpu.vector_load %arg5[%get3A_617] {strides = array<i32>} : memref<10240xi32, #tpu.memory_space<vmem>>, vector<16xi32>,
      %add3A_619 = arith.addi %add3A_610, %get3A_618 : vector<16xi32>
      scf.yield %add3A_619 : vector<16xi32>
    }
    %scan3A_35 = arith.constant 32 : i32
    %reduce_sum3A_36 = arith.constant true
    %reduce_sum3A_37 = vector.broadcast %reduce_sum3A_36 : i1 to vector<16xi1>
    %reduce_sum3A_38 = tpu.scan <sum>, %scan3A_34 masked %reduce_sum3A_37 : vector<16xi32>, vector<16xi1> -> vector<16xi32>
    %reduce_sum3A_39 = vector.extract %reduce_sum3A_38[15] : i32 from vector<16xi32>
    %scan3A_40 = arith.constant 0 : i32
    %scan3A_41 = arith.constant 32 : i32
    %scan3A_42 = arith.addi %scan3A_40, %scan3A_41 : i32
    %scan3A_43 = arith.constant 4 : i32
    %scan3A_44 = scf.for %scan3A_584 = %scan3A_40 to %scan3A_42 step %scan3A_43 iter_args(%scan3A_585 = %broadcast_in_dim3A_1) -> (vector<16xi32>)  : i32 {
      %mul3A_586 = arith.constant 16 : i32
      %mul3A_587 = arith.muli %scan3A_584, %mul3A_586 : i32
      %add3A_588 = arith.constant 2048 : i32
      %add3A_589 = arith.addi %add3A_588, %mul3A_587 : i32
      %get3A_590 = arith.index_cast %add3A_589 : i32 to index
      %get3A_591 = tpu.vector_load %arg5[%get3A_590] {strides = array<i32>} : memref<10240xi32, #tpu.memory_space<vmem>>, vector<16xi32>,
      %add3A_592 = arith.addi %scan3A_585, %get3A_591 : vector<16xi32>
      %scan3A_593 = arith.constant 1 : i32
      %scan3A_594 = arith.addi %scan3A_584, %scan3A_593 : i32
      %mul3A_595 = arith.constant 16 : i32
      %mul3A_596 = arith.muli %scan3A_594, %mul3A_595 : i32
      %add3A_597 = arith.constant 2048 : i32
      %add3A_598 = arith.addi %add3A_597, %mul3A_596 : i32
      %get3A_599 = arith.index_cast %add3A_598 : i32 to index
      %get3A_600 = tpu.vector_load %arg5[%get3A_599] {strides = array<i32>} : memref<10240xi32, #tpu.memory_space<vmem>>, vector<16xi32>,
      %add3A_601 = arith.addi %add3A_592, %get3A_600 : vector<16xi32>
      %scan3A_602 = arith.constant 2 : i32
      %scan3A_603 = arith.addi %scan3A_584, %scan3A_602 : i32
      %mul3A_604 = arith.constant 16 : i32
      %mul3A_605 = arith.muli %scan3A_603, %mul3A_604 : i32
      %add3A_606 = arith.constant 2048 : i32
      %add3A_607 = arith.addi %add3A_606, %mul3A_605 : i32
      %get3A_608 = arith.index_cast %add3A_607 : i32 to index
      %get3A_609 = tpu.vector_load %arg5[%get3A_608] {strides = array<i32>} : memref<10240xi32, #tpu.memory_space<vmem>>, vector<16xi32>,
      %add3A_610 = arith.addi %add3A_601, %get3A_609 : vector<16xi32>
      %scan3A_611 = arith.constant 3 : i32
      %scan3A_612 = arith.addi %scan3A_584, %scan3A_611 : i32
      %mul3A_613 = arith.constant 16 : i32
      %mul3A_614 = arith.muli %scan3A_612, %mul3A_613 : i32
      %add3A_615 = arith.constant 2048 : i32
      %add3A_616 = arith.addi %add3A_615, %mul3A_614 : i32
      %get3A_617 = arith.index_cast %add3A_616 : i32 to index
      %get3A_618 = tpu.vector_load %arg5[%get3A_617] {strides = array<i32>} : memref<10240xi32, #tpu.memory_space<vmem>>, vector<16xi32>,
      %add3A_619 = arith.addi %add3A_610, %get3A_618 : vector<16xi32>
      scf.yield %add3A_619 : vector<16xi32>
    }
    %scan3A_45 = arith.constant 32 : i32
    %reduce_sum3A_46 = arith.constant true
    %reduce_sum3A_47 = vector.broadcast %reduce_sum3A_46 : i1 to vector<16xi1>
    %reduce_sum3A_48 = tpu.scan <sum>, %scan3A_44 masked %reduce_sum3A_47 : vector<16xi32>, vector<16xi1> -> vector<16xi32>
    %reduce_sum3A_49 = vector.extract %reduce_sum3A_48[15] : i32 from vector<16xi32>
    %scan3A_50 = arith.constant 0 : i32
    %scan3A_51 = arith.constant 32 : i32
    %scan3A_52 = arith.addi %scan3A_50, %scan3A_51 : i32
    %scan3A_53 = arith.constant 4 : i32
    %scan3A_54 = scf.for %scan3A_584 = %scan3A_50 to %scan3A_52 step %scan3A_53 iter_args(%scan3A_585 = %broadcast_in_dim3A_1) -> (vector<16xi32>)  : i32 {
      %mul3A_586 = arith.constant 16 : i32
      %mul3A_587 = arith.muli %scan3A_584, %mul3A_586 : i32
      %add3A_588 = arith.constant 2560 : i32
      %add3A_589 = arith.addi %add3A_588, %mul3A_587 : i32
      %get3A_590 = arith.index_cast %add3A_589 : i32 to index
      %get3A_591 = tpu.vector_load %arg5[%get3A_590] {strides = array<i32>} : memref<10240xi32, #tpu.memory_space<vmem>>, vector<16xi32>,
      %add3A_592 = arith.addi %scan3A_585, %get3A_591 : vector<16xi32>
      %scan3A_593 = arith.constant 1 : i32
      %scan3A_594 = arith.addi %scan3A_584, %scan3A_593 : i32
      %mul3A_595 = arith.constant 16 : i32
      %mul3A_596 = arith.muli %scan3A_594, %mul3A_595 : i32
      %add3A_597 = arith.constant 2560 : i32
      %add3A_598 = arith.addi %add3A_597, %mul3A_596 : i32
      %get3A_599 = arith.index_cast %add3A_598 : i32 to index
      %get3A_600 = tpu.vector_load %arg5[%get3A_599] {strides = array<i32>} : memref<10240xi32, #tpu.memory_space<vmem>>, vector<16xi32>,
      %add3A_601 = arith.addi %add3A_592, %get3A_600 : vector<16xi32>
      %scan3A_602 = arith.constant 2 : i32
      %scan3A_603 = arith.addi %scan3A_584, %scan3A_602 : i32
      %mul3A_604 = arith.constant 16 : i32
      %mul3A_605 = arith.muli %scan3A_603, %mul3A_604 : i32
      %add3A_606 = arith.constant 2560 : i32
      %add3A_607 = arith.addi %add3A_606, %mul3A_605 : i32
      %get3A_608 = arith.index_cast %add3A_607 : i32 to index
      %get3A_609 = tpu.vector_load %arg5[%get3A_608] {strides = array<i32>} : memref<10240xi32, #tpu.memory_space<vmem>>, vector<16xi32>,
      %add3A_610 = arith.addi %add3A_601, %get3A_609 : vector<16xi32>
      %scan3A_611 = arith.constant 3 : i32
      %scan3A_612 = arith.addi %scan3A_584, %scan3A_611 : i32
      %mul3A_613 = arith.constant 16 : i32
      %mul3A_614 = arith.muli %scan3A_612, %mul3A_613 : i32
      %add3A_615 = arith.constant 2560 : i32
      %add3A_616 = arith.addi %add3A_615, %mul3A_614 : i32
      %get3A_617 = arith.index_cast %add3A_616 : i32 to index
      %get3A_618 = tpu.vector_load %arg5[%get3A_617] {strides = array<i32>} : memref<10240xi32, #tpu.memory_space<vmem>>, vector<16xi32>,
      %add3A_619 = arith.addi %add3A_610, %get3A_618 : vector<16xi32>
      scf.yield %add3A_619 : vector<16xi32>
    }
    %scan3A_55 = arith.constant 32 : i32
    %reduce_sum3A_56 = arith.constant true
    %reduce_sum3A_57 = vector.broadcast %reduce_sum3A_56 : i1 to vector<16xi1>
    %reduce_sum3A_58 = tpu.scan <sum>, %scan3A_54 masked %reduce_sum3A_57 : vector<16xi32>, vector<16xi1> -> vector<16xi32>
    %reduce_sum3A_59 = vector.extract %reduce_sum3A_58[15] : i32 from vector<16xi32>
    %scan3A_60 = arith.constant 0 : i32
    %scan3A_61 = arith.constant 32 : i32
    %scan3A_62 = arith.addi %scan3A_60, %scan3A_61 : i32
    %scan3A_63 = arith.constant 4 : i32
    %scan3A_64 = scf.for %scan3A_584 = %scan3A_60 to %scan3A_62 step %scan3A_63 iter_args(%scan3A_585 = %broadcast_in_dim3A_1) -> (vector<16xi32>)  : i32 {
      %mul3A_586 = arith.constant 16 : i32
      %mul3A_587 = arith.muli %scan3A_584, %mul3A_586 : i32
      %add3A_588 = arith.constant 3072 : i32
      %add3A_589 = arith.addi %add3A_588, %mul3A_587 : i32
      %get3A_590 = arith.index_cast %add3A_589 : i32 to index
      %get3A_591 = tpu.vector_load %arg5[%get3A_590] {strides = array<i32>} : memref<10240xi32, #tpu.memory_space<vmem>>, vector<16xi32>,
      %add3A_592 = arith.addi %scan3A_585, %get3A_591 : vector<16xi32>
      %scan3A_593 = arith.constant 1 : i32
      %scan3A_594 = arith.addi %scan3A_584, %scan3A_593 : i32
      %mul3A_595 = arith.constant 16 : i32
      %mul3A_596 = arith.muli %scan3A_594, %mul3A_595 : i32
      %add3A_597 = arith.constant 3072 : i32
      %add3A_598 = arith.addi %add3A_597, %mul3A_596 : i32
      %get3A_599 = arith.index_cast %add3A_598 : i32 to index
      %get3A_600 = tpu.vector_load %arg5[%get3A_599] {strides = array<i32>} : memref<10240xi32, #tpu.memory_space<vmem>>, vector<16xi32>,
      %add3A_601 = arith.addi %add3A_592, %get3A_600 : vector<16xi32>
      %scan3A_602 = arith.constant 2 : i32
      %scan3A_603 = arith.addi %scan3A_584, %scan3A_602 : i32
      %mul3A_604 = arith.constant 16 : i32
      %mul3A_605 = arith.muli %scan3A_603, %mul3A_604 : i32
      %add3A_606 = arith.constant 3072 : i32
      %add3A_607 = arith.addi %add3A_606, %mul3A_605 : i32
      %get3A_608 = arith.index_cast %add3A_607 : i32 to index
      %get3A_609 = tpu.vector_load %arg5[%get3A_608] {strides = array<i32>} : memref<10240xi32, #tpu.memory_space<vmem>>, vector<16xi32>,
      %add3A_610 = arith.addi %add3A_601, %get3A_609 : vector<16xi32>
      %scan3A_611 = arith.constant 3 : i32
      %scan3A_612 = arith.addi %scan3A_584, %scan3A_611 : i32
      %mul3A_613 = arith.constant 16 : i32
      %mul3A_614 = arith.muli %scan3A_612, %mul3A_613 : i32
      %add3A_615 = arith.constant 3072 : i32
      %add3A_616 = arith.addi %add3A_615, %mul3A_614 : i32
      %get3A_617 = arith.index_cast %add3A_616 : i32 to index
      %get3A_618 = tpu.vector_load %arg5[%get3A_617] {strides = array<i32>} : memref<10240xi32, #tpu.memory_space<vmem>>, vector<16xi32>,
      %add3A_619 = arith.addi %add3A_610, %get3A_618 : vector<16xi32>
      scf.yield %add3A_619 : vector<16xi32>
    }
    %scan3A_65 = arith.constant 32 : i32
    %reduce_sum3A_66 = arith.constant true
    %reduce_sum3A_67 = vector.broadcast %reduce_sum3A_66 : i1 to vector<16xi1>
    %reduce_sum3A_68 = tpu.scan <sum>, %scan3A_64 masked %reduce_sum3A_67 : vector<16xi32>, vector<16xi1> -> vector<16xi32>
    %reduce_sum3A_69 = vector.extract %reduce_sum3A_68[15] : i32 from vector<16xi32>
    %scan3A_70 = arith.constant 0 : i32
    %scan3A_71 = arith.constant 32 : i32
    %scan3A_72 = arith.addi %scan3A_70, %scan3A_71 : i32
    %scan3A_73 = arith.constant 4 : i32
    %scan3A_74 = scf.for %scan3A_584 = %scan3A_70 to %scan3A_72 step %scan3A_73 iter_args(%scan3A_585 = %broadcast_in_dim3A_1) -> (vector<16xi32>)  : i32 {
      %mul3A_586 = arith.constant 16 : i32
      %mul3A_587 = arith.muli %scan3A_584, %mul3A_586 : i32
      %add3A_588 = arith.constant 3584 : i32
      %add3A_589 = arith.addi %add3A_588, %mul3A_587 : i32
      %get3A_590 = arith.index_cast %add3A_589 : i32 to index
      %get3A_591 = tpu.vector_load %arg5[%get3A_590] {strides = array<i32>} : memref<10240xi32, #tpu.memory_space<vmem>>, vector<16xi32>,
      %add3A_592 = arith.addi %scan3A_585, %get3A_591 : vector<16xi32>
      %scan3A_593 = arith.constant 1 : i32
      %scan3A_594 = arith.addi %scan3A_584, %scan3A_593 : i32
      %mul3A_595 = arith.constant 16 : i32
      %mul3A_596 = arith.muli %scan3A_594, %mul3A_595 : i32
      %add3A_597 = arith.constant 3584 : i32
      %add3A_598 = arith.addi %add3A_597, %mul3A_596 : i32
      %get3A_599 = arith.index_cast %add3A_598 : i32 to index
      %get3A_600 = tpu.vector_load %arg5[%get3A_599] {strides = array<i32>} : memref<10240xi32, #tpu.memory_space<vmem>>, vector<16xi32>,
      %add3A_601 = arith.addi %add3A_592, %get3A_600 : vector<16xi32>
      %scan3A_602 = arith.constant 2 : i32
      %scan3A_603 = arith.addi %scan3A_584, %scan3A_602 : i32
      %mul3A_604 = arith.constant 16 : i32
      %mul3A_605 = arith.muli %scan3A_603, %mul3A_604 : i32
      %add3A_606 = arith.constant 3584 : i32
      %add3A_607 = arith.addi %add3A_606, %mul3A_605 : i32
      %get3A_608 = arith.index_cast %add3A_607 : i32 to index
      %get3A_609 = tpu.vector_load %arg5[%get3A_608] {strides = array<i32>} : memref<10240xi32, #tpu.memory_space<vmem>>, vector<16xi32>,
      %add3A_610 = arith.addi %add3A_601, %get3A_609 : vector<16xi32>
      %scan3A_611 = arith.constant 3 : i32
      %scan3A_612 = arith.addi %scan3A_584, %scan3A_611 : i32
      %mul3A_613 = arith.constant 16 : i32
      %mul3A_614 = arith.muli %scan3A_612, %mul3A_613 : i32
      %add3A_615 = arith.constant 3584 : i32
      %add3A_616 = arith.addi %add3A_615, %mul3A_614 : i32
      %get3A_617 = arith.index_cast %add3A_616 : i32 to index
      %get3A_618 = tpu.vector_load %arg5[%get3A_617] {strides = array<i32>} : memref<10240xi32, #tpu.memory_space<vmem>>, vector<16xi32>,
      %add3A_619 = arith.addi %add3A_610, %get3A_618 : vector<16xi32>
      scf.yield %add3A_619 : vector<16xi32>
    }
    %scan3A_75 = arith.constant 32 : i32
    %reduce_sum3A_76 = arith.constant true
    %reduce_sum3A_77 = vector.broadcast %reduce_sum3A_76 : i1 to vector<16xi1>
    %reduce_sum3A_78 = tpu.scan <sum>, %scan3A_74 masked %reduce_sum3A_77 : vector<16xi32>, vector<16xi1> -> vector<16xi32>
    %reduce_sum3A_79 = vector.extract %reduce_sum3A_78[15] : i32 from vector<16xi32>
    %scan3A_80 = arith.constant 0 : i32
    %scan3A_81 = arith.constant 32 : i32
    %scan3A_82 = arith.addi %scan3A_80, %scan3A_81 : i32
    %scan3A_83 = arith.constant 4 : i32
    %scan3A_84 = scf.for %scan3A_584 = %scan3A_80 to %scan3A_82 step %scan3A_83 iter_args(%scan3A_585 = %broadcast_in_dim3A_1) -> (vector<16xi32>)  : i32 {
      %mul3A_586 = arith.constant 16 : i32
      %mul3A_587 = arith.muli %scan3A_584, %mul3A_586 : i32
      %add3A_588 = arith.constant 4096 : i32
      %add3A_589 = arith.addi %add3A_588, %mul3A_587 : i32
      %get3A_590 = arith.index_cast %add3A_589 : i32 to index
      %get3A_591 = tpu.vector_load %arg5[%get3A_590] {strides = array<i32>} : memref<10240xi32, #tpu.memory_space<vmem>>, vector<16xi32>,
      %add3A_592 = arith.addi %scan3A_585, %get3A_591 : vector<16xi32>
      %scan3A_593 = arith.constant 1 : i32
      %scan3A_594 = arith.addi %scan3A_584, %scan3A_593 : i32
      %mul3A_595 = arith.constant 16 : i32
      %mul3A_596 = arith.muli %scan3A_594, %mul3A_595 : i32
      %add3A_597 = arith.constant 4096 : i32
      %add3A_598 = arith.addi %add3A_597, %mul3A_596 : i32
      %get3A_599 = arith.index_cast %add3A_598 : i32 to index
      %get3A_600 = tpu.vector_load %arg5[%get3A_599] {strides = array<i32>} : memref<10240xi32, #tpu.memory_space<vmem>>, vector<16xi32>,
      %add3A_601 = arith.addi %add3A_592, %get3A_600 : vector<16xi32>
      %scan3A_602 = arith.constant 2 : i32
      %scan3A_603 = arith.addi %scan3A_584, %scan3A_602 : i32
      %mul3A_604 = arith.constant 16 : i32
      %mul3A_605 = arith.muli %scan3A_603, %mul3A_604 : i32
      %add3A_606 = arith.constant 4096 : i32
      %add3A_607 = arith.addi %add3A_606, %mul3A_605 : i32
      %get3A_608 = arith.index_cast %add3A_607 : i32 to index
      %get3A_609 = tpu.vector_load %arg5[%get3A_608] {strides = array<i32>} : memref<10240xi32, #tpu.memory_space<vmem>>, vector<16xi32>,
      %add3A_610 = arith.addi %add3A_601, %get3A_609 : vector<16xi32>
      %scan3A_611 = arith.constant 3 : i32
      %scan3A_612 = arith.addi %scan3A_584, %scan3A_611 : i32
      %mul3A_613 = arith.constant 16 : i32
      %mul3A_614 = arith.muli %scan3A_612, %mul3A_613 : i32
      %add3A_615 = arith.constant 4096 : i32
      %add3A_616 = arith.addi %add3A_615, %mul3A_614 : i32
      %get3A_617 = arith.index_cast %add3A_616 : i32 to index
      %get3A_618 = tpu.vector_load %arg5[%get3A_617] {strides = array<i32>} : memref<10240xi32, #tpu.memory_space<vmem>>, vector<16xi32>,
      %add3A_619 = arith.addi %add3A_610, %get3A_618 : vector<16xi32>
      scf.yield %add3A_619 : vector<16xi32>
    }
    %scan3A_85 = arith.constant 32 : i32
    %reduce_sum3A_86 = arith.constant true
    %reduce_sum3A_87 = vector.broadcast %reduce_sum3A_86 : i1 to vector<16xi1>
    %reduce_sum3A_88 = tpu.scan <sum>, %scan3A_84 masked %reduce_sum3A_87 : vector<16xi32>, vector<16xi1> -> vector<16xi32>
    %reduce_sum3A_89 = vector.extract %reduce_sum3A_88[15] : i32 from vector<16xi32>
    %scan3A_90 = arith.constant 0 : i32
    %scan3A_91 = arith.constant 32 : i32
    %scan3A_92 = arith.addi %scan3A_90, %scan3A_91 : i32
    %scan3A_93 = arith.constant 4 : i32
    %scan3A_94 = scf.for %scan3A_584 = %scan3A_90 to %scan3A_92 step %scan3A_93 iter_args(%scan3A_585 = %broadcast_in_dim3A_1) -> (vector<16xi32>)  : i32 {
      %mul3A_586 = arith.constant 16 : i32
      %mul3A_587 = arith.muli %scan3A_584, %mul3A_586 : i32
      %add3A_588 = arith.constant 4608 : i32
      %add3A_589 = arith.addi %add3A_588, %mul3A_587 : i32
      %get3A_590 = arith.index_cast %add3A_589 : i32 to index
      %get3A_591 = tpu.vector_load %arg5[%get3A_590] {strides = array<i32>} : memref<10240xi32, #tpu.memory_space<vmem>>, vector<16xi32>,
      %add3A_592 = arith.addi %scan3A_585, %get3A_591 : vector<16xi32>
      %scan3A_593 = arith.constant 1 : i32
      %scan3A_594 = arith.addi %scan3A_584, %scan3A_593 : i32
      %mul3A_595 = arith.constant 16 : i32
      %mul3A_596 = arith.muli %scan3A_594, %mul3A_595 : i32
      %add3A_597 = arith.constant 4608 : i32
      %add3A_598 = arith.addi %add3A_597, %mul3A_596 : i32
      %get3A_599 = arith.index_cast %add3A_598 : i32 to index
      %get3A_600 = tpu.vector_load %arg5[%get3A_599] {strides = array<i32>} : memref<10240xi32, #tpu.memory_space<vmem>>, vector<16xi32>,
      %add3A_601 = arith.addi %add3A_592, %get3A_600 : vector<16xi32>
      %scan3A_602 = arith.constant 2 : i32
      %scan3A_603 = arith.addi %scan3A_584, %scan3A_602 : i32
      %mul3A_604 = arith.constant 16 : i32
      %mul3A_605 = arith.muli %scan3A_603, %mul3A_604 : i32
      %add3A_606 = arith.constant 4608 : i32
      %add3A_607 = arith.addi %add3A_606, %mul3A_605 : i32
      %get3A_608 = arith.index_cast %add3A_607 : i32 to index
      %get3A_609 = tpu.vector_load %arg5[%get3A_608] {strides = array<i32>} : memref<10240xi32, #tpu.memory_space<vmem>>, vector<16xi32>,
      %add3A_610 = arith.addi %add3A_601, %get3A_609 : vector<16xi32>
      %scan3A_611 = arith.constant 3 : i32
      %scan3A_612 = arith.addi %scan3A_584, %scan3A_611 : i32
      %mul3A_613 = arith.constant 16 : i32
      %mul3A_614 = arith.muli %scan3A_612, %mul3A_613 : i32
      %add3A_615 = arith.constant 4608 : i32
      %add3A_616 = arith.addi %add3A_615, %mul3A_614 : i32
      %get3A_617 = arith.index_cast %add3A_616 : i32 to index
      %get3A_618 = tpu.vector_load %arg5[%get3A_617] {strides = array<i32>} : memref<10240xi32, #tpu.memory_space<vmem>>, vector<16xi32>,
      %add3A_619 = arith.addi %add3A_610, %get3A_618 : vector<16xi32>
      scf.yield %add3A_619 : vector<16xi32>
    }
    %scan3A_95 = arith.constant 32 : i32
    %reduce_sum3A_96 = arith.constant true
    %reduce_sum3A_97 = vector.broadcast %reduce_sum3A_96 : i1 to vector<16xi1>
    %reduce_sum3A_98 = tpu.scan <sum>, %scan3A_94 masked %reduce_sum3A_97 : vector<16xi32>, vector<16xi1> -> vector<16xi32>
    %reduce_sum3A_99 = vector.extract %reduce_sum3A_98[15] : i32 from vector<16xi32>
    %scan3A_100 = arith.constant 0 : i32
    %scan3A_101 = arith.constant 32 : i32
    %scan3A_102 = arith.addi %scan3A_100, %scan3A_101 : i32
    %scan3A_103 = arith.constant 4 : i32
    %scan3A_104 = scf.for %scan3A_584 = %scan3A_100 to %scan3A_102 step %scan3A_103 iter_args(%scan3A_585 = %broadcast_in_dim3A_1) -> (vector<16xi32>)  : i32 {
      %mul3A_586 = arith.constant 16 : i32
      %mul3A_587 = arith.muli %scan3A_584, %mul3A_586 : i32
      %add3A_588 = arith.constant 5120 : i32
      %add3A_589 = arith.addi %add3A_588, %mul3A_587 : i32
      %get3A_590 = arith.index_cast %add3A_589 : i32 to index
      %get3A_591 = tpu.vector_load %arg5[%get3A_590] {strides = array<i32>} : memref<10240xi32, #tpu.memory_space<vmem>>, vector<16xi32>,
      %add3A_592 = arith.addi %scan3A_585, %get3A_591 : vector<16xi32>
      %scan3A_593 = arith.constant 1 : i32
      %scan3A_594 = arith.addi %scan3A_584, %scan3A_593 : i32
      %mul3A_595 = arith.constant 16 : i32
      %mul3A_596 = arith.muli %scan3A_594, %mul3A_595 : i32
      %add3A_597 = arith.constant 5120 : i32
      %add3A_598 = arith.addi %add3A_597, %mul3A_596 : i32
      %get3A_599 = arith.index_cast %add3A_598 : i32 to index
      %get3A_600 = tpu.vector_load %arg5[%get3A_599] {strides = array<i32>} : memref<10240xi32, #tpu.memory_space<vmem>>, vector<16xi32>,
      %add3A_601 = arith.addi %add3A_592, %get3A_600 : vector<16xi32>
      %scan3A_602 = arith.constant 2 : i32
      %scan3A_603 = arith.addi %scan3A_584, %scan3A_602 : i32
      %mul3A_604 = arith.constant 16 : i32
      %mul3A_605 = arith.muli %scan3A_603, %mul3A_604 : i32
      %add3A_606 = arith.constant 5120 : i32
      %add3A_607 = arith.addi %add3A_606, %mul3A_605 : i32
      %get3A_608 = arith.index_cast %add3A_607 : i32 to index
      %get3A_609 = tpu.vector_load %arg5[%get3A_608] {strides = array<i32>} : memref<10240xi32, #tpu.memory_space<vmem>>, vector<16xi32>,
      %add3A_610 = arith.addi %add3A_601, %get3A_609 : vector<16xi32>
      %scan3A_611 = arith.constant 3 : i32
      %scan3A_612 = arith.addi %scan3A_584, %scan3A_611 : i32
      %mul3A_613 = arith.constant 16 : i32
      %mul3A_614 = arith.muli %scan3A_612, %mul3A_613 : i32
      %add3A_615 = arith.constant 5120 : i32
      %add3A_616 = arith.addi %add3A_615, %mul3A_614 : i32
      %get3A_617 = arith.index_cast %add3A_616 : i32 to index
      %get3A_618 = tpu.vector_load %arg5[%get3A_617] {strides = array<i32>} : memref<10240xi32, #tpu.memory_space<vmem>>, vector<16xi32>,
      %add3A_619 = arith.addi %add3A_610, %get3A_618 : vector<16xi32>
      scf.yield %add3A_619 : vector<16xi32>
    }
    %scan3A_105 = arith.constant 32 : i32
    %reduce_sum3A_106 = arith.constant true
    %reduce_sum3A_107 = vector.broadcast %reduce_sum3A_106 : i1 to vector<16xi1>
    %reduce_sum3A_108 = tpu.scan <sum>, %scan3A_104 masked %reduce_sum3A_107 : vector<16xi32>, vector<16xi1> -> vector<16xi32>
    %reduce_sum3A_109 = vector.extract %reduce_sum3A_108[15] : i32 from vector<16xi32>
    %scan3A_110 = arith.constant 0 : i32
    %scan3A_111 = arith.constant 32 : i32
    %scan3A_112 = arith.addi %scan3A_110, %scan3A_111 : i32
    %scan3A_113 = arith.constant 4 : i32
    %scan3A_114 = scf.for %scan3A_584 = %scan3A_110 to %scan3A_112 step %scan3A_113 iter_args(%scan3A_585 = %broadcast_in_dim3A_1) -> (vector<16xi32>)  : i32 {
      %mul3A_586 = arith.constant 16 : i32
      %mul3A_587 = arith.muli %scan3A_584, %mul3A_586 : i32
      %add3A_588 = arith.constant 5632 : i32
      %add3A_589 = arith.addi %add3A_588, %mul3A_587 : i32
      %get3A_590 = arith.index_cast %add3A_589 : i32 to index
      %get3A_591 = tpu.vector_load %arg5[%get3A_590] {strides = array<i32>} : memref<10240xi32, #tpu.memory_space<vmem>>, vector<16xi32>,
      %add3A_592 = arith.addi %scan3A_585, %get3A_591 : vector<16xi32>
      %scan3A_593 = arith.constant 1 : i32
      %scan3A_594 = arith.addi %scan3A_584, %scan3A_593 : i32
      %mul3A_595 = arith.constant 16 : i32
      %mul3A_596 = arith.muli %scan3A_594, %mul3A_595 : i32
      %add3A_597 = arith.constant 5632 : i32
      %add3A_598 = arith.addi %add3A_597, %mul3A_596 : i32
      %get3A_599 = arith.index_cast %add3A_598 : i32 to index
      %get3A_600 = tpu.vector_load %arg5[%get3A_599] {strides = array<i32>} : memref<10240xi32, #tpu.memory_space<vmem>>, vector<16xi32>,
      %add3A_601 = arith.addi %add3A_592, %get3A_600 : vector<16xi32>
      %scan3A_602 = arith.constant 2 : i32
      %scan3A_603 = arith.addi %scan3A_584, %scan3A_602 : i32
      %mul3A_604 = arith.constant 16 : i32
      %mul3A_605 = arith.muli %scan3A_603, %mul3A_604 : i32
      %add3A_606 = arith.constant 5632 : i32
      %add3A_607 = arith.addi %add3A_606, %mul3A_605 : i32
      %get3A_608 = arith.index_cast %add3A_607 : i32 to index
      %get3A_609 = tpu.vector_load %arg5[%get3A_608] {strides = array<i32>} : memref<10240xi32, #tpu.memory_space<vmem>>, vector<16xi32>,
      %add3A_610 = arith.addi %add3A_601, %get3A_609 : vector<16xi32>
      %scan3A_611 = arith.constant 3 : i32
      %scan3A_612 = arith.addi %scan3A_584, %scan3A_611 : i32
      %mul3A_613 = arith.constant 16 : i32
      %mul3A_614 = arith.muli %scan3A_612, %mul3A_613 : i32
      %add3A_615 = arith.constant 5632 : i32
      %add3A_616 = arith.addi %add3A_615, %mul3A_614 : i32
      %get3A_617 = arith.index_cast %add3A_616 : i32 to index
      %get3A_618 = tpu.vector_load %arg5[%get3A_617] {strides = array<i32>} : memref<10240xi32, #tpu.memory_space<vmem>>, vector<16xi32>,
      %add3A_619 = arith.addi %add3A_610, %get3A_618 : vector<16xi32>
      scf.yield %add3A_619 : vector<16xi32>
    }
    %scan3A_115 = arith.constant 32 : i32
    %reduce_sum3A_116 = arith.constant true
    %reduce_sum3A_117 = vector.broadcast %reduce_sum3A_116 : i1 to vector<16xi1>
    %reduce_sum3A_118 = tpu.scan <sum>, %scan3A_114 masked %reduce_sum3A_117 : vector<16xi32>, vector<16xi1> -> vector<16xi32>
    %reduce_sum3A_119 = vector.extract %reduce_sum3A_118[15] : i32 from vector<16xi32>
    %scan3A_120 = arith.constant 0 : i32
    %scan3A_121 = arith.constant 32 : i32
    %scan3A_122 = arith.addi %scan3A_120, %scan3A_121 : i32
    %scan3A_123 = arith.constant 4 : i32
    %scan3A_124 = scf.for %scan3A_584 = %scan3A_120 to %scan3A_122 step %scan3A_123 iter_args(%scan3A_585 = %broadcast_in_dim3A_1) -> (vector<16xi32>)  : i32 {
      %mul3A_586 = arith.constant 16 : i32
      %mul3A_587 = arith.muli %scan3A_584, %mul3A_586 : i32
      %add3A_588 = arith.constant 6144 : i32
      %add3A_589 = arith.addi %add3A_588, %mul3A_587 : i32
      %get3A_590 = arith.index_cast %add3A_589 : i32 to index
      %get3A_591 = tpu.vector_load %arg5[%get3A_590] {strides = array<i32>} : memref<10240xi32, #tpu.memory_space<vmem>>, vector<16xi32>,
      %add3A_592 = arith.addi %scan3A_585, %get3A_591 : vector<16xi32>
      %scan3A_593 = arith.constant 1 : i32
      %scan3A_594 = arith.addi %scan3A_584, %scan3A_593 : i32
      %mul3A_595 = arith.constant 16 : i32
      %mul3A_596 = arith.muli %scan3A_594, %mul3A_595 : i32
      %add3A_597 = arith.constant 6144 : i32
      %add3A_598 = arith.addi %add3A_597, %mul3A_596 : i32
      %get3A_599 = arith.index_cast %add3A_598 : i32 to index
      %get3A_600 = tpu.vector_load %arg5[%get3A_599] {strides = array<i32>} : memref<10240xi32, #tpu.memory_space<vmem>>, vector<16xi32>,
      %add3A_601 = arith.addi %add3A_592, %get3A_600 : vector<16xi32>
      %scan3A_602 = arith.constant 2 : i32
      %scan3A_603 = arith.addi %scan3A_584, %scan3A_602 : i32
      %mul3A_604 = arith.constant 16 : i32
      %mul3A_605 = arith.muli %scan3A_603, %mul3A_604 : i32
      %add3A_606 = arith.constant 6144 : i32
      %add3A_607 = arith.addi %add3A_606, %mul3A_605 : i32
      %get3A_608 = arith.index_cast %add3A_607 : i32 to index
      %get3A_609 = tpu.vector_load %arg5[%get3A_608] {strides = array<i32>} : memref<10240xi32, #tpu.memory_space<vmem>>, vector<16xi32>,
      %add3A_610 = arith.addi %add3A_601, %get3A_609 : vector<16xi32>
      %scan3A_611 = arith.constant 3 : i32
      %scan3A_612 = arith.addi %scan3A_584, %scan3A_611 : i32
      %mul3A_613 = arith.constant 16 : i32
      %mul3A_614 = arith.muli %scan3A_612, %mul3A_613 : i32
      %add3A_615 = arith.constant 6144 : i32
      %add3A_616 = arith.addi %add3A_615, %mul3A_614 : i32
      %get3A_617 = arith.index_cast %add3A_616 : i32 to index
      %get3A_618 = tpu.vector_load %arg5[%get3A_617] {strides = array<i32>} : memref<10240xi32, #tpu.memory_space<vmem>>, vector<16xi32>,
      %add3A_619 = arith.addi %add3A_610, %get3A_618 : vector<16xi32>
      scf.yield %add3A_619 : vector<16xi32>
    }
    %scan3A_125 = arith.constant 32 : i32
    %reduce_sum3A_126 = arith.constant true
    %reduce_sum3A_127 = vector.broadcast %reduce_sum3A_126 : i1 to vector<16xi1>
    %reduce_sum3A_128 = tpu.scan <sum>, %scan3A_124 masked %reduce_sum3A_127 : vector<16xi32>, vector<16xi1> -> vector<16xi32>
    %reduce_sum3A_129 = vector.extract %reduce_sum3A_128[15] : i32 from vector<16xi32>
    %scan3A_130 = arith.constant 0 : i32
    %scan3A_131 = arith.constant 32 : i32
    %scan3A_132 = arith.addi %scan3A_130, %scan3A_131 : i32
    %scan3A_133 = arith.constant 4 : i32
    %scan3A_134 = scf.for %scan3A_584 = %scan3A_130 to %scan3A_132 step %scan3A_133 iter_args(%scan3A_585 = %broadcast_in_dim3A_1) -> (vector<16xi32>)  : i32 {
      %mul3A_586 = arith.constant 16 : i32
      %mul3A_587 = arith.muli %scan3A_584, %mul3A_586 : i32
      %add3A_588 = arith.constant 6656 : i32
      %add3A_589 = arith.addi %add3A_588, %mul3A_587 : i32
      %get3A_590 = arith.index_cast %add3A_589 : i32 to index
      %get3A_591 = tpu.vector_load %arg5[%get3A_590] {strides = array<i32>} : memref<10240xi32, #tpu.memory_space<vmem>>, vector<16xi32>,
      %add3A_592 = arith.addi %scan3A_585, %get3A_591 : vector<16xi32>
      %scan3A_593 = arith.constant 1 : i32
      %scan3A_594 = arith.addi %scan3A_584, %scan3A_593 : i32
      %mul3A_595 = arith.constant 16 : i32
      %mul3A_596 = arith.muli %scan3A_594, %mul3A_595 : i32
      %add3A_597 = arith.constant 6656 : i32
      %add3A_598 = arith.addi %add3A_597, %mul3A_596 : i32
      %get3A_599 = arith.index_cast %add3A_598 : i32 to index
      %get3A_600 = tpu.vector_load %arg5[%get3A_599] {strides = array<i32>} : memref<10240xi32, #tpu.memory_space<vmem>>, vector<16xi32>,
      %add3A_601 = arith.addi %add3A_592, %get3A_600 : vector<16xi32>
      %scan3A_602 = arith.constant 2 : i32
      %scan3A_603 = arith.addi %scan3A_584, %scan3A_602 : i32
      %mul3A_604 = arith.constant 16 : i32
      %mul3A_605 = arith.muli %scan3A_603, %mul3A_604 : i32
      %add3A_606 = arith.constant 6656 : i32
      %add3A_607 = arith.addi %add3A_606, %mul3A_605 : i32
      %get3A_608 = arith.index_cast %add3A_607 : i32 to index
      %get3A_609 = tpu.vector_load %arg5[%get3A_608] {strides = array<i32>} : memref<10240xi32, #tpu.memory_space<vmem>>, vector<16xi32>,
      %add3A_610 = arith.addi %add3A_601, %get3A_609 : vector<16xi32>
      %scan3A_611 = arith.constant 3 : i32
      %scan3A_612 = arith.addi %scan3A_584, %scan3A_611 : i32
      %mul3A_613 = arith.constant 16 : i32
      %mul3A_614 = arith.muli %scan3A_612, %mul3A_613 : i32
      %add3A_615 = arith.constant 6656 : i32
      %add3A_616 = arith.addi %add3A_615, %mul3A_614 : i32
      %get3A_617 = arith.index_cast %add3A_616 : i32 to index
      %get3A_618 = tpu.vector_load %arg5[%get3A_617] {strides = array<i32>} : memref<10240xi32, #tpu.memory_space<vmem>>, vector<16xi32>,
      %add3A_619 = arith.addi %add3A_610, %get3A_618 : vector<16xi32>
      scf.yield %add3A_619 : vector<16xi32>
    }
    %scan3A_135 = arith.constant 32 : i32
    %reduce_sum3A_136 = arith.constant true
    %reduce_sum3A_137 = vector.broadcast %reduce_sum3A_136 : i1 to vector<16xi1>
    %reduce_sum3A_138 = tpu.scan <sum>, %scan3A_134 masked %reduce_sum3A_137 : vector<16xi32>, vector<16xi1> -> vector<16xi32>
    %reduce_sum3A_139 = vector.extract %reduce_sum3A_138[15] : i32 from vector<16xi32>
    %scan3A_140 = arith.constant 0 : i32
    %scan3A_141 = arith.constant 32 : i32
    %scan3A_142 = arith.addi %scan3A_140, %scan3A_141 : i32
    %scan3A_143 = arith.constant 4 : i32
    %scan3A_144 = scf.for %scan3A_584 = %scan3A_140 to %scan3A_142 step %scan3A_143 iter_args(%scan3A_585 = %broadcast_in_dim3A_1) -> (vector<16xi32>)  : i32 {
      %mul3A_586 = arith.constant 16 : i32
      %mul3A_587 = arith.muli %scan3A_584, %mul3A_586 : i32
      %add3A_588 = arith.constant 7168 : i32
      %add3A_589 = arith.addi %add3A_588, %mul3A_587 : i32
      %get3A_590 = arith.index_cast %add3A_589 : i32 to index
      %get3A_591 = tpu.vector_load %arg5[%get3A_590] {strides = array<i32>} : memref<10240xi32, #tpu.memory_space<vmem>>, vector<16xi32>,
      %add3A_592 = arith.addi %scan3A_585, %get3A_591 : vector<16xi32>
      %scan3A_593 = arith.constant 1 : i32
      %scan3A_594 = arith.addi %scan3A_584, %scan3A_593 : i32
      %mul3A_595 = arith.constant 16 : i32
      %mul3A_596 = arith.muli %scan3A_594, %mul3A_595 : i32
      %add3A_597 = arith.constant 7168 : i32
      %add3A_598 = arith.addi %add3A_597, %mul3A_596 : i32
      %get3A_599 = arith.index_cast %add3A_598 : i32 to index
      %get3A_600 = tpu.vector_load %arg5[%get3A_599] {strides = array<i32>} : memref<10240xi32, #tpu.memory_space<vmem>>, vector<16xi32>,
      %add3A_601 = arith.addi %add3A_592, %get3A_600 : vector<16xi32>
      %scan3A_602 = arith.constant 2 : i32
      %scan3A_603 = arith.addi %scan3A_584, %scan3A_602 : i32
      %mul3A_604 = arith.constant 16 : i32
      %mul3A_605 = arith.muli %scan3A_603, %mul3A_604 : i32
      %add3A_606 = arith.constant 7168 : i32
      %add3A_607 = arith.addi %add3A_606, %mul3A_605 : i32
      %get3A_608 = arith.index_cast %add3A_607 : i32 to index
      %get3A_609 = tpu.vector_load %arg5[%get3A_608] {strides = array<i32>} : memref<10240xi32, #tpu.memory_space<vmem>>, vector<16xi32>,
      %add3A_610 = arith.addi %add3A_601, %get3A_609 : vector<16xi32>
      %scan3A_611 = arith.constant 3 : i32
      %scan3A_612 = arith.addi %scan3A_584, %scan3A_611 : i32
      %mul3A_613 = arith.constant 16 : i32
      %mul3A_614 = arith.muli %scan3A_612, %mul3A_613 : i32
      %add3A_615 = arith.constant 7168 : i32
      %add3A_616 = arith.addi %add3A_615, %mul3A_614 : i32
      %get3A_617 = arith.index_cast %add3A_616 : i32 to index
      %get3A_618 = tpu.vector_load %arg5[%get3A_617] {strides = array<i32>} : memref<10240xi32, #tpu.memory_space<vmem>>, vector<16xi32>,
      %add3A_619 = arith.addi %add3A_610, %get3A_618 : vector<16xi32>
      scf.yield %add3A_619 : vector<16xi32>
    }
    %scan3A_145 = arith.constant 32 : i32
    %reduce_sum3A_146 = arith.constant true
    %reduce_sum3A_147 = vector.broadcast %reduce_sum3A_146 : i1 to vector<16xi1>
    %reduce_sum3A_148 = tpu.scan <sum>, %scan3A_144 masked %reduce_sum3A_147 : vector<16xi32>, vector<16xi1> -> vector<16xi32>
    %reduce_sum3A_149 = vector.extract %reduce_sum3A_148[15] : i32 from vector<16xi32>
    %scan3A_150 = arith.constant 0 : i32
    %scan3A_151 = arith.constant 32 : i32
    %scan3A_152 = arith.addi %scan3A_150, %scan3A_151 : i32
    %scan3A_153 = arith.constant 4 : i32
    %scan3A_154 = scf.for %scan3A_584 = %scan3A_150 to %scan3A_152 step %scan3A_153 iter_args(%scan3A_585 = %broadcast_in_dim3A_1) -> (vector<16xi32>)  : i32 {
      %mul3A_586 = arith.constant 16 : i32
      %mul3A_587 = arith.muli %scan3A_584, %mul3A_586 : i32
      %add3A_588 = arith.constant 7680 : i32
      %add3A_589 = arith.addi %add3A_588, %mul3A_587 : i32
      %get3A_590 = arith.index_cast %add3A_589 : i32 to index
      %get3A_591 = tpu.vector_load %arg5[%get3A_590] {strides = array<i32>} : memref<10240xi32, #tpu.memory_space<vmem>>, vector<16xi32>,
      %add3A_592 = arith.addi %scan3A_585, %get3A_591 : vector<16xi32>
      %scan3A_593 = arith.constant 1 : i32
      %scan3A_594 = arith.addi %scan3A_584, %scan3A_593 : i32
      %mul3A_595 = arith.constant 16 : i32
      %mul3A_596 = arith.muli %scan3A_594, %mul3A_595 : i32
      %add3A_597 = arith.constant 7680 : i32
      %add3A_598 = arith.addi %add3A_597, %mul3A_596 : i32
      %get3A_599 = arith.index_cast %add3A_598 : i32 to index
      %get3A_600 = tpu.vector_load %arg5[%get3A_599] {strides = array<i32>} : memref<10240xi32, #tpu.memory_space<vmem>>, vector<16xi32>,
      %add3A_601 = arith.addi %add3A_592, %get3A_600 : vector<16xi32>
      %scan3A_602 = arith.constant 2 : i32
      %scan3A_603 = arith.addi %scan3A_584, %scan3A_602 : i32
      %mul3A_604 = arith.constant 16 : i32
      %mul3A_605 = arith.muli %scan3A_603, %mul3A_604 : i32
      %add3A_606 = arith.constant 7680 : i32
      %add3A_607 = arith.addi %add3A_606, %mul3A_605 : i32
      %get3A_608 = arith.index_cast %add3A_607 : i32 to index
      %get3A_609 = tpu.vector_load %arg5[%get3A_608] {strides = array<i32>} : memref<10240xi32, #tpu.memory_space<vmem>>, vector<16xi32>,
      %add3A_610 = arith.addi %add3A_601, %get3A_609 : vector<16xi32>
      %scan3A_611 = arith.constant 3 : i32
      %scan3A_612 = arith.addi %scan3A_584, %scan3A_611 : i32
      %mul3A_613 = arith.constant 16 : i32
      %mul3A_614 = arith.muli %scan3A_612, %mul3A_613 : i32
      %add3A_615 = arith.constant 7680 : i32
      %add3A_616 = arith.addi %add3A_615, %mul3A_614 : i32
      %get3A_617 = arith.index_cast %add3A_616 : i32 to index
      %get3A_618 = tpu.vector_load %arg5[%get3A_617] {strides = array<i32>} : memref<10240xi32, #tpu.memory_space<vmem>>, vector<16xi32>,
      %add3A_619 = arith.addi %add3A_610, %get3A_618 : vector<16xi32>
      scf.yield %add3A_619 : vector<16xi32>
    }
    %scan3A_155 = arith.constant 32 : i32
    %reduce_sum3A_156 = arith.constant true
    %reduce_sum3A_157 = vector.broadcast %reduce_sum3A_156 : i1 to vector<16xi1>
    %reduce_sum3A_158 = tpu.scan <sum>, %scan3A_154 masked %reduce_sum3A_157 : vector<16xi32>, vector<16xi1> -> vector<16xi32>
    %reduce_sum3A_159 = vector.extract %reduce_sum3A_158[15] : i32 from vector<16xi32>
    %scan3A_160 = arith.constant 0 : i32
    %scan3A_161 = arith.constant 32 : i32
    %scan3A_162 = arith.addi %scan3A_160, %scan3A_161 : i32
    %scan3A_163 = arith.constant 4 : i32
    %scan3A_164 = scf.for %scan3A_584 = %scan3A_160 to %scan3A_162 step %scan3A_163 iter_args(%scan3A_585 = %broadcast_in_dim3A_1) -> (vector<16xi32>)  : i32 {
      %mul3A_586 = arith.constant 16 : i32
      %mul3A_587 = arith.muli %scan3A_584, %mul3A_586 : i32
      %add3A_588 = arith.constant 8192 : i32
      %add3A_589 = arith.addi %add3A_588, %mul3A_587 : i32
      %get3A_590 = arith.index_cast %add3A_589 : i32 to index
      %get3A_591 = tpu.vector_load %arg5[%get3A_590] {strides = array<i32>} : memref<10240xi32, #tpu.memory_space<vmem>>, vector<16xi32>,
      %add3A_592 = arith.addi %scan3A_585, %get3A_591 : vector<16xi32>
      %scan3A_593 = arith.constant 1 : i32
      %scan3A_594 = arith.addi %scan3A_584, %scan3A_593 : i32
      %mul3A_595 = arith.constant 16 : i32
      %mul3A_596 = arith.muli %scan3A_594, %mul3A_595 : i32
      %add3A_597 = arith.constant 8192 : i32
      %add3A_598 = arith.addi %add3A_597, %mul3A_596 : i32
      %get3A_599 = arith.index_cast %add3A_598 : i32 to index
      %get3A_600 = tpu.vector_load %arg5[%get3A_599] {strides = array<i32>} : memref<10240xi32, #tpu.memory_space<vmem>>, vector<16xi32>,
      %add3A_601 = arith.addi %add3A_592, %get3A_600 : vector<16xi32>
      %scan3A_602 = arith.constant 2 : i32
      %scan3A_603 = arith.addi %scan3A_584, %scan3A_602 : i32
      %mul3A_604 = arith.constant 16 : i32
      %mul3A_605 = arith.muli %scan3A_603, %mul3A_604 : i32
      %add3A_606 = arith.constant 8192 : i32
      %add3A_607 = arith.addi %add3A_606, %mul3A_605 : i32
      %get3A_608 = arith.index_cast %add3A_607 : i32 to index
      %get3A_609 = tpu.vector_load %arg5[%get3A_608] {strides = array<i32>} : memref<10240xi32, #tpu.memory_space<vmem>>, vector<16xi32>,
      %add3A_610 = arith.addi %add3A_601, %get3A_609 : vector<16xi32>
      %scan3A_611 = arith.constant 3 : i32
      %scan3A_612 = arith.addi %scan3A_584, %scan3A_611 : i32
      %mul3A_613 = arith.constant 16 : i32
      %mul3A_614 = arith.muli %scan3A_612, %mul3A_613 : i32
      %add3A_615 = arith.constant 8192 : i32
      %add3A_616 = arith.addi %add3A_615, %mul3A_614 : i32
      %get3A_617 = arith.index_cast %add3A_616 : i32 to index
      %get3A_618 = tpu.vector_load %arg5[%get3A_617] {strides = array<i32>} : memref<10240xi32, #tpu.memory_space<vmem>>, vector<16xi32>,
      %add3A_619 = arith.addi %add3A_610, %get3A_618 : vector<16xi32>
      scf.yield %add3A_619 : vector<16xi32>
    }
    %scan3A_165 = arith.constant 32 : i32
    %reduce_sum3A_166 = arith.constant true
    %reduce_sum3A_167 = vector.broadcast %reduce_sum3A_166 : i1 to vector<16xi1>
    %reduce_sum3A_168 = tpu.scan <sum>, %scan3A_164 masked %reduce_sum3A_167 : vector<16xi32>, vector<16xi1> -> vector<16xi32>
    %reduce_sum3A_169 = vector.extract %reduce_sum3A_168[15] : i32 from vector<16xi32>
    %scan3A_170 = arith.constant 0 : i32
    %scan3A_171 = arith.constant 32 : i32
    %scan3A_172 = arith.addi %scan3A_170, %scan3A_171 : i32
    %scan3A_173 = arith.constant 4 : i32
    %scan3A_174 = scf.for %scan3A_584 = %scan3A_170 to %scan3A_172 step %scan3A_173 iter_args(%scan3A_585 = %broadcast_in_dim3A_1) -> (vector<16xi32>)  : i32 {
      %mul3A_586 = arith.constant 16 : i32
      %mul3A_587 = arith.muli %scan3A_584, %mul3A_586 : i32
      %add3A_588 = arith.constant 8704 : i32
      %add3A_589 = arith.addi %add3A_588, %mul3A_587 : i32
      %get3A_590 = arith.index_cast %add3A_589 : i32 to index
      %get3A_591 = tpu.vector_load %arg5[%get3A_590] {strides = array<i32>} : memref<10240xi32, #tpu.memory_space<vmem>>, vector<16xi32>,
      %add3A_592 = arith.addi %scan3A_585, %get3A_591 : vector<16xi32>
      %scan3A_593 = arith.constant 1 : i32
      %scan3A_594 = arith.addi %scan3A_584, %scan3A_593 : i32
      %mul3A_595 = arith.constant 16 : i32
      %mul3A_596 = arith.muli %scan3A_594, %mul3A_595 : i32
      %add3A_597 = arith.constant 8704 : i32
      %add3A_598 = arith.addi %add3A_597, %mul3A_596 : i32
      %get3A_599 = arith.index_cast %add3A_598 : i32 to index
      %get3A_600 = tpu.vector_load %arg5[%get3A_599] {strides = array<i32>} : memref<10240xi32, #tpu.memory_space<vmem>>, vector<16xi32>,
      %add3A_601 = arith.addi %add3A_592, %get3A_600 : vector<16xi32>
      %scan3A_602 = arith.constant 2 : i32
      %scan3A_603 = arith.addi %scan3A_584, %scan3A_602 : i32
      %mul3A_604 = arith.constant 16 : i32
      %mul3A_605 = arith.muli %scan3A_603, %mul3A_604 : i32
      %add3A_606 = arith.constant 8704 : i32
      %add3A_607 = arith.addi %add3A_606, %mul3A_605 : i32
      %get3A_608 = arith.index_cast %add3A_607 : i32 to index
      %get3A_609 = tpu.vector_load %arg5[%get3A_608] {strides = array<i32>} : memref<10240xi32, #tpu.memory_space<vmem>>, vector<16xi32>,
      %add3A_610 = arith.addi %add3A_601, %get3A_609 : vector<16xi32>
      %scan3A_611 = arith.constant 3 : i32
      %scan3A_612 = arith.addi %scan3A_584, %scan3A_611 : i32
      %mul3A_613 = arith.constant 16 : i32
      %mul3A_614 = arith.muli %scan3A_612, %mul3A_613 : i32
      %add3A_615 = arith.constant 8704 : i32
      %add3A_616 = arith.addi %add3A_615, %mul3A_614 : i32
      %get3A_617 = arith.index_cast %add3A_616 : i32 to index
      %get3A_618 = tpu.vector_load %arg5[%get3A_617] {strides = array<i32>} : memref<10240xi32, #tpu.memory_space<vmem>>, vector<16xi32>,
      %add3A_619 = arith.addi %add3A_610, %get3A_618 : vector<16xi32>
      scf.yield %add3A_619 : vector<16xi32>
    }
    %scan3A_175 = arith.constant 32 : i32
    %reduce_sum3A_176 = arith.constant true
    %reduce_sum3A_177 = vector.broadcast %reduce_sum3A_176 : i1 to vector<16xi1>
    %reduce_sum3A_178 = tpu.scan <sum>, %scan3A_174 masked %reduce_sum3A_177 : vector<16xi32>, vector<16xi1> -> vector<16xi32>
    %reduce_sum3A_179 = vector.extract %reduce_sum3A_178[15] : i32 from vector<16xi32>
    %scan3A_180 = arith.constant 0 : i32
    %scan3A_181 = arith.constant 32 : i32
    %scan3A_182 = arith.addi %scan3A_180, %scan3A_181 : i32
    %scan3A_183 = arith.constant 4 : i32
    %scan3A_184 = scf.for %scan3A_584 = %scan3A_180 to %scan3A_182 step %scan3A_183 iter_args(%scan3A_585 = %broadcast_in_dim3A_1) -> (vector<16xi32>)  : i32 {
      %mul3A_586 = arith.constant 16 : i32
      %mul3A_587 = arith.muli %scan3A_584, %mul3A_586 : i32
      %add3A_588 = arith.constant 9216 : i32
      %add3A_589 = arith.addi %add3A_588, %mul3A_587 : i32
      %get3A_590 = arith.index_cast %add3A_589 : i32 to index
      %get3A_591 = tpu.vector_load %arg5[%get3A_590] {strides = array<i32>} : memref<10240xi32, #tpu.memory_space<vmem>>, vector<16xi32>,
      %add3A_592 = arith.addi %scan3A_585, %get3A_591 : vector<16xi32>
      %scan3A_593 = arith.constant 1 : i32
      %scan3A_594 = arith.addi %scan3A_584, %scan3A_593 : i32
      %mul3A_595 = arith.constant 16 : i32
      %mul3A_596 = arith.muli %scan3A_594, %mul3A_595 : i32
      %add3A_597 = arith.constant 9216 : i32
      %add3A_598 = arith.addi %add3A_597, %mul3A_596 : i32
      %get3A_599 = arith.index_cast %add3A_598 : i32 to index
      %get3A_600 = tpu.vector_load %arg5[%get3A_599] {strides = array<i32>} : memref<10240xi32, #tpu.memory_space<vmem>>, vector<16xi32>,
      %add3A_601 = arith.addi %add3A_592, %get3A_600 : vector<16xi32>
      %scan3A_602 = arith.constant 2 : i32
      %scan3A_603 = arith.addi %scan3A_584, %scan3A_602 : i32
      %mul3A_604 = arith.constant 16 : i32
      %mul3A_605 = arith.muli %scan3A_603, %mul3A_604 : i32
      %add3A_606 = arith.constant 9216 : i32
      %add3A_607 = arith.addi %add3A_606, %mul3A_605 : i32
      %get3A_608 = arith.index_cast %add3A_607 : i32 to index
      %get3A_609 = tpu.vector_load %arg5[%get3A_608] {strides = array<i32>} : memref<10240xi32, #tpu.memory_space<vmem>>, vector<16xi32>,
      %add3A_610 = arith.addi %add3A_601, %get3A_609 : vector<16xi32>
      %scan3A_611 = arith.constant 3 : i32
      %scan3A_612 = arith.addi %scan3A_584, %scan3A_611 : i32
      %mul3A_613 = arith.constant 16 : i32
      %mul3A_614 = arith.muli %scan3A_612, %mul3A_613 : i32
      %add3A_615 = arith.constant 9216 : i32
      %add3A_616 = arith.addi %add3A_615, %mul3A_614 : i32
      %get3A_617 = arith.index_cast %add3A_616 : i32 to index
      %get3A_618 = tpu.vector_load %arg5[%get3A_617] {strides = array<i32>} : memref<10240xi32, #tpu.memory_space<vmem>>, vector<16xi32>,
      %add3A_619 = arith.addi %add3A_610, %get3A_618 : vector<16xi32>
      scf.yield %add3A_619 : vector<16xi32>
    }
    %scan3A_185 = arith.constant 32 : i32
    %reduce_sum3A_186 = arith.constant true
    %reduce_sum3A_187 = vector.broadcast %reduce_sum3A_186 : i1 to vector<16xi1>
    %reduce_sum3A_188 = tpu.scan <sum>, %scan3A_184 masked %reduce_sum3A_187 : vector<16xi32>, vector<16xi1> -> vector<16xi32>
    %reduce_sum3A_189 = vector.extract %reduce_sum3A_188[15] : i32 from vector<16xi32>
    %scan3A_190 = arith.constant 0 : i32
    %scan3A_191 = arith.constant 32 : i32
    %scan3A_192 = arith.addi %scan3A_190, %scan3A_191 : i32
    %scan3A_193 = arith.constant 4 : i32
    %scan3A_194 = scf.for %scan3A_584 = %scan3A_190 to %scan3A_192 step %scan3A_193 iter_args(%scan3A_585 = %broadcast_in_dim3A_1) -> (vector<16xi32>)  : i32 {
      %mul3A_586 = arith.constant 16 : i32
      %mul3A_587 = arith.muli %scan3A_584, %mul3A_586 : i32
      %add3A_588 = arith.constant 9728 : i32
      %add3A_589 = arith.addi %add3A_588, %mul3A_587 : i32
      %get3A_590 = arith.index_cast %add3A_589 : i32 to index
      %get3A_591 = tpu.vector_load %arg5[%get3A_590] {strides = array<i32>} : memref<10240xi32, #tpu.memory_space<vmem>>, vector<16xi32>,
      %add3A_592 = arith.addi %scan3A_585, %get3A_591 : vector<16xi32>
      %scan3A_593 = arith.constant 1 : i32
      %scan3A_594 = arith.addi %scan3A_584, %scan3A_593 : i32
      %mul3A_595 = arith.constant 16 : i32
      %mul3A_596 = arith.muli %scan3A_594, %mul3A_595 : i32
      %add3A_597 = arith.constant 9728 : i32
      %add3A_598 = arith.addi %add3A_597, %mul3A_596 : i32
      %get3A_599 = arith.index_cast %add3A_598 : i32 to index
      %get3A_600 = tpu.vector_load %arg5[%get3A_599] {strides = array<i32>} : memref<10240xi32, #tpu.memory_space<vmem>>, vector<16xi32>,
      %add3A_601 = arith.addi %add3A_592, %get3A_600 : vector<16xi32>
      %scan3A_602 = arith.constant 2 : i32
      %scan3A_603 = arith.addi %scan3A_584, %scan3A_602 : i32
      %mul3A_604 = arith.constant 16 : i32
      %mul3A_605 = arith.muli %scan3A_603, %mul3A_604 : i32
      %add3A_606 = arith.constant 9728 : i32
      %add3A_607 = arith.addi %add3A_606, %mul3A_605 : i32
      %get3A_608 = arith.index_cast %add3A_607 : i32 to index
      %get3A_609 = tpu.vector_load %arg5[%get3A_608] {strides = array<i32>} : memref<10240xi32, #tpu.memory_space<vmem>>, vector<16xi32>,
      %add3A_610 = arith.addi %add3A_601, %get3A_609 : vector<16xi32>
      %scan3A_611 = arith.constant 3 : i32
      %scan3A_612 = arith.addi %scan3A_584, %scan3A_611 : i32
      %mul3A_613 = arith.constant 16 : i32
      %mul3A_614 = arith.muli %scan3A_612, %mul3A_613 : i32
      %add3A_615 = arith.constant 9728 : i32
      %add3A_616 = arith.addi %add3A_615, %mul3A_614 : i32
      %get3A_617 = arith.index_cast %add3A_616 : i32 to index
      %get3A_618 = tpu.vector_load %arg5[%get3A_617] {strides = array<i32>} : memref<10240xi32, #tpu.memory_space<vmem>>, vector<16xi32>,
      %add3A_619 = arith.addi %add3A_610, %get3A_618 : vector<16xi32>
      scf.yield %add3A_619 : vector<16xi32>
    }
    %scan3A_195 = arith.constant 32 : i32
    %reduce_sum3A_196 = arith.constant true
    %reduce_sum3A_197 = vector.broadcast %reduce_sum3A_196 : i1 to vector<16xi1>
    %reduce_sum3A_198 = tpu.scan <sum>, %scan3A_194 masked %reduce_sum3A_197 : vector<16xi32>, vector<16xi1> -> vector<16xi32>
    %reduce_sum3A_199 = vector.extract %reduce_sum3A_198[15] : i32 from vector<16xi32>
    %add3A_200 = arith.constant 0 : i32
    %add3A_201 = arith.addi %add3A_200, %reduce_sum3A_9 : i32
    %add3A_202 = arith.addi %add3A_201, %reduce_sum3A_19 : i32
    %add3A_203 = arith.addi %add3A_202, %reduce_sum3A_29 : i32
    %add3A_204 = arith.addi %add3A_203, %reduce_sum3A_39 : i32
    %add3A_205 = arith.addi %add3A_204, %reduce_sum3A_49 : i32
    %add3A_206 = arith.addi %add3A_205, %reduce_sum3A_59 : i32
    %add3A_207 = arith.addi %add3A_206, %reduce_sum3A_69 : i32
    %add3A_208 = arith.addi %add3A_207, %reduce_sum3A_79 : i32
    %add3A_209 = arith.addi %add3A_208, %reduce_sum3A_89 : i32
    %add3A_210 = arith.addi %add3A_209, %reduce_sum3A_99 : i32
    %add3A_211 = arith.addi %add3A_210, %reduce_sum3A_109 : i32
    %add3A_212 = arith.addi %add3A_211, %reduce_sum3A_119 : i32
    %add3A_213 = arith.addi %add3A_212, %reduce_sum3A_129 : i32
    %add3A_214 = arith.addi %add3A_213, %reduce_sum3A_139 : i32
    %add3A_215 = arith.addi %add3A_214, %reduce_sum3A_149 : i32
    %add3A_216 = arith.addi %add3A_215, %reduce_sum3A_159 : i32
    %add3A_217 = arith.addi %add3A_216, %reduce_sum3A_169 : i32
    %add3A_218 = arith.addi %add3A_217, %reduce_sum3A_179 : i32
    %add3A_219 = arith.addi %add3A_218, %reduce_sum3A_189 : i32
    %add3A_220 = arith.addi %add3A_219, %reduce_sum3A_199 : i32
    %mul3A_221 = arith.constant 16 : i32
    %mul3A_222 = arith.muli %add3A, %mul3A_221 : i32
    %add3A_223 = arith.constant 16 : i32
    %add3A_224 = arith.addi %mul3A_222, %add3A_223 : i32
    %sub3A = arith.constant 1 : i32
    %sub3A_225 = arith.subi %add3A_224, %sub3A : i32
    %sub3A_226 = arith.constant 1 : i32
    %sub3A_227 = arith.subi %add3A_220, %sub3A_226 : i32
    %max3A = arith.constant 0 : i32
    %max3A_228 = arith.maxsi %sub3A_227, %max3A : i32
    %min3A = arith.minsi %sub3A_225, %max3A_228 : i32
    %sub3A_229 = arith.constant 1 : i32
    %sub3A_230 = arith.subi %add3A_220, %sub3A_229 : i32
    %max3A_231 = arith.constant 0 : i32
    %max3A_232 = arith.maxsi %sub3A_230, %max3A_231 : i32
    %min3A_233 = arith.minsi %mul3A_222, %max3A_232 : i32
    %le3A = arith.constant 0 : i32
    %le3A_234 = arith.cmpi sle, %le3A, %min3A_233 : i32
    %convert_element_type3A = arith.extui %le3A_234 : i1 to i32
    %add3A_235 = arith.constant 0 : i32
    %add3A_236 = arith.addi %add3A_235, %convert_element_type3A : i32
    %le3A_237 = arith.constant 0 : i32
    %le3A_238 = arith.cmpi sle, %le3A_237, %min3A : i32
    %convert_element_type3A_239 = arith.extui %le3A_238 : i1 to i32
    %add3A_240 = arith.constant 0 : i32
    %add3A_241 = arith.addi %add3A_240, %convert_element_type3A_239 : i32
    %le3A_242 = arith.constant 0 : i32
    %le3A_243 = arith.constant 0 : i32
    %le3A_244 = arith.cmpi sle, %le3A_242, %le3A_243 : i32
    %convert_element_type3A_245 = arith.extui %le3A_244 : i1 to i32
    %add3A_246 = arith.constant 0 : i32
    %add3A_247 = arith.addi %add3A_246, %convert_element_type3A_245 : i32
    %le3A_248 = arith.cmpi sle, %add3A_201, %min3A_233 : i32
    %convert_element_type3A_249 = arith.extui %le3A_248 : i1 to i32
    %add3A_250 = arith.addi %add3A_236, %convert_element_type3A_249 : i32
    %le3A_251 = arith.cmpi sle, %add3A_201, %min3A : i32
    %convert_element_type3A_252 = arith.extui %le3A_251 : i1 to i32
    %add3A_253 = arith.addi %add3A_241, %convert_element_type3A_252 : i32
    %le3A_254 = arith.constant 0 : i32
    %le3A_255 = arith.cmpi sle, %add3A_201, %le3A_254 : i32
    %convert_element_type3A_256 = arith.extui %le3A_255 : i1 to i32
    %add3A_257 = arith.addi %add3A_247, %convert_element_type3A_256 : i32
    %le3A_258 = arith.cmpi sle, %add3A_202, %min3A_233 : i32
    %convert_element_type3A_259 = arith.extui %le3A_258 : i1 to i32
    %add3A_260 = arith.addi %add3A_250, %convert_element_type3A_259 : i32
    %le3A_261 = arith.cmpi sle, %add3A_202, %min3A : i32
    %convert_element_type3A_262 = arith.extui %le3A_261 : i1 to i32
    %add3A_263 = arith.addi %add3A_253, %convert_element_type3A_262 : i32
    %le3A_264 = arith.constant 0 : i32
    %le3A_265 = arith.cmpi sle, %add3A_202, %le3A_264 : i32
    %convert_element_type3A_266 = arith.extui %le3A_265 : i1 to i32
    %add3A_267 = arith.addi %add3A_257, %convert_element_type3A_266 : i32
    %le3A_268 = arith.cmpi sle, %add3A_203, %min3A_233 : i32
    %convert_element_type3A_269 = arith.extui %le3A_268 : i1 to i32
    %add3A_270 = arith.addi %add3A_260, %convert_element_type3A_269 : i32
    %le3A_271 = arith.cmpi sle, %add3A_203, %min3A : i32
    %convert_element_type3A_272 = arith.extui %le3A_271 : i1 to i32
    %add3A_273 = arith.addi %add3A_263, %convert_element_type3A_272 : i32
    %le3A_274 = arith.constant 0 : i32
    %le3A_275 = arith.cmpi sle, %add3A_203, %le3A_274 : i32
    %convert_element_type3A_276 = arith.extui %le3A_275 : i1 to i32
    %add3A_277 = arith.addi %add3A_267, %convert_element_type3A_276 : i32
    %le3A_278 = arith.cmpi sle, %add3A_204, %min3A_233 : i32
    %convert_element_type3A_279 = arith.extui %le3A_278 : i1 to i32
    %add3A_280 = arith.addi %add3A_270, %convert_element_type3A_279 : i32
    %le3A_281 = arith.cmpi sle, %add3A_204, %min3A : i32
    %convert_element_type3A_282 = arith.extui %le3A_281 : i1 to i32
    %add3A_283 = arith.addi %add3A_273, %convert_element_type3A_282 : i32
    %le3A_284 = arith.constant 0 : i32
    %le3A_285 = arith.cmpi sle, %add3A_204, %le3A_284 : i32
    %convert_element_type3A_286 = arith.extui %le3A_285 : i1 to i32
    %add3A_287 = arith.addi %add3A_277, %convert_element_type3A_286 : i32
    %le3A_288 = arith.cmpi sle, %add3A_205, %min3A_233 : i32
    %convert_element_type3A_289 = arith.extui %le3A_288 : i1 to i32
    %add3A_290 = arith.addi %add3A_280, %convert_element_type3A_289 : i32
    %le3A_291 = arith.cmpi sle, %add3A_205, %min3A : i32
    %convert_element_type3A_292 = arith.extui %le3A_291 : i1 to i32
    %add3A_293 = arith.addi %add3A_283, %convert_element_type3A_292 : i32
    %le3A_294 = arith.constant 0 : i32
    %le3A_295 = arith.cmpi sle, %add3A_205, %le3A_294 : i32
    %convert_element_type3A_296 = arith.extui %le3A_295 : i1 to i32
    %add3A_297 = arith.addi %add3A_287, %convert_element_type3A_296 : i32
    %le3A_298 = arith.cmpi sle, %add3A_206, %min3A_233 : i32
    %convert_element_type3A_299 = arith.extui %le3A_298 : i1 to i32
    %add3A_300 = arith.addi %add3A_290, %convert_element_type3A_299 : i32
    %le3A_301 = arith.cmpi sle, %add3A_206, %min3A : i32
    %convert_element_type3A_302 = arith.extui %le3A_301 : i1 to i32
    %add3A_303 = arith.addi %add3A_293, %convert_element_type3A_302 : i32
    %le3A_304 = arith.constant 0 : i32
    %le3A_305 = arith.cmpi sle, %add3A_206, %le3A_304 : i32
    %convert_element_type3A_306 = arith.extui %le3A_305 : i1 to i32
    %add3A_307 = arith.addi %add3A_297, %convert_element_type3A_306 : i32
    %le3A_308 = arith.cmpi sle, %add3A_207, %min3A_233 : i32
    %convert_element_type3A_309 = arith.extui %le3A_308 : i1 to i32
    %add3A_310 = arith.addi %add3A_300, %convert_element_type3A_309 : i32
    %le3A_311 = arith.cmpi sle, %add3A_207, %min3A : i32
    %convert_element_type3A_312 = arith.extui %le3A_311 : i1 to i32
    %add3A_313 = arith.addi %add3A_303, %convert_element_type3A_312 : i32
    %le3A_314 = arith.constant 0 : i32
    %le3A_315 = arith.cmpi sle, %add3A_207, %le3A_314 : i32
    %convert_element_type3A_316 = arith.extui %le3A_315 : i1 to i32
    %add3A_317 = arith.addi %add3A_307, %convert_element_type3A_316 : i32
    %le3A_318 = arith.cmpi sle, %add3A_208, %min3A_233 : i32
    %convert_element_type3A_319 = arith.extui %le3A_318 : i1 to i32
    %add3A_320 = arith.addi %add3A_310, %convert_element_type3A_319 : i32
    %le3A_321 = arith.cmpi sle, %add3A_208, %min3A : i32
    %convert_element_type3A_322 = arith.extui %le3A_321 : i1 to i32
    %add3A_323 = arith.addi %add3A_313, %convert_element_type3A_322 : i32
    %le3A_324 = arith.constant 0 : i32
    %le3A_325 = arith.cmpi sle, %add3A_208, %le3A_324 : i32
    %convert_element_type3A_326 = arith.extui %le3A_325 : i1 to i32
    %add3A_327 = arith.addi %add3A_317, %convert_element_type3A_326 : i32
    %le3A_328 = arith.cmpi sle, %add3A_209, %min3A_233 : i32
    %convert_element_type3A_329 = arith.extui %le3A_328 : i1 to i32
    %add3A_330 = arith.addi %add3A_320, %convert_element_type3A_329 : i32
    %le3A_331 = arith.cmpi sle, %add3A_209, %min3A : i32
    %convert_element_type3A_332 = arith.extui %le3A_331 : i1 to i32
    %add3A_333 = arith.addi %add3A_323, %convert_element_type3A_332 : i32
    %le3A_334 = arith.constant 0 : i32
    %le3A_335 = arith.cmpi sle, %add3A_209, %le3A_334 : i32
    %convert_element_type3A_336 = arith.extui %le3A_335 : i1 to i32
    %add3A_337 = arith.addi %add3A_327, %convert_element_type3A_336 : i32
    %le3A_338 = arith.cmpi sle, %add3A_210, %min3A_233 : i32
    %convert_element_type3A_339 = arith.extui %le3A_338 : i1 to i32
    %add3A_340 = arith.addi %add3A_330, %convert_element_type3A_339 : i32
    %le3A_341 = arith.cmpi sle, %add3A_210, %min3A : i32
    %convert_element_type3A_342 = arith.extui %le3A_341 : i1 to i32
    %add3A_343 = arith.addi %add3A_333, %convert_element_type3A_342 : i32
    %le3A_344 = arith.constant 0 : i32
    %le3A_345 = arith.cmpi sle, %add3A_210, %le3A_344 : i32
    %convert_element_type3A_346 = arith.extui %le3A_345 : i1 to i32
    %add3A_347 = arith.addi %add3A_337, %convert_element_type3A_346 : i32
    %le3A_348 = arith.cmpi sle, %add3A_211, %min3A_233 : i32
    %convert_element_type3A_349 = arith.extui %le3A_348 : i1 to i32
    %add3A_350 = arith.addi %add3A_340, %convert_element_type3A_349 : i32
    %le3A_351 = arith.cmpi sle, %add3A_211, %min3A : i32
    %convert_element_type3A_352 = arith.extui %le3A_351 : i1 to i32
    %add3A_353 = arith.addi %add3A_343, %convert_element_type3A_352 : i32
    %le3A_354 = arith.constant 0 : i32
    %le3A_355 = arith.cmpi sle, %add3A_211, %le3A_354 : i32
    %convert_element_type3A_356 = arith.extui %le3A_355 : i1 to i32
    %add3A_357 = arith.addi %add3A_347, %convert_element_type3A_356 : i32
    %le3A_358 = arith.cmpi sle, %add3A_212, %min3A_233 : i32
    %convert_element_type3A_359 = arith.extui %le3A_358 : i1 to i32
    %add3A_360 = arith.addi %add3A_350, %convert_element_type3A_359 : i32
    %le3A_361 = arith.cmpi sle, %add3A_212, %min3A : i32
    %convert_element_type3A_362 = arith.extui %le3A_361 : i1 to i32
    %add3A_363 = arith.addi %add3A_353, %convert_element_type3A_362 : i32
    %le3A_364 = arith.constant 0 : i32
    %le3A_365 = arith.cmpi sle, %add3A_212, %le3A_364 : i32
    %convert_element_type3A_366 = arith.extui %le3A_365 : i1 to i32
    %add3A_367 = arith.addi %add3A_357, %convert_element_type3A_366 : i32
    %le3A_368 = arith.cmpi sle, %add3A_213, %min3A_233 : i32
    %convert_element_type3A_369 = arith.extui %le3A_368 : i1 to i32
    %add3A_370 = arith.addi %add3A_360, %convert_element_type3A_369 : i32
    %le3A_371 = arith.cmpi sle, %add3A_213, %min3A : i32
    %convert_element_type3A_372 = arith.extui %le3A_371 : i1 to i32
    %add3A_373 = arith.addi %add3A_363, %convert_element_type3A_372 : i32
    %le3A_374 = arith.constant 0 : i32
    %le3A_375 = arith.cmpi sle, %add3A_213, %le3A_374 : i32
    %convert_element_type3A_376 = arith.extui %le3A_375 : i1 to i32
    %add3A_377 = arith.addi %add3A_367, %convert_element_type3A_376 : i32
    %le3A_378 = arith.cmpi sle, %add3A_214, %min3A_233 : i32
    %convert_element_type3A_379 = arith.extui %le3A_378 : i1 to i32
    %add3A_380 = arith.addi %add3A_370, %convert_element_type3A_379 : i32
    %le3A_381 = arith.cmpi sle, %add3A_214, %min3A : i32
    %convert_element_type3A_382 = arith.extui %le3A_381 : i1 to i32
    %add3A_383 = arith.addi %add3A_373, %convert_element_type3A_382 : i32
    %le3A_384 = arith.constant 0 : i32
    %le3A_385 = arith.cmpi sle, %add3A_214, %le3A_384 : i32
    %convert_element_type3A_386 = arith.extui %le3A_385 : i1 to i32
    %add3A_387 = arith.addi %add3A_377, %convert_element_type3A_386 : i32
    %le3A_388 = arith.cmpi sle, %add3A_215, %min3A_233 : i32
    %convert_element_type3A_389 = arith.extui %le3A_388 : i1 to i32
    %add3A_390 = arith.addi %add3A_380, %convert_element_type3A_389 : i32
    %le3A_391 = arith.cmpi sle, %add3A_215, %min3A : i32
    %convert_element_type3A_392 = arith.extui %le3A_391 : i1 to i32
    %add3A_393 = arith.addi %add3A_383, %convert_element_type3A_392 : i32
    %le3A_394 = arith.constant 0 : i32
    %le3A_395 = arith.cmpi sle, %add3A_215, %le3A_394 : i32
    %convert_element_type3A_396 = arith.extui %le3A_395 : i1 to i32
    %add3A_397 = arith.addi %add3A_387, %convert_element_type3A_396 : i32
    %le3A_398 = arith.cmpi sle, %add3A_216, %min3A_233 : i32
    %convert_element_type3A_399 = arith.extui %le3A_398 : i1 to i32
    %add3A_400 = arith.addi %add3A_390, %convert_element_type3A_399 : i32
    %le3A_401 = arith.cmpi sle, %add3A_216, %min3A : i32
    %convert_element_type3A_402 = arith.extui %le3A_401 : i1 to i32
    %add3A_403 = arith.addi %add3A_393, %convert_element_type3A_402 : i32
    %le3A_404 = arith.constant 0 : i32
    %le3A_405 = arith.cmpi sle, %add3A_216, %le3A_404 : i32
    %convert_element_type3A_406 = arith.extui %le3A_405 : i1 to i32
    %add3A_407 = arith.addi %add3A_397, %convert_element_type3A_406 : i32
    %le3A_408 = arith.cmpi sle, %add3A_217, %min3A_233 : i32
    %convert_element_type3A_409 = arith.extui %le3A_408 : i1 to i32
    %add3A_410 = arith.addi %add3A_400, %convert_element_type3A_409 : i32
    %le3A_411 = arith.cmpi sle, %add3A_217, %min3A : i32
    %convert_element_type3A_412 = arith.extui %le3A_411 : i1 to i32
    %add3A_413 = arith.addi %add3A_403, %convert_element_type3A_412 : i32
    %le3A_414 = arith.constant 0 : i32
    %le3A_415 = arith.cmpi sle, %add3A_217, %le3A_414 : i32
    %convert_element_type3A_416 = arith.extui %le3A_415 : i1 to i32
    %add3A_417 = arith.addi %add3A_407, %convert_element_type3A_416 : i32
    %le3A_418 = arith.cmpi sle, %add3A_218, %min3A_233 : i32
    %convert_element_type3A_419 = arith.extui %le3A_418 : i1 to i32
    %add3A_420 = arith.addi %add3A_410, %convert_element_type3A_419 : i32
    %le3A_421 = arith.cmpi sle, %add3A_218, %min3A : i32
    %convert_element_type3A_422 = arith.extui %le3A_421 : i1 to i32
    %add3A_423 = arith.addi %add3A_413, %convert_element_type3A_422 : i32
    %le3A_424 = arith.constant 0 : i32
    %le3A_425 = arith.cmpi sle, %add3A_218, %le3A_424 : i32
    %convert_element_type3A_426 = arith.extui %le3A_425 : i1 to i32
    %add3A_427 = arith.addi %add3A_417, %convert_element_type3A_426 : i32
    %le3A_428 = arith.cmpi sle, %add3A_219, %min3A_233 : i32
    %convert_element_type3A_429 = arith.extui %le3A_428 : i1 to i32
    %add3A_430 = arith.addi %add3A_420, %convert_element_type3A_429 : i32
    %le3A_431 = arith.cmpi sle, %add3A_219, %min3A : i32
    %convert_element_type3A_432 = arith.extui %le3A_431 : i1 to i32
    %add3A_433 = arith.addi %add3A_423, %convert_element_type3A_432 : i32
    %le3A_434 = arith.constant 0 : i32
    %le3A_435 = arith.cmpi sle, %add3A_219, %le3A_434 : i32
    %convert_element_type3A_436 = arith.extui %le3A_435 : i1 to i32
    %add3A_437 = arith.addi %add3A_427, %convert_element_type3A_436 : i32
    %sub3A_438 = arith.constant 1 : i32
    %sub3A_439 = arith.subi %add3A_430, %sub3A_438 : i32
    %sub3A_440 = arith.constant 1 : i32
    %sub3A_441 = arith.subi %add3A_433, %sub3A_440 : i32
    %max3A_442 = arith.maxsi %sub3A_441, %sub3A_439 : i32
    %sub3A_443 = arith.constant 1 : i32
    %sub3A_444 = arith.subi %add3A_437, %sub3A_443 : i32
    %gt3A = arith.constant 0 : i32
    %gt3A_445 = arith.cmpi sgt, %sub3A_439, %gt3A : i32
    %jit3A = arith.constant 0 : i32
    %select_n3A = arith.select %gt3A_445, %reduce_sum3A_9, %jit3A : i32
    %add3A_446 = arith.constant 0 : i32
    %add3A_447 = arith.addi %add3A_446, %select_n3A : i32
    %gt3A_448 = arith.constant 1 : i32
    %gt3A_449 = arith.cmpi sgt, %sub3A_439, %gt3A_448 : i32
    %jit3A_450 = arith.constant 0 : i32
    %select_n3A_451 = arith.select %gt3A_449, %reduce_sum3A_19, %jit3A_450 : i32
    %add3A_452 = arith.addi %add3A_447, %select_n3A_451 : i32
    %gt3A_453 = arith.constant 2 : i32
    %gt3A_454 = arith.cmpi sgt, %sub3A_439, %gt3A_453 : i32
    %jit3A_455 = arith.constant 0 : i32
    %select_n3A_456 = arith.select %gt3A_454, %reduce_sum3A_29, %jit3A_455 : i32
    %add3A_457 = arith.addi %add3A_452, %select_n3A_456 : i32
    %gt3A_458 = arith.constant 3 : i32
    %gt3A_459 = arith.cmpi sgt, %sub3A_439, %gt3A_458 : i32
    %jit3A_460 = arith.constant 0 : i32
    %select_n3A_461 = arith.select %gt3A_459, %reduce_sum3A_39, %jit3A_460 : i32
    %add3A_462 = arith.addi %add3A_457, %select_n3A_461 : i32
    %gt3A_463 = arith.constant 4 : i32
    %gt3A_464 = arith.cmpi sgt, %sub3A_439, %gt3A_463 : i32
    %jit3A_465 = arith.constant 0 : i32
    %select_n3A_466 = arith.select %gt3A_464, %reduce_sum3A_49, %jit3A_465 : i32
    %add3A_467 = arith.addi %add3A_462, %select_n3A_466 : i32
    %gt3A_468 = arith.constant 5 : i32
    %gt3A_469 = arith.cmpi sgt, %sub3A_439, %gt3A_468 : i32
    %jit3A_470 = arith.constant 0 : i32
    %select_n3A_471 = arith.select %gt3A_469, %reduce_sum3A_59, %jit3A_470 : i32
    %add3A_472 = arith.addi %add3A_467, %select_n3A_471 : i32
    %gt3A_473 = arith.constant 6 : i32
    %gt3A_474 = arith.cmpi sgt, %sub3A_439, %gt3A_473 : i32
    %jit3A_475 = arith.constant 0 : i32
    %select_n3A_476 = arith.select %gt3A_474, %reduce_sum3A_69, %jit3A_475 : i32
    %add3A_477 = arith.addi %add3A_472, %select_n3A_476 : i32
    %gt3A_478 = arith.constant 7 : i32
    %gt3A_479 = arith.cmpi sgt, %sub3A_439, %gt3A_478 : i32
    %jit3A_480 = arith.constant 0 : i32
    %select_n3A_481 = arith.select %gt3A_479, %reduce_sum3A_79, %jit3A_480 : i32
    %add3A_482 = arith.addi %add3A_477, %select_n3A_481 : i32
    %gt3A_483 = arith.constant 8 : i32
    %gt3A_484 = arith.cmpi sgt, %sub3A_439, %gt3A_483 : i32
    %jit3A_485 = arith.constant 0 : i32
    %select_n3A_486 = arith.select %gt3A_484, %reduce_sum3A_89, %jit3A_485 : i32
    %add3A_487 = arith.addi %add3A_482, %select_n3A_486 : i32
    %gt3A_488 = arith.constant 9 : i32
    %gt3A_489 = arith.cmpi sgt, %sub3A_439, %gt3A_488 : i32
    %jit3A_490 = arith.constant 0 : i32
    %select_n3A_491 = arith.select %gt3A_489, %reduce_sum3A_99, %jit3A_490 : i32
    %add3A_492 = arith.addi %add3A_487, %select_n3A_491 : i32
    %gt3A_493 = arith.constant 10 : i32
    %gt3A_494 = arith.cmpi sgt, %sub3A_439, %gt3A_493 : i32
    %jit3A_495 = arith.constant 0 : i32
    %select_n3A_496 = arith.select %gt3A_494, %reduce_sum3A_109, %jit3A_495 : i32
    %add3A_497 = arith.addi %add3A_492, %select_n3A_496 : i32
    %gt3A_498 = arith.constant 11 : i32
    %gt3A_499 = arith.cmpi sgt, %sub3A_439, %gt3A_498 : i32
    %jit3A_500 = arith.constant 0 : i32
    %select_n3A_501 = arith.select %gt3A_499, %reduce_sum3A_119, %jit3A_500 : i32
    %add3A_502 = arith.addi %add3A_497, %select_n3A_501 : i32
    %gt3A_503 = arith.constant 12 : i32
    %gt3A_504 = arith.cmpi sgt, %sub3A_439, %gt3A_503 : i32
    %jit3A_505 = arith.constant 0 : i32
    %select_n3A_506 = arith.select %gt3A_504, %reduce_sum3A_129, %jit3A_505 : i32
    %add3A_507 = arith.addi %add3A_502, %select_n3A_506 : i32
    %gt3A_508 = arith.constant 13 : i32
    %gt3A_509 = arith.cmpi sgt, %sub3A_439, %gt3A_508 : i32
    %jit3A_510 = arith.constant 0 : i32
    %select_n3A_511 = arith.select %gt3A_509, %reduce_sum3A_139, %jit3A_510 : i32
    %add3A_512 = arith.addi %add3A_507, %select_n3A_511 : i32
    %gt3A_513 = arith.constant 14 : i32
    %gt3A_514 = arith.cmpi sgt, %sub3A_439, %gt3A_513 : i32
    %jit3A_515 = arith.constant 0 : i32
    %select_n3A_516 = arith.select %gt3A_514, %reduce_sum3A_149, %jit3A_515 : i32
    %add3A_517 = arith.addi %add3A_512, %select_n3A_516 : i32
    %gt3A_518 = arith.constant 15 : i32
    %gt3A_519 = arith.cmpi sgt, %sub3A_439, %gt3A_518 : i32
    %jit3A_520 = arith.constant 0 : i32
    %select_n3A_521 = arith.select %gt3A_519, %reduce_sum3A_159, %jit3A_520 : i32
    %add3A_522 = arith.addi %add3A_517, %select_n3A_521 : i32
    %gt3A_523 = arith.constant 16 : i32
    %gt3A_524 = arith.cmpi sgt, %sub3A_439, %gt3A_523 : i32
    %jit3A_525 = arith.constant 0 : i32
    %select_n3A_526 = arith.select %gt3A_524, %reduce_sum3A_169, %jit3A_525 : i32
    %add3A_527 = arith.addi %add3A_522, %select_n3A_526 : i32
    %gt3A_528 = arith.constant 17 : i32
    %gt3A_529 = arith.cmpi sgt, %sub3A_439, %gt3A_528 : i32
    %jit3A_530 = arith.constant 0 : i32
    %select_n3A_531 = arith.select %gt3A_529, %reduce_sum3A_179, %jit3A_530 : i32
    %add3A_532 = arith.addi %add3A_527, %select_n3A_531 : i32
    %gt3A_533 = arith.constant 18 : i32
    %gt3A_534 = arith.cmpi sgt, %sub3A_439, %gt3A_533 : i32
    %jit3A_535 = arith.constant 0 : i32
    %select_n3A_536 = arith.select %gt3A_534, %reduce_sum3A_189, %jit3A_535 : i32
    %add3A_537 = arith.addi %add3A_532, %select_n3A_536 : i32
    %gt3A_538 = arith.constant 19 : i32
    %gt3A_539 = arith.cmpi sgt, %sub3A_439, %gt3A_538 : i32
    %jit3A_540 = arith.constant 0 : i32
    %select_n3A_541 = arith.select %gt3A_539, %reduce_sum3A_199, %jit3A_540 : i32
    %add3A_542 = arith.addi %add3A_537, %select_n3A_541 : i32
    %add3A_543 = arith.constant 1 : i32
    %add3A_544 = arith.addi %max3A_442, %add3A_543 : i32
    %while3A = arith.constant 0 : i32
    %while3A_545 = arith.subi %add3A_544, %sub3A_439 : i32
    %while3A_546 = arith.addi %sub3A_439, %while3A_545 : i32
    %while3A_547 = arith.constant 1 : i32
    %while3A_548 = arith.divsi %while3A_545, %while3A_547 : i32
    %while3A_549 = arith.muli %while3A_548, %while3A_547 : i32
    %while3A_550 = arith.addi %sub3A_439, %while3A_549 : i32
    %while3A_551 = arith.constant 1 : i32
    %while3A_552 = scf.for %while3A_584 = %sub3A_439 to %while3A_550 step %while3A_551 iter_args(%while3A_585 = %while3A) -> (i32)  : i32 {
      %scan3A_586 = arith.constant 0 : i32
      %scan3A_587 = arith.constant 32 : i32
      %scan3A_588 = arith.addi %scan3A_586, %scan3A_587 : i32
      %scan3A_589 = arith.constant 1 : i32
      %scan3A_590 = scf.for %scan3A_592 = %scan3A_586 to %scan3A_588 step %scan3A_589 iter_args(%scan3A_593 = %while3A_585) -> (i32)  : i32 {
        %mul3A_594 = arith.constant 512 : i32
        %mul3A_595 = arith.muli %while3A_584, %mul3A_594 : i32
        %mul3A_596 = arith.constant 16 : i32
        %mul3A_597 = arith.muli %scan3A_592, %mul3A_596 : i32
        %add3A_598 = arith.addi %mul3A_595, %mul3A_597 : i32
        %get3A_599 = arith.index_cast %add3A_598 : i32 to index
        %get3A_600 = tpu.vector_load %arg5[%get3A_599] {strides = array<i32>} : memref<10240xi32, #tpu.memory_space<vmem>>, vector<16xi32>,
        %gt3A_601 = arith.constant 0 : i32
        %gt3A_602 = vector.broadcast %gt3A_601 : i32 to vector<16xi32>
        %gt3A_603 = arith.cmpi sgt, %get3A_600, %gt3A_602 : vector<16xi32>
        %broadcast_in_dim3A_604 = arith.constant true
        %broadcast_in_dim3A_605 = vector.broadcast %broadcast_in_dim3A_604 : i1 to vector<16xi1>
        %masked_cumsum3A = tpu.scan <sum>, %get3A_600 masked %broadcast_in_dim3A_605 : vector<16xi32>, vector<16xi1> -> vector<16xi32>
        %add3A_606 = vector.broadcast %scan3A_593 : i32 to vector<16xi32>
        %add3A_607 = arith.addi %add3A_606, %masked_cumsum3A : vector<16xi32>
        %sub3A_608 = arith.subi %add3A_607, %get3A_600 : vector<16xi32>
        %mul3A_609 = arith.constant 512 : i32
        %mul3A_610 = arith.muli %while3A_584, %mul3A_609 : i32
        %mul3A_611 = arith.constant 16 : i32
        %mul3A_612 = arith.muli %scan3A_592, %mul3A_611 : i32
        %add3A_613 = arith.addi %mul3A_610, %mul3A_612 : i32
        %add3A_614 = vector.broadcast %add3A_613 : i32 to vector<16xi32>
        %add3A_615 = arith.addi %iota3A, %add3A_614 : vector<16xi32>
        tpu.vector_store_idx %arg6[%sub3A_608], %add3A_615 masked %gt3A_603 : memref<2048xi32, #tpu.memory_space<vmem>>[vector<16xi32>], vector<16xi32>, vector<16xi1>
        %reduce_sum3A_616 = arith.constant true
        %reduce_sum3A_617 = vector.broadcast %reduce_sum3A_616 : i1 to vector<16xi1>
        %reduce_sum3A_618 = tpu.scan <sum>, %get3A_600 masked %reduce_sum3A_617 : vector<16xi32>, vector<16xi1> -> vector<16xi32>
        %reduce_sum3A_619 = vector.extract %reduce_sum3A_618[15] : i32 from vector<16xi32>
        %add3A_620 = arith.addi %scan3A_593, %reduce_sum3A_619 : i32
        scf.yield %add3A_620 : i32
      }
      %scan3A_591 = arith.constant 32 : i32
      scf.yield %scan3A_590 : i32
    }
    %while3A_553 = arith.constant 1 : i32
    %while3A_554 = scf.for %while3A_584 = %while3A_550 to %while3A_546 step %while3A_553 iter_args(%while3A_585 = %while3A_552) -> (i32)  : i32 {
      %scan3A_586 = arith.constant 0 : i32
      %scan3A_587 = arith.constant 32 : i32
      %scan3A_588 = arith.addi %scan3A_586, %scan3A_587 : i32
      %scan3A_589 = arith.constant 1 : i32
      %scan3A_590 = scf.for %scan3A_592 = %scan3A_586 to %scan3A_588 step %scan3A_589 iter_args(%scan3A_593 = %while3A_585) -> (i32)  : i32 {
        %mul3A_594 = arith.constant 512 : i32
        %mul3A_595 = arith.muli %while3A_584, %mul3A_594 : i32
        %mul3A_596 = arith.constant 16 : i32
        %mul3A_597 = arith.muli %scan3A_592, %mul3A_596 : i32
        %add3A_598 = arith.addi %mul3A_595, %mul3A_597 : i32
        %get3A_599 = arith.index_cast %add3A_598 : i32 to index
        %get3A_600 = tpu.vector_load %arg5[%get3A_599] {strides = array<i32>} : memref<10240xi32, #tpu.memory_space<vmem>>, vector<16xi32>,
        %gt3A_601 = arith.constant 0 : i32
        %gt3A_602 = vector.broadcast %gt3A_601 : i32 to vector<16xi32>
        %gt3A_603 = arith.cmpi sgt, %get3A_600, %gt3A_602 : vector<16xi32>
        %broadcast_in_dim3A_604 = arith.constant true
        %broadcast_in_dim3A_605 = vector.broadcast %broadcast_in_dim3A_604 : i1 to vector<16xi1>
        %masked_cumsum3A = tpu.scan <sum>, %get3A_600 masked %broadcast_in_dim3A_605 : vector<16xi32>, vector<16xi1> -> vector<16xi32>
        %add3A_606 = vector.broadcast %scan3A_593 : i32 to vector<16xi32>
        %add3A_607 = arith.addi %add3A_606, %masked_cumsum3A : vector<16xi32>
        %sub3A_608 = arith.subi %add3A_607, %get3A_600 : vector<16xi32>
        %mul3A_609 = arith.constant 512 : i32
        %mul3A_610 = arith.muli %while3A_584, %mul3A_609 : i32
        %mul3A_611 = arith.constant 16 : i32
        %mul3A_612 = arith.muli %scan3A_592, %mul3A_611 : i32
        %add3A_613 = arith.addi %mul3A_610, %mul3A_612 : i32
        %add3A_614 = vector.broadcast %add3A_613 : i32 to vector<16xi32>
        %add3A_615 = arith.addi %iota3A, %add3A_614 : vector<16xi32>
        tpu.vector_store_idx %arg6[%sub3A_608], %add3A_615 masked %gt3A_603 : memref<2048xi32, #tpu.memory_space<vmem>>[vector<16xi32>], vector<16xi32>, vector<16xi1>
        %reduce_sum3A_616 = arith.constant true
        %reduce_sum3A_617 = vector.broadcast %reduce_sum3A_616 : i1 to vector<16xi1>
        %reduce_sum3A_618 = tpu.scan <sum>, %get3A_600 masked %reduce_sum3A_617 : vector<16xi32>, vector<16xi1> -> vector<16xi32>
        %reduce_sum3A_619 = vector.extract %reduce_sum3A_618[15] : i32 from vector<16xi32>
        %add3A_620 = arith.addi %scan3A_593, %reduce_sum3A_619 : i32
        scf.yield %add3A_620 : i32
      }
      %scan3A_591 = arith.constant 32 : i32
      scf.yield %scan3A_590 : i32
    }
    %add3A_555 = arith.constant 1 : i32
    %add3A_556 = arith.addi %sub3A_444, %add3A_555 : i32
    %while3A_557 = arith.constant 0 : i32
    %while3A_558 = arith.subi %add3A_556, %sub3A_444 : i32
    %while3A_559 = arith.addi %sub3A_444, %while3A_558 : i32
    %while3A_560 = arith.constant 1 : i32
    %while3A_561 = arith.divsi %while3A_558, %while3A_560 : i32
    %while3A_562 = arith.muli %while3A_561, %while3A_560 : i32
    %while3A_563 = arith.addi %sub3A_444, %while3A_562 : i32
    %while3A_564 = arith.constant 1 : i32
    %while3A_565 = scf.for %while3A_584 = %sub3A_444 to %while3A_563 step %while3A_564 iter_args(%while3A_585 = %while3A_557) -> (i32)  : i32 {
      %scan3A_586 = arith.constant 0 : i32
      %scan3A_587 = arith.constant 32 : i32
      %scan3A_588 = arith.addi %scan3A_586, %scan3A_587 : i32
      %scan3A_589 = arith.constant 1 : i32
      %scan3A_590 = scf.for %scan3A_592 = %scan3A_586 to %scan3A_588 step %scan3A_589 iter_args(%scan3A_593 = %while3A_585) -> (i32)  : i32 {
        %mul3A_594 = arith.constant 512 : i32
        %mul3A_595 = arith.muli %while3A_584, %mul3A_594 : i32
        %mul3A_596 = arith.constant 16 : i32
        %mul3A_597 = arith.muli %scan3A_592, %mul3A_596 : i32
        %add3A_598 = arith.addi %mul3A_595, %mul3A_597 : i32
        %get3A_599 = arith.index_cast %add3A_598 : i32 to index
        %get3A_600 = tpu.vector_load %arg5[%get3A_599] {strides = array<i32>} : memref<10240xi32, #tpu.memory_space<vmem>>, vector<16xi32>,
        %gt3A_601 = arith.constant 0 : i32
        %gt3A_602 = vector.broadcast %gt3A_601 : i32 to vector<16xi32>
        %gt3A_603 = arith.cmpi sgt, %get3A_600, %gt3A_602 : vector<16xi32>
        %broadcast_in_dim3A_604 = arith.constant true
        %broadcast_in_dim3A_605 = vector.broadcast %broadcast_in_dim3A_604 : i1 to vector<16xi1>
        %masked_cumsum3A = tpu.scan <sum>, %get3A_600 masked %broadcast_in_dim3A_605 : vector<16xi32>, vector<16xi1> -> vector<16xi32>
        %add3A_606 = vector.broadcast %scan3A_593 : i32 to vector<16xi32>
        %add3A_607 = arith.addi %add3A_606, %masked_cumsum3A : vector<16xi32>
        %sub3A_608 = arith.subi %add3A_607, %get3A_600 : vector<16xi32>
        %mul3A_609 = arith.constant 512 : i32
        %mul3A_610 = arith.muli %while3A_584, %mul3A_609 : i32
        %mul3A_611 = arith.constant 16 : i32
        %mul3A_612 = arith.muli %scan3A_592, %mul3A_611 : i32
        %add3A_613 = arith.addi %mul3A_610, %mul3A_612 : i32
        %add3A_614 = vector.broadcast %add3A_613 : i32 to vector<16xi32>
        %add3A_615 = arith.addi %iota3A, %add3A_614 : vector<16xi32>
        tpu.vector_store_idx %arg7[%sub3A_608], %add3A_615 masked %gt3A_603 : memref<512xi32, #tpu.memory_space<vmem>>[vector<16xi32>], vector<16xi32>, vector<16xi1>
        %reduce_sum3A_616 = arith.constant true
        %reduce_sum3A_617 = vector.broadcast %reduce_sum3A_616 : i1 to vector<16xi1>
        %reduce_sum3A_618 = tpu.scan <sum>, %get3A_600 masked %reduce_sum3A_617 : vector<16xi32>, vector<16xi1> -> vector<16xi32>
        %reduce_sum3A_619 = vector.extract %reduce_sum3A_618[15] : i32 from vector<16xi32>
        %add3A_620 = arith.addi %scan3A_593, %reduce_sum3A_619 : i32
        scf.yield %add3A_620 : i32
      }
      %scan3A_591 = arith.constant 32 : i32
      scf.yield %scan3A_590 : i32
    }
    %while3A_566 = arith.constant 1 : i32
    %while3A_567 = scf.for %while3A_584 = %while3A_563 to %while3A_559 step %while3A_566 iter_args(%while3A_585 = %while3A_565) -> (i32)  : i32 {
      %scan3A_586 = arith.constant 0 : i32
      %scan3A_587 = arith.constant 32 : i32
      %scan3A_588 = arith.addi %scan3A_586, %scan3A_587 : i32
      %scan3A_589 = arith.constant 1 : i32
      %scan3A_590 = scf.for %scan3A_592 = %scan3A_586 to %scan3A_588 step %scan3A_589 iter_args(%scan3A_593 = %while3A_585) -> (i32)  : i32 {
        %mul3A_594 = arith.constant 512 : i32
        %mul3A_595 = arith.muli %while3A_584, %mul3A_594 : i32
        %mul3A_596 = arith.constant 16 : i32
        %mul3A_597 = arith.muli %scan3A_592, %mul3A_596 : i32
        %add3A_598 = arith.addi %mul3A_595, %mul3A_597 : i32
        %get3A_599 = arith.index_cast %add3A_598 : i32 to index
        %get3A_600 = tpu.vector_load %arg5[%get3A_599] {strides = array<i32>} : memref<10240xi32, #tpu.memory_space<vmem>>, vector<16xi32>,
        %gt3A_601 = arith.constant 0 : i32
        %gt3A_602 = vector.broadcast %gt3A_601 : i32 to vector<16xi32>
        %gt3A_603 = arith.cmpi sgt, %get3A_600, %gt3A_602 : vector<16xi32>
        %broadcast_in_dim3A_604 = arith.constant true
        %broadcast_in_dim3A_605 = vector.broadcast %broadcast_in_dim3A_604 : i1 to vector<16xi1>
        %masked_cumsum3A = tpu.scan <sum>, %get3A_600 masked %broadcast_in_dim3A_605 : vector<16xi32>, vector<16xi1> -> vector<16xi32>
        %add3A_606 = vector.broadcast %scan3A_593 : i32 to vector<16xi32>
        %add3A_607 = arith.addi %add3A_606, %masked_cumsum3A : vector<16xi32>
        %sub3A_608 = arith.subi %add3A_607, %get3A_600 : vector<16xi32>
        %mul3A_609 = arith.constant 512 : i32
        %mul3A_610 = arith.muli %while3A_584, %mul3A_609 : i32
        %mul3A_611 = arith.constant 16 : i32
        %mul3A_612 = arith.muli %scan3A_592, %mul3A_611 : i32
        %add3A_613 = arith.addi %mul3A_610, %mul3A_612 : i32
        %add3A_614 = vector.broadcast %add3A_613 : i32 to vector<16xi32>
        %add3A_615 = arith.addi %iota3A, %add3A_614 : vector<16xi32>
        tpu.vector_store_idx %arg7[%sub3A_608], %add3A_615 masked %gt3A_603 : memref<512xi32, #tpu.memory_space<vmem>>[vector<16xi32>], vector<16xi32>, vector<16xi1>
        %reduce_sum3A_616 = arith.constant true
        %reduce_sum3A_617 = vector.broadcast %reduce_sum3A_616 : i1 to vector<16xi1>
        %reduce_sum3A_618 = tpu.scan <sum>, %get3A_600 masked %reduce_sum3A_617 : vector<16xi32>, vector<16xi1> -> vector<16xi32>
        %reduce_sum3A_619 = vector.extract %reduce_sum3A_618[15] : i32 from vector<16xi32>
        %add3A_620 = arith.addi %scan3A_593, %reduce_sum3A_619 : i32
        scf.yield %add3A_620 : i32
      }
      %scan3A_591 = arith.constant 32 : i32
      scf.yield %scan3A_590 : i32
    }
    %get3A = arith.constant 0 : index
    %get3A_568 = tpu.vector_load %arg7[%get3A] {strides = array<i32>} : memref<512xi32, #tpu.memory_space<vmem>>, vector<16xi32>,
    %slice3A = vector.extract_strided_slice %get3A_568 {offsets = [0], sizes = [1], strides = [1]} : vector<16xi32> to vector<1xi32>
    %squeeze3A = vector.extract %slice3A[0] : i32 from vector<1xi32>
    %add3A_569 = vector.broadcast %mul3A_222 : i32 to vector<16xi32>
    %add3A_570 = arith.addi %iota3A, %add3A_569 : vector<16xi32>
    %lt3A = vector.broadcast %add3A_220 : i32 to vector<16xi32>
    %lt3A_571 = arith.cmpi slt, %add3A_570, %lt3A : vector<16xi32>
    %sub3A_572 = vector.broadcast %add3A_542 : i32 to vector<16xi32>
    %sub3A_573 = arith.subi %add3A_570, %sub3A_572 : vector<16xi32>
    %select_n3A_574 = arith.select %lt3A_571, %sub3A_573, %broadcast_in_dim3A_1 : vector<16xi1>, vector<16xi32>
    %gather3A = tpu.vector_load_idx %arg6[%select_n3A_574] : memref<2048xi32, #tpu.memory_space<vmem>>[vector<16xi32>], vector<16xi32>,
    %broadcast_in_dim3A_575 = vector.broadcast %squeeze3A : i32 to vector<16xi32>
    %select_n3A_576 = arith.select %lt3A_571, %gather3A, %broadcast_in_dim3A_575 : vector<16xi1>, vector<16xi32>
    %swap3A = arith.constant 0 : index
    %swap3A_577 = tpu.vector_load %arg8[%swap3A] {strides = array<i32>} : memref<16xi32, #tpu.memory_space<vmem>>, vector<16xi32>,
    tpu.vector_store %arg8[%swap3A], %select_n3A_576 {strides = array<i32>} : memref<16xi32, #tpu.memory_space<vmem>>, vector<16xi32>,
    %dma_start3A = arith.constant 0 : i32
    %dma_start3A_578 = arith.constant 0 : i32
    %dma_start3A_579 = tpu.memref_slice %arg3[%dma_start3A, %dma_start3A_578] : memref<10000x128xf32, #tpu.memory_space<hbm>> -> memref<10000x128xf32, #tpu.memory_space<hbm>>
    tpu.enqueue_indirect_dma source(%dma_start3A_579 : memref<10000x128xf32, #tpu.memory_space<hbm>>) target(%arg9 : memref<16x128xf32, #tpu.memory_space<vmem>>) offsets(%arg8 : memref<16xi32, #tpu.memory_space<vmem>>) semaphore(%arg10 : memref<!tpu.dma_semaphore, #tpu.memory_space<semaphore_mem>>)
    %dma_wait3A = arith.constant 0 : i32
    %dma_wait3A_580 = arith.constant 0 : i32
    %dma_wait3A_581 = tpu.memref_slice %arg3[%dma_wait3A, %dma_wait3A_580] : memref<10000x128xf32, #tpu.memory_space<hbm>> -> memref<10000x128xf32, #tpu.memory_space<hbm>>
    tpu.wait_indirect_dma semaphore(%arg10 : memref<!tpu.dma_semaphore, #tpu.memory_space<semaphore_mem>>) src(%dma_wait3A_581 : memref<10000x128xf32, #tpu.memory_space<hbm>>) dst(%arg9 : memref<16x128xf32, #tpu.memory_space<vmem>>)
    %mul3A_582 = arith.constant 16 : i32
    %mul3A_583 = arith.muli %add3A, %mul3A_582 : i32
    "tpu.region"() ({
      %run_scoped3A = tpu.sem_alloc : memref<!tpu.dma_semaphore, #tpu.memory_space<semaphore_mem>>
      %dma_start3A_584 = arith.constant 0 : i32
      %dma_start3A_585 = tpu.memref_slice %arg4[%mul3A_583, %dma_start3A_584] : memref<512x128xf32, #tpu.memory_space<hbm>> -> memref<16x128xf32, #tpu.memory_space<hbm>>
      %dma_start3A_586 = arith.constant 0 : i32
      %dma_start3A_587 = tpu.memref_slice %arg4[%mul3A_583, %dma_start3A_586] : memref<512x128xf32, #tpu.memory_space<hbm>> -> memref<16x128xf32, #tpu.memory_space<hbm>>
      tpu.enqueue_dma source(%arg9 : memref<16x128xf32, #tpu.memory_space<vmem>>) target(%dma_start3A_587 : memref<16x128xf32, #tpu.memory_space<hbm>>) target_semaphore(%run_scoped3A : memref<!tpu.dma_semaphore, #tpu.memory_space<semaphore_mem>>)
      %dma_wait3A_588 = arith.constant 0 : i32
      %dma_wait3A_589 = tpu.memref_slice %arg4[%mul3A_583, %dma_wait3A_588] : memref<512x128xf32, #tpu.memory_space<hbm>> -> memref<16x128xf32, #tpu.memory_space<hbm>>
      %dma_wait3A_590 = arith.constant 0 : i32
      %dma_wait3A_591 = tpu.memref_slice %arg4[%mul3A_583, %dma_wait3A_590] : memref<512x128xf32, #tpu.memory_space<hbm>> -> memref<16x128xf32, #tpu.memory_space<hbm>>
      tpu.wait_dma2 semaphore(%run_scoped3A : memref<!tpu.dma_semaphore, #tpu.memory_space<semaphore_mem>>) src(%arg9 : memref<16x128xf32, #tpu.memory_space<vmem>>) dst(%dma_wait3A_591 : memref<16x128xf32, #tpu.memory_space<hbm>>)
      tpu.yield
    }) : () -> ()
    return
  }
}

module attributes {stable_mosaic.version = 14 : i64} {
  func.func @_or_body(%arg0: memref<32x80x128xi32, #tpu.memory_space<vmem>>, %arg1: memref<80x128xi32, #tpu.memory_space<vmem>>) attributes {dimension_semantics = [], scalar_prefetch = 0 : i64, scratch_operands = 0 : i64, tpu.core_type = #tpu.core_type<tc>} {
    %get3A = arith.constant 0 : index
    %get3A_0 = arith.constant 0 : index
    %get3A_1 = arith.constant 0 : index
    %get3A_2 = vector.load %arg0[%get3A, %get3A_0, %get3A_1] : memref<32x80x128xi32, #tpu.memory_space<vmem>>, vector<1x80x128xi32>
    %get3A_3 = vector.shape_cast %get3A_2 : vector<1x80x128xi32> to vector<80x128xi32>
    %get3A_4 = arith.constant 1 : index
    %get3A_5 = arith.constant 0 : index
    %get3A_6 = arith.constant 0 : index
    %get3A_7 = vector.load %arg0[%get3A_4, %get3A_5, %get3A_6] : memref<32x80x128xi32, #tpu.memory_space<vmem>>, vector<1x80x128xi32>
    %get3A_8 = vector.shape_cast %get3A_7 : vector<1x80x128xi32> to vector<80x128xi32>
    %or3A = arith.ori %get3A_3, %get3A_8 : vector<80x128xi32>
    %get3A_9 = arith.constant 2 : index
    %get3A_10 = arith.constant 0 : index
    %get3A_11 = arith.constant 0 : index
    %get3A_12 = vector.load %arg0[%get3A_9, %get3A_10, %get3A_11] : memref<32x80x128xi32, #tpu.memory_space<vmem>>, vector<1x80x128xi32>
    %get3A_13 = vector.shape_cast %get3A_12 : vector<1x80x128xi32> to vector<80x128xi32>
    %or3A_14 = arith.ori %or3A, %get3A_13 : vector<80x128xi32>
    %get3A_15 = arith.constant 3 : index
    %get3A_16 = arith.constant 0 : index
    %get3A_17 = arith.constant 0 : index
    %get3A_18 = vector.load %arg0[%get3A_15, %get3A_16, %get3A_17] : memref<32x80x128xi32, #tpu.memory_space<vmem>>, vector<1x80x128xi32>
    %get3A_19 = vector.shape_cast %get3A_18 : vector<1x80x128xi32> to vector<80x128xi32>
    %or3A_20 = arith.ori %or3A_14, %get3A_19 : vector<80x128xi32>
    %get3A_21 = arith.constant 4 : index
    %get3A_22 = arith.constant 0 : index
    %get3A_23 = arith.constant 0 : index
    %get3A_24 = vector.load %arg0[%get3A_21, %get3A_22, %get3A_23] : memref<32x80x128xi32, #tpu.memory_space<vmem>>, vector<1x80x128xi32>
    %get3A_25 = vector.shape_cast %get3A_24 : vector<1x80x128xi32> to vector<80x128xi32>
    %or3A_26 = arith.ori %or3A_20, %get3A_25 : vector<80x128xi32>
    %get3A_27 = arith.constant 5 : index
    %get3A_28 = arith.constant 0 : index
    %get3A_29 = arith.constant 0 : index
    %get3A_30 = vector.load %arg0[%get3A_27, %get3A_28, %get3A_29] : memref<32x80x128xi32, #tpu.memory_space<vmem>>, vector<1x80x128xi32>
    %get3A_31 = vector.shape_cast %get3A_30 : vector<1x80x128xi32> to vector<80x128xi32>
    %or3A_32 = arith.ori %or3A_26, %get3A_31 : vector<80x128xi32>
    %get3A_33 = arith.constant 6 : index
    %get3A_34 = arith.constant 0 : index
    %get3A_35 = arith.constant 0 : index
    %get3A_36 = vector.load %arg0[%get3A_33, %get3A_34, %get3A_35] : memref<32x80x128xi32, #tpu.memory_space<vmem>>, vector<1x80x128xi32>
    %get3A_37 = vector.shape_cast %get3A_36 : vector<1x80x128xi32> to vector<80x128xi32>
    %or3A_38 = arith.ori %or3A_32, %get3A_37 : vector<80x128xi32>
    %get3A_39 = arith.constant 7 : index
    %get3A_40 = arith.constant 0 : index
    %get3A_41 = arith.constant 0 : index
    %get3A_42 = vector.load %arg0[%get3A_39, %get3A_40, %get3A_41] : memref<32x80x128xi32, #tpu.memory_space<vmem>>, vector<1x80x128xi32>
    %get3A_43 = vector.shape_cast %get3A_42 : vector<1x80x128xi32> to vector<80x128xi32>
    %or3A_44 = arith.ori %or3A_38, %get3A_43 : vector<80x128xi32>
    %get3A_45 = arith.constant 8 : index
    %get3A_46 = arith.constant 0 : index
    %get3A_47 = arith.constant 0 : index
    %get3A_48 = vector.load %arg0[%get3A_45, %get3A_46, %get3A_47] : memref<32x80x128xi32, #tpu.memory_space<vmem>>, vector<1x80x128xi32>
    %get3A_49 = vector.shape_cast %get3A_48 : vector<1x80x128xi32> to vector<80x128xi32>
    %or3A_50 = arith.ori %or3A_44, %get3A_49 : vector<80x128xi32>
    %get3A_51 = arith.constant 9 : index
    %get3A_52 = arith.constant 0 : index
    %get3A_53 = arith.constant 0 : index
    %get3A_54 = vector.load %arg0[%get3A_51, %get3A_52, %get3A_53] : memref<32x80x128xi32, #tpu.memory_space<vmem>>, vector<1x80x128xi32>
    %get3A_55 = vector.shape_cast %get3A_54 : vector<1x80x128xi32> to vector<80x128xi32>
    %or3A_56 = arith.ori %or3A_50, %get3A_55 : vector<80x128xi32>
    %get3A_57 = arith.constant 10 : index
    %get3A_58 = arith.constant 0 : index
    %get3A_59 = arith.constant 0 : index
    %get3A_60 = vector.load %arg0[%get3A_57, %get3A_58, %get3A_59] : memref<32x80x128xi32, #tpu.memory_space<vmem>>, vector<1x80x128xi32>
    %get3A_61 = vector.shape_cast %get3A_60 : vector<1x80x128xi32> to vector<80x128xi32>
    %or3A_62 = arith.ori %or3A_56, %get3A_61 : vector<80x128xi32>
    %get3A_63 = arith.constant 11 : index
    %get3A_64 = arith.constant 0 : index
    %get3A_65 = arith.constant 0 : index
    %get3A_66 = vector.load %arg0[%get3A_63, %get3A_64, %get3A_65] : memref<32x80x128xi32, #tpu.memory_space<vmem>>, vector<1x80x128xi32>
    %get3A_67 = vector.shape_cast %get3A_66 : vector<1x80x128xi32> to vector<80x128xi32>
    %or3A_68 = arith.ori %or3A_62, %get3A_67 : vector<80x128xi32>
    %get3A_69 = arith.constant 12 : index
    %get3A_70 = arith.constant 0 : index
    %get3A_71 = arith.constant 0 : index
    %get3A_72 = vector.load %arg0[%get3A_69, %get3A_70, %get3A_71] : memref<32x80x128xi32, #tpu.memory_space<vmem>>, vector<1x80x128xi32>
    %get3A_73 = vector.shape_cast %get3A_72 : vector<1x80x128xi32> to vector<80x128xi32>
    %or3A_74 = arith.ori %or3A_68, %get3A_73 : vector<80x128xi32>
    %get3A_75 = arith.constant 13 : index
    %get3A_76 = arith.constant 0 : index
    %get3A_77 = arith.constant 0 : index
    %get3A_78 = vector.load %arg0[%get3A_75, %get3A_76, %get3A_77] : memref<32x80x128xi32, #tpu.memory_space<vmem>>, vector<1x80x128xi32>
    %get3A_79 = vector.shape_cast %get3A_78 : vector<1x80x128xi32> to vector<80x128xi32>
    %or3A_80 = arith.ori %or3A_74, %get3A_79 : vector<80x128xi32>
    %get3A_81 = arith.constant 14 : index
    %get3A_82 = arith.constant 0 : index
    %get3A_83 = arith.constant 0 : index
    %get3A_84 = vector.load %arg0[%get3A_81, %get3A_82, %get3A_83] : memref<32x80x128xi32, #tpu.memory_space<vmem>>, vector<1x80x128xi32>
    %get3A_85 = vector.shape_cast %get3A_84 : vector<1x80x128xi32> to vector<80x128xi32>
    %or3A_86 = arith.ori %or3A_80, %get3A_85 : vector<80x128xi32>
    %get3A_87 = arith.constant 15 : index
    %get3A_88 = arith.constant 0 : index
    %get3A_89 = arith.constant 0 : index
    %get3A_90 = vector.load %arg0[%get3A_87, %get3A_88, %get3A_89] : memref<32x80x128xi32, #tpu.memory_space<vmem>>, vector<1x80x128xi32>
    %get3A_91 = vector.shape_cast %get3A_90 : vector<1x80x128xi32> to vector<80x128xi32>
    %or3A_92 = arith.ori %or3A_86, %get3A_91 : vector<80x128xi32>
    %get3A_93 = arith.constant 16 : index
    %get3A_94 = arith.constant 0 : index
    %get3A_95 = arith.constant 0 : index
    %get3A_96 = vector.load %arg0[%get3A_93, %get3A_94, %get3A_95] : memref<32x80x128xi32, #tpu.memory_space<vmem>>, vector<1x80x128xi32>
    %get3A_97 = vector.shape_cast %get3A_96 : vector<1x80x128xi32> to vector<80x128xi32>
    %or3A_98 = arith.ori %or3A_92, %get3A_97 : vector<80x128xi32>
    %get3A_99 = arith.constant 17 : index
    %get3A_100 = arith.constant 0 : index
    %get3A_101 = arith.constant 0 : index
    %get3A_102 = vector.load %arg0[%get3A_99, %get3A_100, %get3A_101] : memref<32x80x128xi32, #tpu.memory_space<vmem>>, vector<1x80x128xi32>
    %get3A_103 = vector.shape_cast %get3A_102 : vector<1x80x128xi32> to vector<80x128xi32>
    %or3A_104 = arith.ori %or3A_98, %get3A_103 : vector<80x128xi32>
    %get3A_105 = arith.constant 18 : index
    %get3A_106 = arith.constant 0 : index
    %get3A_107 = arith.constant 0 : index
    %get3A_108 = vector.load %arg0[%get3A_105, %get3A_106, %get3A_107] : memref<32x80x128xi32, #tpu.memory_space<vmem>>, vector<1x80x128xi32>
    %get3A_109 = vector.shape_cast %get3A_108 : vector<1x80x128xi32> to vector<80x128xi32>
    %or3A_110 = arith.ori %or3A_104, %get3A_109 : vector<80x128xi32>
    %get3A_111 = arith.constant 19 : index
    %get3A_112 = arith.constant 0 : index
    %get3A_113 = arith.constant 0 : index
    %get3A_114 = vector.load %arg0[%get3A_111, %get3A_112, %get3A_113] : memref<32x80x128xi32, #tpu.memory_space<vmem>>, vector<1x80x128xi32>
    %get3A_115 = vector.shape_cast %get3A_114 : vector<1x80x128xi32> to vector<80x128xi32>
    %or3A_116 = arith.ori %or3A_110, %get3A_115 : vector<80x128xi32>
    %get3A_117 = arith.constant 20 : index
    %get3A_118 = arith.constant 0 : index
    %get3A_119 = arith.constant 0 : index
    %get3A_120 = vector.load %arg0[%get3A_117, %get3A_118, %get3A_119] : memref<32x80x128xi32, #tpu.memory_space<vmem>>, vector<1x80x128xi32>
    %get3A_121 = vector.shape_cast %get3A_120 : vector<1x80x128xi32> to vector<80x128xi32>
    %or3A_122 = arith.ori %or3A_116, %get3A_121 : vector<80x128xi32>
    %get3A_123 = arith.constant 21 : index
    %get3A_124 = arith.constant 0 : index
    %get3A_125 = arith.constant 0 : index
    %get3A_126 = vector.load %arg0[%get3A_123, %get3A_124, %get3A_125] : memref<32x80x128xi32, #tpu.memory_space<vmem>>, vector<1x80x128xi32>
    %get3A_127 = vector.shape_cast %get3A_126 : vector<1x80x128xi32> to vector<80x128xi32>
    %or3A_128 = arith.ori %or3A_122, %get3A_127 : vector<80x128xi32>
    %get3A_129 = arith.constant 22 : index
    %get3A_130 = arith.constant 0 : index
    %get3A_131 = arith.constant 0 : index
    %get3A_132 = vector.load %arg0[%get3A_129, %get3A_130, %get3A_131] : memref<32x80x128xi32, #tpu.memory_space<vmem>>, vector<1x80x128xi32>
    %get3A_133 = vector.shape_cast %get3A_132 : vector<1x80x128xi32> to vector<80x128xi32>
    %or3A_134 = arith.ori %or3A_128, %get3A_133 : vector<80x128xi32>
    %get3A_135 = arith.constant 23 : index
    %get3A_136 = arith.constant 0 : index
    %get3A_137 = arith.constant 0 : index
    %get3A_138 = vector.load %arg0[%get3A_135, %get3A_136, %get3A_137] : memref<32x80x128xi32, #tpu.memory_space<vmem>>, vector<1x80x128xi32>
    %get3A_139 = vector.shape_cast %get3A_138 : vector<1x80x128xi32> to vector<80x128xi32>
    %or3A_140 = arith.ori %or3A_134, %get3A_139 : vector<80x128xi32>
    %get3A_141 = arith.constant 24 : index
    %get3A_142 = arith.constant 0 : index
    %get3A_143 = arith.constant 0 : index
    %get3A_144 = vector.load %arg0[%get3A_141, %get3A_142, %get3A_143] : memref<32x80x128xi32, #tpu.memory_space<vmem>>, vector<1x80x128xi32>
    %get3A_145 = vector.shape_cast %get3A_144 : vector<1x80x128xi32> to vector<80x128xi32>
    %or3A_146 = arith.ori %or3A_140, %get3A_145 : vector<80x128xi32>
    %get3A_147 = arith.constant 25 : index
    %get3A_148 = arith.constant 0 : index
    %get3A_149 = arith.constant 0 : index
    %get3A_150 = vector.load %arg0[%get3A_147, %get3A_148, %get3A_149] : memref<32x80x128xi32, #tpu.memory_space<vmem>>, vector<1x80x128xi32>
    %get3A_151 = vector.shape_cast %get3A_150 : vector<1x80x128xi32> to vector<80x128xi32>
    %or3A_152 = arith.ori %or3A_146, %get3A_151 : vector<80x128xi32>
    %get3A_153 = arith.constant 26 : index
    %get3A_154 = arith.constant 0 : index
    %get3A_155 = arith.constant 0 : index
    %get3A_156 = vector.load %arg0[%get3A_153, %get3A_154, %get3A_155] : memref<32x80x128xi32, #tpu.memory_space<vmem>>, vector<1x80x128xi32>
    %get3A_157 = vector.shape_cast %get3A_156 : vector<1x80x128xi32> to vector<80x128xi32>
    %or3A_158 = arith.ori %or3A_152, %get3A_157 : vector<80x128xi32>
    %get3A_159 = arith.constant 27 : index
    %get3A_160 = arith.constant 0 : index
    %get3A_161 = arith.constant 0 : index
    %get3A_162 = vector.load %arg0[%get3A_159, %get3A_160, %get3A_161] : memref<32x80x128xi32, #tpu.memory_space<vmem>>, vector<1x80x128xi32>
    %get3A_163 = vector.shape_cast %get3A_162 : vector<1x80x128xi32> to vector<80x128xi32>
    %or3A_164 = arith.ori %or3A_158, %get3A_163 : vector<80x128xi32>
    %get3A_165 = arith.constant 28 : index
    %get3A_166 = arith.constant 0 : index
    %get3A_167 = arith.constant 0 : index
    %get3A_168 = vector.load %arg0[%get3A_165, %get3A_166, %get3A_167] : memref<32x80x128xi32, #tpu.memory_space<vmem>>, vector<1x80x128xi32>
    %get3A_169 = vector.shape_cast %get3A_168 : vector<1x80x128xi32> to vector<80x128xi32>
    %or3A_170 = arith.ori %or3A_164, %get3A_169 : vector<80x128xi32>
    %get3A_171 = arith.constant 29 : index
    %get3A_172 = arith.constant 0 : index
    %get3A_173 = arith.constant 0 : index
    %get3A_174 = vector.load %arg0[%get3A_171, %get3A_172, %get3A_173] : memref<32x80x128xi32, #tpu.memory_space<vmem>>, vector<1x80x128xi32>
    %get3A_175 = vector.shape_cast %get3A_174 : vector<1x80x128xi32> to vector<80x128xi32>
    %or3A_176 = arith.ori %or3A_170, %get3A_175 : vector<80x128xi32>
    %get3A_177 = arith.constant 30 : index
    %get3A_178 = arith.constant 0 : index
    %get3A_179 = arith.constant 0 : index
    %get3A_180 = vector.load %arg0[%get3A_177, %get3A_178, %get3A_179] : memref<32x80x128xi32, #tpu.memory_space<vmem>>, vector<1x80x128xi32>
    %get3A_181 = vector.shape_cast %get3A_180 : vector<1x80x128xi32> to vector<80x128xi32>
    %or3A_182 = arith.ori %or3A_176, %get3A_181 : vector<80x128xi32>
    %get3A_183 = arith.constant 31 : index
    %get3A_184 = arith.constant 0 : index
    %get3A_185 = arith.constant 0 : index
    %get3A_186 = vector.load %arg0[%get3A_183, %get3A_184, %get3A_185] : memref<32x80x128xi32, #tpu.memory_space<vmem>>, vector<1x80x128xi32>
    %get3A_187 = vector.shape_cast %get3A_186 : vector<1x80x128xi32> to vector<80x128xi32>
    %or3A_188 = arith.ori %or3A_182, %get3A_187 : vector<80x128xi32>
    %swap3A = arith.constant 0 : index
    %swap3A_189 = arith.constant 0 : index
    %swap3A_190 = vector.load %arg1[%swap3A, %swap3A_189] : memref<80x128xi32, #tpu.memory_space<vmem>>, vector<80x128xi32>
    tpu.vector_store %arg1[%swap3A, %swap3A_189], %or3A_188 {strides = array<i32>} : memref<80x128xi32, #tpu.memory_space<vmem>>, vector<80x128xi32>,
    return
  }
}

module attributes {stable_mosaic.version = 14 : i64} {
  func.func @_mm_body(%arg0: memref<10000x128xf32, #tpu.memory_space<vmem>>, %arg1: memref<128x128xf32, #tpu.memory_space<vmem>>, %arg2: memref<1x128xf32, #tpu.memory_space<vmem>>, %arg3: memref<10000x128xf32, #tpu.memory_space<vmem>>) attributes {dimension_semantics = [], scalar_prefetch = 0 : i64, scratch_operands = 0 : i64, tpu.core_type = #tpu.core_type<tc>} {
    %get3A = arith.constant 0 : index
    %get3A_0 = arith.constant 0 : index
    %get3A_1 = vector.load %arg0[%get3A, %get3A_0] : memref<10000x128xf32, #tpu.memory_space<vmem>>, vector<10000x128xf32>
    %get3A_2 = arith.constant 0 : index
    %get3A_3 = arith.constant 0 : index
    %get3A_4 = vector.load %arg1[%get3A_2, %get3A_3] : memref<128x128xf32, #tpu.memory_space<vmem>>, vector<128x128xf32>
    %dot_general3A = arith.constant dense<0.000000e+00> : vector<10000x128xf32>
    %dot_general3A_5 = tpu.matmul %get3A_1, %get3A_4, %dot_general3A {dimension_numbers = #tpu.dot_dimension_numbers<[1], [0], [0], [1], [0, 0, 1, 1], [], []>, transpose_lhs_hint = false} : vector<10000x128xf32>, vector<128x128xf32>, vector<10000x128xf32> -> vector<10000x128xf32>
    %get3A_6 = arith.constant 0 : index
    %get3A_7 = arith.constant 0 : index
    %get3A_8 = vector.load %arg2[%get3A_6, %get3A_7] : memref<1x128xf32, #tpu.memory_space<vmem>>, vector<1x128xf32>
    %add3A = vector.broadcast %get3A_8 : vector<1x128xf32> to vector<10000x128xf32>
    %add3A_9 = arith.addf %dot_general3A_5, %add3A : vector<10000x128xf32>
    %swap3A = arith.constant 0 : index
    %swap3A_10 = arith.constant 0 : index
    %swap3A_11 = vector.load %arg3[%swap3A, %swap3A_10] : memref<10000x128xf32, #tpu.memory_space<vmem>>, vector<10000x128xf32>
    tpu.vector_store %arg3[%swap3A, %swap3A_10], %add3A_9 {strides = array<i32>} : memref<10000x128xf32, #tpu.memory_space<vmem>>, vector<10000x128xf32>,
    return
  }
}

</mosaic_0001>

<sc_bundles>
// kernel: kernel.6.cloned.1.call-start
scs
__scs_entry_jumppad:
0x0: {  	(pc) =	sbr.rel $0x88, $3  }
0x1: {  	(tag) =	ssettag $0x0;
	lr =	simm.s32 $0x1  }
0x2: {  	[smem:$0x3F9D] =	sst lr;
	_ =	strace $0xD0000000  }
0x3: {  	_ = 	snop  }
0x4: {  	_ = 	snop  }
0x5: {  	_ = 	snop  }
0x6: {  	_ = 	snop  }
0x7: {  	_ = 	snop  }
__scs_overlays_trampoline_lowered:
0x8: {  	[smem:$0x3FAC] =	sst s0  }
0x9: {  	[smem:$0x3FAD] =	sst s1  }
0xa: {  	[smem:$0x3FAE] =	sst s2  }
0xb: {  	[smem:$0x3FAF] =	sst s3  }
0xc: {  	[smem:$0x3FB0] =	sst s4  }
0xd: {  	[smem:$0x3FB1] =	sst s5  }
0xe: {  	[smem:$0x3FB2] =	sst s6  }
0xf: {  	[smem:$0x3FB3] =	sst s7  }
0x10: {  	[smem:$0x3FB4] =	sst s8  }
0x11: {  	[smem:$0x3FB5] =	sst s9;
	s0 =	simm.s32 @!p0 $0x0  }
0x12: {  	s1 =	sld [smem:$0x3F9B];
	s0 =	simm.s32 @p0 $0x1  }
0x13: {  	[smem:$0x3FB6] =	sst s0;
	s0 =	simm.s32 @!p1 $0x0  }
0x14: {  	s2 =	sld [smem:$0x3F9A];
	s0 =	simm.s32 @p1 $0x1  }
0x15: {  	[smem:$0x3FB7] =	sst s0;
	s0 =	simm.s32 @!p2 $0x0  }
0x16: {  	s3 =	sld [smem:$0x3FDB];
	s0 =	simm.s32 @p2 $0x1  }
0x17: {  	s4 =	simm.s32 $0x1BF5;
	[smem:$0x3FB9] =	sst s0  }
0x18: {  	s0 =	sld [smem:$0x3F9C];
	_ =	swait.ge [sflag:s4], $0x0  }
0x19: {  	s7 =	sld [smem:$0x3F9D]  }
0x1a: {  	s8 =	sadd.s32 $0xFFFFE003, lr  }
0x1b: {  	s9 =	sadd.s32 $0xFFFFFEF7, lr;
	s5 =	simm.s32 $0xFFFFFFFF;
	p2 =	slt.u32 s8, $0xFFFFF086  }
0x1c: {  	p1 =	slt.u32 s9, $0xF7A;
	s5 =	simm.s32 @!p2 $0x0  }
0x1d: {  	s5 =	simm.s32 @p1 $0x1;
	p0 =	seq.s32 s7, s2  }
0x1e: {  	s7 =	smul.u32 @!p0 $0xF7A, s2;
	p2 =	seq.s32 @!p0 s5, $0x0  }
0x1f: {  	s9 =	smul.u32 $0xF7A, s1;
	s8 =	simm.s32 @!p0 $0x1BF5;
	p2 =	por !p2, p0  }
0x20: {  	[sflag:s8] =	ssyncset.s32 @!p0 $0xFFFFF086;
	s6 =	sadd.s32 @!p0 s3, s7;
	s7 =	simm.s32 @!p0 $0x108  }
0x21: {  	s3 =	sadd.s32 s3, s9;
	s6 =	sadd.s32 @!p0 $0x88, s6;
	s7 =	simm.s32 @p2 $0x1082  }
0x22: {  	[simem:s7], [sflag:s8] =	dma.local @!p0 [hbm:s6], $0xF7A  }
0x23: {  	s9 =	sor.u32 $0xD0000000, s2;
	s6 =	simm.s32 $0x108;
	_ =	swait.ge @!p0 [sflag:s8], $0x0  }
0x24: {  	s3 =	sadd.s32 $0x88, s3;
	s6 =	simm.s32 @!p1 $0x1082;
	[sflag:s4] =	ssyncset.s32 $0xFFFFF086  }
0x25: {  	[simem:s6], [sflag:s4] =	dma.local [hbm:s3], $0xF7A  }
0x26: {  	[smem:$0x3F9D] =	sst s1;
	(tag) =	ssettag s2;
	_ =	strace s9  }
0x27: {  	s1 =	sld [smem:$0x3FAD]  }
0x28: {  	s2 =	sld [smem:$0x3FAE]  }
0x29: {  	s4 =	sld [smem:$0x3FB0]  }
0x2a: {  	p0 =	seq.s32 s5, $0x0;
	s5 =	sld [smem:$0x3FB1]  }
0x2b: {  	s6 =	sld [smem:$0x3FB2]  }
0x2c: {  	s7 =	sld [smem:$0x3FB3]  }
0x2d: {  	s3 =	simm.s32 $0x108;
	s8 =	sld [smem:$0x3FB4]  }
0x2e: {  	s3 =	simm.s32 @!p0 $0x1082;
	s9 =	sld [smem:$0x3FB5]  }
0x2f: {  	lr =	sadd.s32 s0, s3;
	s0 =	sld [smem:$0x3FAC]  }
0x30: {  	s3 =	sld [smem:$0x3FAF]  }
0x31: {  	[smem:$0x3FB8] =	sst s10  }
0x32: {  	s10 =	sld [smem:$0x3FB6];
	_ =	sdelay $0x3  }
0x33: {  	p0 =	seq.s32 s10, $0x1;
	s10 =	sld [smem:$0x3FB8];
	_ =	sdelay $0x3  }
0x34: {  	[smem:$0x3FB8] =	sst s10  }
0x35: {  	s10 =	sld [smem:$0x3FB7];
	_ =	sdelay $0x3  }
0x36: {  	p1 =	seq.s32 s10, $0x1;
	s10 =	sld [smem:$0x3FB8];
	_ =	sdelay $0x3  }
0x37: {  	[smem:$0x3FB8] =	sst s10  }
0x38: {  	s10 =	sld [smem:$0x3FB9]  }
0x39: {  	_ = 	snop;
	(pc) =	sbr.ind lr, $3  }
0x3a: {  	_ = 	snop  }
0x3b: {  	_ = 	snop  }
0x3c: {  	p2 =	seq.s32 s10, $0x1;
	s10 =	sld [smem:$0x3FB8]  }
0x3d: {  	_ =	shalt  }
0x3e: {  	_ =	shalt  }
0x3f: {  	_ =	shalt  }
0x40: {  	_ =	shalt  }
0x41: {  	_ =	shalt  }
0x42: {  	_ =	shalt  }
0x43: {  	_ =	shalt  }
0x44: {  	_ =	shalt  }
0x45: {  	_ =	shalt  }
0x46: {  	_ =	shalt  }
0x47: {  	_ =	shalt  }
0x48: {  	_ =	shalt  }
0x49: {  	_ =	shalt  }
0x4a: {  	_ =	shalt  }
0x4b: {  	_ =	shalt  }
0x4c: {  	_ =	shalt  }
0x4d: {  	_ =	shalt  }
0x4e: {  	_ =	shalt  }
0x4f: {  	_ =	shalt  }
0x50: {  	_ =	shalt  }
0x51: {  	_ =	shalt  }
0x52: {  	_ =	shalt  }
0x53: {  	_ =	shalt  }
0x54: {  	_ =	shalt  }
0x55: {  	_ =	shalt  }
0x56: {  	_ =	shalt  }
0x57: {  	_ =	shalt  }
0x58: {  	_ =	shalt  }
0x59: {  	_ =	shalt  }
0x5a: {  	_ =	shalt  }
0x5b: {  	_ =	shalt  }
0x5c: {  	_ =	shalt  }
0x5d: {  	_ =	shalt  }
0x5e: {  	_ =	shalt  }
0x5f: {  	_ =	shalt  }
0x60: {  	_ =	shalt  }
0x61: {  	_ =	shalt  }
0x62: {  	_ =	shalt  }
0x63: {  	_ =	shalt  }
0x64: {  	_ =	shalt  }
0x65: {  	_ =	shalt  }
0x66: {  	_ =	shalt  }
0x67: {  	_ =	shalt  }
0x68: {  	_ =	shalt  }
0x69: {  	_ =	shalt  }
0x6a: {  	_ =	shalt  }
0x6b: {  	_ =	shalt  }
0x6c: {  	_ =	shalt  }
0x6d: {  	_ =	shalt  }
0x6e: {  	_ =	shalt  }
0x6f: {  	_ =	shalt  }
0x70: {  	_ =	shalt  }
0x71: {  	_ =	shalt  }
0x72: {  	_ =	shalt  }
0x73: {  	_ =	shalt  }
0x74: {  	_ =	shalt  }
0x75: {  	_ =	shalt  }
0x76: {  	_ =	shalt  }
0x77: {  	_ =	shalt  }
0x78: {  	_ =	shalt  }
0x79: {  	_ =	shalt  }
0x7a: {  	_ =	shalt  }
0x7b: {  	_ =	shalt  }
0x7c: {  	_ =	shalt  }
0x7d: {  	_ =	shalt  }
0x7e: {  	_ =	shalt  }
0x7f: {  	_ =	shalt  }
0x80: {  	_ =	shalt  }
0x81: {  	_ =	shalt  }
0x82: {  	_ =	shalt  }
0x83: {  	_ =	shalt  }
0x84: {  	_ =	shalt  }
0x85: {  	_ =	shalt  }
0x86: {  	_ =	shalt  }
0x87: {  	_ =	shalt  }
.Lfunc_end0:
.L_simem_size_0:
called_computation_lowered:
.L_overlay_start_0:
0x88: {  	s2 =	sld [smem:$0x3FD9]  }
0x89: {  	s3 =	sld [smem:$0x3FFE];
	_ =	sdelay $0x1  }
0x8a: {  	s1 =	srdreg.scid  }
0x8b: {  	s0 =	sand.u32 $0x1, s1  }
0x8c: {  	s16 =	sshll.u32 s0, $0xA;
	s2 =	sadd.s32 s3, s2  }
0x8d: {  	s2 =	sadd.s32 s2, s16  }
0x8e: {  	[smem:$0x3FC4] =	sst s2  }
0x8f: {  	_ = 	snop  }
0x90: {  	(tm) =	ssettm $0x1  }
0x91: {  	s17 =	sld [smem:$0x3FFB];
	_ =	sdelay $0x3  }
0x92: {  	_ =	strace s17  }
0x93: {  	s2 =	sld [smem:$0x3FFC];
	_ =	sdelay $0x3  }
0x94: {  	_ =	strace s2  }
0x95: {  	s2 =	sld [smem:$0x3FFD];
	_ =	sdelay $0x3  }
0x96: {  	_ =	strace s2  }
0x97: {  	_ =	strace $0x8FFFFFFF  }
0x98: {  	s18 =	sld [smem:$0x3FDB];
	_ =	sdelay $0x1  }
0x99: {  	s19 =	simm.s32 $_scs_section_size  }
0x9a: {  	s4 =	simm.s32 $_size__tile_overlayer_lowered;
	s5 =	simm.s32 $_tile_overlayer_lowered  }
0x9b: {  	s22 =	simm.s32 $0x1BFF;
	s21 =	sshll.u32 s5, $0x1;
	s2 =	sadd.s32 s19, s18  }
0x9c: {  	s6 =	simm.s32 $0x0;
	s20 =	sshll.u32 s4, $0x1;
	s4 =	sadd.s32 s21, s2  }
0x9d: {  	[timem:s6], [sflag:s22] =	dma.local [hbm:s4], s20  }
0x9e: {  	_ =	swait.ge [sflag:s22], s20  }
0x9f: {  	s3 =	ssub.s32 $0x0, s20;
	[sflag:s22] =	ssyncset.done $0x0  }
0xa0: {  	[sflag:s22] =	ssyncadd.s32 s3;
	_ =	sdelay $0x1  }
0xa1: {  	s23 =	simm.s32 $0x1B8B  }
0xa2: {  	_ =	swait.ge [sflag:s23], $0x1  }
0xa3: {  	[sflag:s23] =	ssyncset.done $0x0  }
0xa4: {  	s25 =	simm.s32 $0x1B8E;
	s24 =	sld [smem:$0x3FFE];
	[sflag:s23] =	ssyncadd.s32 $0xFFFFFFFF  }
0xa5: {  	s26 =	simm.s32 $execute0_lowered;
	[smem:$0x3FD2] =	sst s25  }
0xa6: {  	s4 =	sshll.u32 s26, $0x1;
	_ =	strace $0x80000046;
	[dreg:$0x1] =	wrdreg $0xFFFFFFFF  }
0xa7: {  	s28 =	simm.s32 $_size_execute0_lowered;
	s2 =	sadd.s32 s2, s4;
	[dreg:$0x0] =	wrdreg $0x0  }
0xa8: {  	s4 =	sshll.u32 s28, $0x1;
	[dreg:$0x2] =	wrdreg s2  }
0xa9: {  	[dreg:$0x3] =	wrdreg s4  }
0xaa: {  	[dreg:$0x4] =	wrdreg $0xC0  }
0xab: {  	_ =	task [dreg:s6], $0x5FFFF  }
0xac: {  	[dreg:$0x1] =	wrdreg $0xFFFFFFFF  }
0xad: {  	[dreg:$0x0] =	wrdreg $0x60  }
0xae: {  	[dreg:$0x2] =	wrdreg s24  }
0xaf: {  	[dreg:$0x3] =	wrdreg $0x9  }
0xb0: {  	_ =	task.clear_ibuf [dreg:s6], $0x4FFFF;
	_ =	strace $0x90000046  }
0xb1: {  	s29 =	simm.s32 $0x9;
	_ =	strace $0x80000048  }
0xb2: {  	_ =	swait.ge [sflag:s29], $0x1  }
0xb3: {  	[sflag:s29] =	ssyncadd.s32 $0xFFFFFFFF  }
0xb4: {  	_ =	strace $0x90000048  }
0xb5: {  	_ =	sfence  }
0xb6: {  	s30 =	sld [smem:$0x0];
	_ =	sdelay $0x2  }
0xb7: {  	s31 =	sshll.u32 s1, $0xD;
	s1 =	sshrl.u32 s1, $0x2  }
0xb8: {  	s3 =	sand.u32 $0x4000, s31;
	s1 =	sadd.s32 s1, s30  }
0xb9: {  	s0 =	sor.u32 s3, s0;
	s1 =	sshll.u32 s1, $0x11  }
0xba: {  	s0 =	sor.u32 s1, s0  }
0xbb: {  	s0 =	sadd.s32 $0x8F2B, s0  }
0xbc: {  	[sflag:s0] =	ssyncadd.remote.s32 $0x1  }
0xbd: {  	_ =	sfence.sel $0xFFFF  }
0xbe: {  	[dreg:$0x0] =	wrdreg $0xFFFFFFFF;
	(pc) =	sbr.abs _section_cstart, $3  }
0xbf: {  	[dreg:$0x1] =	wrdreg $0xFFFFFFFF  }
0xc0: {  	_ =	task.clear_ibuf [dreg:s6], $0x2FFFF;
	_ =	strace $0x9FFFFFFF  }
0xc1: {  	(tm) =	ssettm $0x7FFFFFFF  }
tec
execute0_lowered:
.L_overlay_start_1:
0x0: {  	(tag) =	ssettag $0x1  }
0x1: {  	s0 =	srdreg.scid  }
0x2: {  	s3 =	sand.u32 $0x1, s0  }
0x3: {  	s4 =	rddreg [dreg:$0x0];
	s0 =	stileid.u32;
	s1 =	sshll.u32 s3, $0x4  }
0x4: {  	s2 =	simm.s32 $0x0;
	s8 =	simm.s32 $0x0;
	s5 =	sor.u32 s0, s1  }
0x5: {  	[smem:$0x7FF] =	sst s2;
	s3 =	ssub.s32 $0x2, s3;
	s6 =	smul.u32 $0x4E2, s5  }
0x6: {  	s1 =	rddreg [dreg:$0x1];
	s7 =	sshrl.u32 s3, $0x1;
	s5 =	smul.u32 $0x500, s5  }
0x7: {  	_ =	strace $0x80000047;
	s31 =	ssub.s32 s3, s7;
	s7 =	simm.s32 $0x2710  }
0x8: {  	s6 =	sadd.s32 s6, s4;
	s4 =	sadd.s32 s5, s4;
	s5 =	smax.u32 s31, $0x1  }
0x9: {  	v0 =	vimm.s32 $0x0;
	v1 =	vimm.s32 $0x1;
	s3 =	sadd.s32 $0x1600, s6;
	s4 =	sadd.s32 $0xB400, s4;
	s6 =	simm.s32 $0x1  }
.LBB2_1:
0xa: {  	s9 =	simm.s32 $0x2750  }
0xb: {  	[tilespmem:s9+$0xFFFFFFC0] =	vst v0  }
0xc: {  	[tilespmem:s9+$0x30] =	vst v0  }
0xd: {  	[tilespmem:s9+$0x20] =	vst v0  }
0xe: {  	[tilespmem:s9+$0x10] =	vst v0  }
0xf: {  	[tilespmem:s9+$0x0] =	vst v0  }
0x10: {  	[tilespmem:s9+$0xFFFFFFF0] =	vst v0  }
0x11: {  	s10 =	simm.s32 $0x0;
	[tilespmem:s9+$0xFFFFFFE0] =	vst v0  }
.LBB2_2:
0x12: {  	s10 =	sadd.s32 $0x8, s10;
	[tilespmem:s9+$0xFFFFFFD0] =	vst v0;
	s9 =	sadd.s32 $0x80, s9  }
0x13: {  	[tilespmem:s9+$0xFFFFFFC0] =	vst v0;
	p0 =	slt.u32 s10, $0x278  }
0x14: {  	[tilespmem:s9+$0x30] =	vst v0  }
.Ltmp0:
0x15: {  	[tilespmem:s9+$0x20] =	vst v0;
	(pc) =	sbr.rel @p0 .LBB2_2-.Ltmp0, $4  }
0x16: {  	[tilespmem:s9+$0x10] =	vst v0  }
0x17: {  	[tilespmem:s9+$0x0] =	vst v0  }
0x18: {  	[tilespmem:s9+$0xFFFFFFF0] =	vst v0  }
0x19: {  	[tilespmem:s9+$0xFFFFFFE0] =	vst v0  }
0x1a: {  	[tilespmem:s9+$0xFFFFFFD0] =	vst v0  }
0x1b: {  	[tilespmem:s2], [sflag:$0x1] =	stream.linear.gather [hbm4b:s3+s2], $0x2710, $0x38;
	[tilespmem:$0x4F10] =	vst v63  }
0x1c: {  	_ =	swait.ge [sflag:s6], $0x2710  }
0x1d: {  	[sflag:s6] =	ssyncset.done $0x0  }
0x1e: {  	s9 =	simm.s32 $0xFFFFFFF8;
	s10 =	simm.s32 $0x40;
	[sflag:s6] =	ssyncadd.s32 $0xFFFFD8F0  }
.LBB2_4:
0x1f: {  	v2 =	vld [tilespmem:s10+$0xFFFFFFC0];
	_ =	sdelay $0x7  }
0x20: {  	[tilespmem:v2+s7+$0x0] =	vst.idx.msk $0xffff, v1  }
0x21: {  	v2 =	vld [tilespmem:s10+$0xFFFFFFD0];
	_ =	sdelay $0x7  }
0x22: {  	[tilespmem:v2+s7+$0x0] =	vst.idx.msk $0xffff, v1  }
0x23: {  	v2 =	vld [tilespmem:s10+$0xFFFFFFE0];
	_ =	sdelay $0x7  }
0x24: {  	[tilespmem:v2+s7+$0x0] =	vst.idx.msk $0xffff, v1  }
0x25: {  	v2 =	vld [tilespmem:s10+$0xFFFFFFF0];
	_ =	sdelay $0x7  }
0x26: {  	[tilespmem:v2+s7+$0x0] =	vst.idx.msk $0xffff, v1  }
0x27: {  	v2 =	vld [tilespmem:s10+$0x0];
	_ =	sdelay $0x7  }
0x28: {  	[tilespmem:v2+s7+$0x0] =	vst.idx.msk $0xffff, v1  }
0x29: {  	v2 =	vld [tilespmem:s10+$0x10];
	_ =	sdelay $0x7  }
0x2a: {  	[tilespmem:v2+s7+$0x0] =	vst.idx.msk $0xffff, v1  }
0x2b: {  	v2 =	vld [tilespmem:s10+$0x20];
	_ =	sdelay $0x7  }
0x2c: {  	[tilespmem:v2+s7+$0x0] =	vst.idx.msk $0xffff, v1  }
0x2d: {  	v2 =	vld [tilespmem:s10+$0x30];
	_ =	sdelay $0x1  }
0x2e: {  	s9 =	sadd.s32 $0x8, s9  }
0x2f: {  	p0 =	slt.u32 s9, $0x268  }
.Ltmp1:
0x30: {  	_ = 	snop;
	(pc) =	sbr.rel @p0 .LBB2_4-.Ltmp1, $2  }
0x31: {  	_ =	sdelay $0x2  }
0x32: {  	s10 =	sadd.s32 $0x80, s10;
	[tilespmem:v2+s7+$0x0] =	vst.idx.msk $0xffff, v1  }
0x33: {  	v2 =	vld [tilespmem:$0x2700];
	_ =	sdelay $0x5  }
0x34: {  	s8 =	sadd.s32 $0x1, s8  }
0x35: {  	p0 =	sne.s32 s8, s5  }
.Ltmp2:
0x36: {  	[tilespmem:v2+s7+$0x0] =	vst.idx.msk $0xffff, v1;
	(pc) =	sbr.rel @p0 .LBB2_1-.Ltmp2, $4  }
0x37: {  	[hbm4b:s4+s2] =	stream.linear.scatter [tilespmem:s7], [sflag:$0x1], $0x2800, $0x38;
	[tilespmem:$0x4F10] =	vst v63  }
0x38: {  	_ =	swait.ge [sflag:s6], $0x2800  }
0x39: {  	[sflag:s6] =	ssyncset.done $0x0  }
0x3a: {  	[sflag:s6] =	ssyncadd.s32 $0xFFFFD800  }
0x3b: {  	_ =	sfence.sel $0x180000  }
0x3c: {  	[bflag:$0x0] =	sbarrier.arrive $0xFFFF  }
0x3d: {  	p0 =	sne.s32 s0, $0x0;
	_ =	strace $0x90000047  }
0x3e: {  	s0 =	sadd.s32 @!p0 $0x100000, s1;
	[bflag:$0x2] =	sbarrier.arrive $0xFFFF  }
0x3f: {  	[sflag:s0] =	ssyncadd.tile.s32 @!p0 $0x1;
	_ =	shalt  }
.Lfunc_end2:
_tile_overlayer_lowered:
.L_overlay_start_2:
0x40: {  	(tag) =	ssettag $0x2  }
0x41: {  	s0 =	rddreg [dreg:$0x0];
	s2 =	stileid.u32  }
0x42: {  	s1 =	rddreg [dreg:$0x1];
	p0 =	sne.s32 s2, $0x0  }
0x43: {  	s3 =	rddreg [dreg:$0x2];
	[bflag:$0x3] =	sbarrier.arrive $0xFFFF;
	s2 =	simm.s32 @!p0 $0x1C01  }
0x44: {  	[timem:s3], [sflag:s2] =	dma.local @!p0 [hbm:s0], s1  }
0x45: {  	s0 =	simm.s32 @!p0 $0x1  }
0x46: {  	_ =	swait.ge @!p0 [sflag:s0], s1  }
0x47: {  	s1 =	ssub.s32 @!p0 $0x0, s1;
	[sflag:s0] =	ssyncset.done @!p0 $0x0  }
0x48: {  	[sflag:s0] =	ssyncadd.s32 @!p0 s1  }
0x49: {  	[bflag:$0x3] =	sbarrier.arrive $0xFFFF  }
0x4a: {  	_ =	shalt  }

// kernel: kernel.9.cloned.1.call-start
scs
__scs_entry_jumppad:
0x0: {  	(pc) =	sbr.rel $0x88, $3  }
0x1: {  	(tag) =	ssettag $0x0;
	lr =	simm.s32 $0x1  }
0x2: {  	[smem:$0x3F9D] =	sst lr;
	_ =	strace $0xD0000000  }
0x3: {  	_ = 	snop  }
0x4: {  	_ = 	snop  }
0x5: {  	_ = 	snop  }
0x6: {  	_ = 	snop  }
0x7: {  	_ = 	snop  }
__scs_overlays_trampoline_lowered:
0x8: {  	[smem:$0x3FAC] =	sst s0  }
0x9: {  	[smem:$0x3FAD] =	sst s1  }
0xa: {  	[smem:$0x3FAE] =	sst s2  }
0xb: {  	[smem:$0x3FAF] =	sst s3  }
0xc: {  	[smem:$0x3FB0] =	sst s4  }
0xd: {  	[smem:$0x3FB1] =	sst s5  }
0xe: {  	[smem:$0x3FB2] =	sst s6  }
0xf: {  	[smem:$0x3FB3] =	sst s7  }
0x10: {  	[smem:$0x3FB4] =	sst s8  }
0x11: {  	[smem:$0x3FB5] =	sst s9;
	s0 =	simm.s32 @!p0 $0x0  }
0x12: {  	s1 =	sld [smem:$0x3F9B];
	s0 =	simm.s32 @p0 $0x1  }
0x13: {  	[smem:$0x3FB6] =	sst s0;
	s0 =	simm.s32 @!p1 $0x0  }
0x14: {  	s2 =	sld [smem:$0x3F9A];
	s0 =	simm.s32 @p1 $0x1  }
0x15: {  	[smem:$0x3FB7] =	sst s0;
	s0 =	simm.s32 @!p2 $0x0  }
0x16: {  	s3 =	sld [smem:$0x3FDB];
	s0 =	simm.s32 @p2 $0x1  }
0x17: {  	s4 =	simm.s32 $0x1BF5;
	[smem:$0x3FB9] =	sst s0  }
0x18: {  	s0 =	sld [smem:$0x3F9C];
	_ =	swait.ge [sflag:s4], $0x0  }
0x19: {  	s7 =	sld [smem:$0x3F9D]  }
0x1a: {  	s8 =	sadd.s32 $0xFFFFE003, lr  }
0x1b: {  	s9 =	sadd.s32 $0xFFFFFEF7, lr;
	s5 =	simm.s32 $0xFFFFFFFF;
	p2 =	slt.u32 s8, $0xFFFFF086  }
0x1c: {  	p1 =	slt.u32 s9, $0xF7A;
	s5 =	simm.s32 @!p2 $0x0  }
0x1d: {  	s5 =	simm.s32 @p1 $0x1;
	p0 =	seq.s32 s7, s2  }
0x1e: {  	s7 =	smul.u32 @!p0 $0xF7A, s2;
	p2 =	seq.s32 @!p0 s5, $0x0  }
0x1f: {  	s9 =	smul.u32 $0xF7A, s1;
	s8 =	simm.s32 @!p0 $0x1BF5;
	p2 =	por !p2, p0  }
0x20: {  	[sflag:s8] =	ssyncset.s32 @!p0 $0xFFFFF086;
	s6 =	sadd.s32 @!p0 s3, s7;
	s7 =	simm.s32 @!p0 $0x108  }
0x21: {  	s3 =	sadd.s32 s3, s9;
	s6 =	sadd.s32 @!p0 $0x88, s6;
	s7 =	simm.s32 @p2 $0x1082  }
0x22: {  	[simem:s7], [sflag:s8] =	dma.local @!p0 [hbm:s6], $0xF7A  }
0x23: {  	s9 =	sor.u32 $0xD0000000, s2;
	s6 =	simm.s32 $0x108;
	_ =	swait.ge @!p0 [sflag:s8], $0x0  }
0x24: {  	s3 =	sadd.s32 $0x88, s3;
	s6 =	simm.s32 @!p1 $0x1082;
	[sflag:s4] =	ssyncset.s32 $0xFFFFF086  }
0x25: {  	[simem:s6], [sflag:s4] =	dma.local [hbm:s3], $0xF7A  }
0x26: {  	[smem:$0x3F9D] =	sst s1;
	(tag) =	ssettag s2;
	_ =	strace s9  }
0x27: {  	s1 =	sld [smem:$0x3FAD]  }
0x28: {  	s2 =	sld [smem:$0x3FAE]  }
0x29: {  	s4 =	sld [smem:$0x3FB0]  }
0x2a: {  	p0 =	seq.s32 s5, $0x0;
	s5 =	sld [smem:$0x3FB1]  }
0x2b: {  	s6 =	sld [smem:$0x3FB2]  }
0x2c: {  	s7 =	sld [smem:$0x3FB3]  }
0x2d: {  	s3 =	simm.s32 $0x108;
	s8 =	sld [smem:$0x3FB4]  }
0x2e: {  	s3 =	simm.s32 @!p0 $0x1082;
	s9 =	sld [smem:$0x3FB5]  }
0x2f: {  	lr =	sadd.s32 s0, s3;
	s0 =	sld [smem:$0x3FAC]  }
0x30: {  	s3 =	sld [smem:$0x3FAF]  }
0x31: {  	[smem:$0x3FB8] =	sst s10  }
0x32: {  	s10 =	sld [smem:$0x3FB6];
	_ =	sdelay $0x3  }
0x33: {  	p0 =	seq.s32 s10, $0x1;
	s10 =	sld [smem:$0x3FB8];
	_ =	sdelay $0x3  }
0x34: {  	[smem:$0x3FB8] =	sst s10  }
0x35: {  	s10 =	sld [smem:$0x3FB7];
	_ =	sdelay $0x3  }
0x36: {  	p1 =	seq.s32 s10, $0x1;
	s10 =	sld [smem:$0x3FB8];
	_ =	sdelay $0x3  }
0x37: {  	[smem:$0x3FB8] =	sst s10  }
0x38: {  	s10 =	sld [smem:$0x3FB9]  }
0x39: {  	_ = 	snop;
	(pc) =	sbr.ind lr, $3  }
0x3a: {  	_ = 	snop  }
0x3b: {  	_ = 	snop  }
0x3c: {  	p2 =	seq.s32 s10, $0x1;
	s10 =	sld [smem:$0x3FB8]  }
0x3d: {  	_ =	shalt  }
0x3e: {  	_ =	shalt  }
0x3f: {  	_ =	shalt  }
0x40: {  	_ =	shalt  }
0x41: {  	_ =	shalt  }
0x42: {  	_ =	shalt  }
0x43: {  	_ =	shalt  }
0x44: {  	_ =	shalt  }
0x45: {  	_ =	shalt  }
0x46: {  	_ =	shalt  }
0x47: {  	_ =	shalt  }
0x48: {  	_ =	shalt  }
0x49: {  	_ =	shalt  }
0x4a: {  	_ =	shalt  }
0x4b: {  	_ =	shalt  }
0x4c: {  	_ =	shalt  }
0x4d: {  	_ =	shalt  }
0x4e: {  	_ =	shalt  }
0x4f: {  	_ =	shalt  }
0x50: {  	_ =	shalt  }
0x51: {  	_ =	shalt  }
0x52: {  	_ =	shalt  }
0x53: {  	_ =	shalt  }
0x54: {  	_ =	shalt  }
0x55: {  	_ =	shalt  }
0x56: {  	_ =	shalt  }
0x57: {  	_ =	shalt  }
0x58: {  	_ =	shalt  }
0x59: {  	_ =	shalt  }
0x5a: {  	_ =	shalt  }
0x5b: {  	_ =	shalt  }
0x5c: {  	_ =	shalt  }
0x5d: {  	_ =	shalt  }
0x5e: {  	_ =	shalt  }
0x5f: {  	_ =	shalt  }
0x60: {  	_ =	shalt  }
0x61: {  	_ =	shalt  }
0x62: {  	_ =	shalt  }
0x63: {  	_ =	shalt  }
0x64: {  	_ =	shalt  }
0x65: {  	_ =	shalt  }
0x66: {  	_ =	shalt  }
0x67: {  	_ =	shalt  }
0x68: {  	_ =	shalt  }
0x69: {  	_ =	shalt  }
0x6a: {  	_ =	shalt  }
0x6b: {  	_ =	shalt  }
0x6c: {  	_ =	shalt  }
0x6d: {  	_ =	shalt  }
0x6e: {  	_ =	shalt  }
0x6f: {  	_ =	shalt  }
0x70: {  	_ =	shalt  }
0x71: {  	_ =	shalt  }
0x72: {  	_ =	shalt  }
0x73: {  	_ =	shalt  }
0x74: {  	_ =	shalt  }
0x75: {  	_ =	shalt  }
0x76: {  	_ =	shalt  }
0x77: {  	_ =	shalt  }
0x78: {  	_ =	shalt  }
0x79: {  	_ =	shalt  }
0x7a: {  	_ =	shalt  }
0x7b: {  	_ =	shalt  }
0x7c: {  	_ =	shalt  }
0x7d: {  	_ =	shalt  }
0x7e: {  	_ =	shalt  }
0x7f: {  	_ =	shalt  }
0x80: {  	_ =	shalt  }
0x81: {  	_ =	shalt  }
0x82: {  	_ =	shalt  }
0x83: {  	_ =	shalt  }
0x84: {  	_ =	shalt  }
0x85: {  	_ =	shalt  }
0x86: {  	_ =	shalt  }
0x87: {  	_ =	shalt  }
.Lfunc_end0:
.L_simem_size_0:
called_computation.1_lowered:
.L_overlay_start_0:
0x88: {  	s2 =	sld [smem:$0x3FD9]  }
0x89: {  	s3 =	sld [smem:$0x3FFE];
	_ =	sdelay $0x1  }
0x8a: {  	s1 =	srdreg.scid  }
0x8b: {  	s0 =	sand.u32 $0x1, s1  }
0x8c: {  	s17 =	sshll.u32 s0, $0xA;
	s2 =	sadd.s32 s3, s2  }
0x8d: {  	s2 =	sadd.s32 s2, s17  }
0x8e: {  	[smem:$0x3FC4] =	sst s2  }
0x8f: {  	_ = 	snop  }
0x90: {  	s2 =	sld [smem:$0x3FD0];
	(tm) =	ssettm $0x1  }
0x91: {  	s18 =	sld [smem:$0x3FFB];
	_ =	sdelay $0x3  }
0x92: {  	_ =	strace s18  }
0x93: {  	s3 =	sld [smem:$0x3FFC];
	_ =	sdelay $0x3  }
0x94: {  	_ =	strace s3  }
0x95: {  	s3 =	sld [smem:$0x3FFD];
	_ =	sdelay $0x3  }
0x96: {  	_ =	strace s3  }
0x97: {  	_ =	strace $0x8FFFFFFF  }
0x98: {  	s19 =	sld [smem:$0x3FDB];
	_ =	sdelay $0x1  }
0x99: {  	s4 =	simm.s32 $_scs_section_size  }
0x9a: {  	s5 =	simm.s32 $_size__tile_overlayer_lowered;
	s6 =	simm.s32 $_tile_overlayer_lowered  }
0x9b: {  	s22 =	simm.s32 $0x1BFF;
	s21 =	sshll.u32 s6, $0x1;
	s3 =	sadd.s32 s4, s19  }
0x9c: {  	s7 =	simm.s32 $0x0;
	s20 =	sshll.u32 s5, $0x1;
	s5 =	sadd.s32 s21, s3  }
0x9d: {  	[timem:s7], [sflag:s22] =	dma.local [hbm:s5], s20  }
0x9e: {  	_ =	swait.ge [sflag:s22], s20  }
0x9f: {  	s4 =	ssub.s32 $0x0, s20;
	[sflag:s22] =	ssyncset.done $0x0  }
0xa0: {  	[sflag:s22] =	ssyncadd.s32 s4;
	_ =	sdelay $0x1  }
0xa1: {  	s23 =	simm.s32 $0x1B8B  }
0xa2: {  	_ =	swait.ge [sflag:s23], $0x1  }
0xa3: {  	[sflag:s23] =	ssyncset.done $0x0  }
0xa4: {  	s25 =	simm.s32 $0x1B8E;
	s24 =	sld [smem:$0x3FFE];
	[sflag:s23] =	ssyncadd.s32 $0xFFFFFFFF  }
0xa5: {  	s26 =	simm.s32 $execute0_lowered;
	[smem:$0x3FD2] =	sst s25  }
0xa6: {  	s5 =	sshll.u32 s26, $0x1;
	_ =	strace $0x80000049;
	[dreg:$0x1] =	wrdreg $0xFFFFFFFF  }
0xa7: {  	s28 =	simm.s32 $_size_execute0_lowered;
	s3 =	sadd.s32 s3, s5;
	[dreg:$0x0] =	wrdreg $0x0  }
0xa8: {  	s5 =	sshll.u32 s28, $0x1;
	[dreg:$0x2] =	wrdreg s3  }
0xa9: {  	[dreg:$0x3] =	wrdreg s5  }
0xaa: {  	[dreg:$0x4] =	wrdreg $0xC0  }
0xab: {  	_ =	task [dreg:s7], $0x5FFFF  }
0xac: {  	[dreg:$0x1] =	wrdreg $0xFFFFFFFF  }
0xad: {  	[dreg:$0x0] =	wrdreg $0x60  }
0xae: {  	[dreg:$0x2] =	wrdreg s2  }
0xaf: {  	[dreg:$0x3] =	wrdreg s24  }
0xb0: {  	[dreg:$0x4] =	wrdreg $0x9  }
0xb1: {  	_ =	task.clear_ibuf [dreg:s7], $0x5FFFF;
	_ =	strace $0x90000049  }
0xb2: {  	s29 =	simm.s32 $0x9;
	_ =	strace $0x8000004B  }
0xb3: {  	_ =	swait.ge [sflag:s29], $0x1  }
0xb4: {  	[sflag:s29] =	ssyncadd.s32 $0xFFFFFFFF  }
0xb5: {  	_ =	strace $0x9000004B  }
0xb6: {  	_ =	sfence  }
0xb7: {  	s30 =	sld [smem:$0x0];
	_ =	sdelay $0x2  }
0xb8: {  	s31 =	sshll.u32 s1, $0xD;
	s1 =	sshrl.u32 s1, $0x2  }
0xb9: {  	s3 =	sand.u32 $0x4000, s31;
	s1 =	sadd.s32 s1, s30  }
0xba: {  	s0 =	sor.u32 s3, s0;
	s1 =	sshll.u32 s1, $0x11  }
0xbb: {  	s0 =	sor.u32 s1, s0  }
0xbc: {  	s0 =	sadd.s32 $0x8F2B, s0  }
0xbd: {  	[sflag:s0] =	ssyncadd.remote.s32 $0x1  }
0xbe: {  	_ =	sfence.sel $0xFFFF  }
0xbf: {  	[dreg:$0x0] =	wrdreg $0xFFFFFFFF;
	(pc) =	sbr.abs _section_cstart, $3  }
0xc0: {  	[dreg:$0x1] =	wrdreg $0xFFFFFFFF  }
0xc1: {  	_ =	task.clear_ibuf [dreg:s7], $0x2FFFF;
	_ =	strace $0x9FFFFFFF  }
0xc2: {  	(tm) =	ssettm $0x7FFFFFFF  }
0xc3: {  	_ =	shalt  }
tec
execute0_lowered:
.L_overlay_start_1:
0x0: {  	(tag) =	ssettag $0x1  }
0x1: {  	s0 =	rddreg [dreg:$0x1]  }
0x2: {  	s1 =	srdreg.scid;
	s3 =	stileid.u32;
	s4 =	simm.s32 $0x0  }
0x3: {  	s11 =	simm.s32 $0x2800;
	s1 =	sand.u32 $0x1, s1;
	s3 =	sshll.u32 s3, $0x4  }
0x4: {  	[smem:$0x7FF] =	sst s4;
	s5 =	sadd.s32 $0x15400, s0;
	s2 =	sshll.u32 s1, $0x8  }
0x5: {  	_ =	strace $0x8000004A;
	s1 =	ssub.s32 $0x2, s1;
	s3 =	sor.u32 s3, s2  }
0x6: {  	[dreg:$0x4] =	wrdreg s5;
	s29 =	sshrl.u32 s1, $0x1;
	s2 =	sshll.u32 s3, $0x4  }
0x7: {  	s1 =	ssub.s32 s1, s29;
	s30 =	sor.u32 $0xF, s3;
	[dreg:$0x3] =	wrdreg s3  }
0x8: {  	v0 =	vlaneseq.u32;
	s0 =	sadd.s32 s2, s0;
	[dreg:$0x5] =	wrdreg s30;
	s31 =	smax.u32 s1, $0x1  }
0x9: {  	s12 =	simm.s32 $0x3000;
	v1 =	vor.u32 s3, v0;
	s0 =	sadd.s32 $0x1600, s0;
	[dreg:$0x7] =	wrdreg s31  }
0xa: {  	s1 =	simm.s32 $0x2;
	[tilespmem:$0x1FFF0] =	vst v1;
	s2 =	simm.s32 $0x0;
	[dreg:$0x6] =	wrdreg s0  }
.LBB2_1:
0xb: {  	[dreg:$0x8] =	wrdreg s2  }
0xc: {  	s0 =	rddreg [dreg:$0x0]  }
0xd: {  	[tilespmem:s4], [sflag:$0x2] =	stream.linear.gather [hbm4b:s0+s4], $0x2800, $0x38;
	[tilespmem:$0x3A10] =	vst v63  }
0xe: {  	_ =	swait.ge [sflag:s1], $0x2800  }
0xf: {  	[sflag:s1] =	ssyncset.done $0x0  }
0x10: {  	[sflag:s1] =	ssyncadd.s32 $0xFFFFD800  }
0x11: {  	v1 =	vld [tilespmem:$0x0];
	_ =	sdelay $0x4  }
0x12: {  	[tilespmem:$0x1F940] =	vst v1;
	v1 =	vld [tilespmem:$0x10];
	_ =	sdelay $0x4  }
0x13: {  	[tilespmem:$0x1F950] =	vst v1;
	v1 =	vld [tilespmem:$0x20];
	_ =	sdelay $0x4  }
0x14: {  	[tilespmem:$0x1F990] =	vst v1;
	v1 =	vld [tilespmem:$0x30];
	_ =	sdelay $0x4  }
0x15: {  	[tilespmem:$0x1F9D0] =	vst v1;
	v1 =	vld [tilespmem:$0x40];
	_ =	sdelay $0x4  }
0x16: {  	[tilespmem:$0x1FA00] =	vst v1;
	v1 =	vld [tilespmem:$0x50];
	_ =	sdelay $0x4  }
0x17: {  	[tilespmem:$0x1FA30] =	vst v1;
	v1 =	vld [tilespmem:$0x60];
	_ =	sdelay $0x4  }
0x18: {  	[tilespmem:$0x1FA60] =	vst v1;
	v1 =	vld [tilespmem:$0x70];
	_ =	sdelay $0x4  }
0x19: {  	[tilespmem:$0x1FA90] =	vst v1;
	v1 =	vld [tilespmem:$0x80];
	_ =	sdelay $0x4  }
0x1a: {  	[tilespmem:$0x1FAC0] =	vst v1;
	v1 =	vld [tilespmem:$0x90];
	_ =	sdelay $0x4  }
0x1b: {  	[tilespmem:$0x1FAF0] =	vst v1;
	v1 =	vld [tilespmem:$0xA0];
	_ =	sdelay $0x4  }
0x1c: {  	[tilespmem:$0x1FB20] =	vst v1;
	v1 =	vld [tilespmem:$0xB0];
	_ =	sdelay $0x4  }
0x1d: {  	[tilespmem:$0x1FB50] =	vst v1;
	v1 =	vld [tilespmem:$0xC0];
	_ =	sdelay $0x4  }
0x1e: {  	[tilespmem:$0x1FB80] =	vst v1;
	v1 =	vld [tilespmem:$0xD0];
	_ =	sdelay $0x4  }
0x1f: {  	[tilespmem:$0x1FBB0] =	vst v1;
	v1 =	vld [tilespmem:$0xE0];
	_ =	sdelay $0x4  }
0x20: {  	[tilespmem:$0x1FBE0] =	vst v1;
	v1 =	vld [tilespmem:$0xF0];
	_ =	sdelay $0x4  }
0x21: {  	[tilespmem:$0x1FC10] =	vst v1;
	v1 =	vld [tilespmem:$0x100];
	_ =	sdelay $0x4  }
0x22: {  	[tilespmem:$0x1FC40] =	vst v1;
	v1 =	vld [tilespmem:$0x110];
	_ =	sdelay $0x4  }
0x23: {  	[tilespmem:$0x1FC70] =	vst v1;
	v1 =	vld [tilespmem:$0x120];
	_ =	sdelay $0x4  }
0x24: {  	[tilespmem:$0x1FCA0] =	vst v1;
	v1 =	vld [tilespmem:$0x130];
	_ =	sdelay $0x4  }
0x25: {  	[tilespmem:$0x1FCD0] =	vst v1;
	v1 =	vld [tilespmem:$0x140];
	_ =	sdelay $0x4  }
0x26: {  	[tilespmem:$0x1FD00] =	vst v1;
	v1 =	vld [tilespmem:$0x150];
	_ =	sdelay $0x4  }
0x27: {  	[tilespmem:$0x1FD30] =	vst v1;
	v1 =	vld [tilespmem:$0x160];
	_ =	sdelay $0x4  }
0x28: {  	[tilespmem:$0x1FD60] =	vst v1;
	v1 =	vld [tilespmem:$0x170];
	_ =	sdelay $0x4  }
0x29: {  	[tilespmem:$0x1FD90] =	vst v1;
	v1 =	vld [tilespmem:$0x180];
	_ =	sdelay $0x4  }
0x2a: {  	[tilespmem:$0x1FDC0] =	vst v1;
	v1 =	vld [tilespmem:$0x190];
	_ =	sdelay $0x4  }
0x2b: {  	[tilespmem:$0x1FDF0] =	vst v1;
	v1 =	vld [tilespmem:$0x1A0];
	_ =	sdelay $0x4  }
0x2c: {  	[tilespmem:$0x1FE20] =	vst v1;
	v1 =	vld [tilespmem:$0x1B0];
	_ =	sdelay $0x4  }
0x2d: {  	[tilespmem:$0x1FE50] =	vst v1;
	v1 =	vld [tilespmem:$0x1C0];
	_ =	sdelay $0x4  }
0x2e: {  	[tilespmem:$0x1FE80] =	vst v1;
	v1 =	vld [tilespmem:$0x1D0];
	_ =	sdelay $0x4  }
0x2f: {  	[tilespmem:$0x1FEB0] =	vst v1;
	v1 =	vld [tilespmem:$0x1E0];
	_ =	sdelay $0x4  }
0x30: {  	[tilespmem:$0x1FEE0] =	vst v1;
	v1 =	vld [tilespmem:$0x1F0];
	_ =	sdelay $0x4  }
0x31: {  	[tilespmem:$0x1FF10] =	vst v1;
	v1 =	vld [tilespmem:$0x200];
	_ =	sdelay $0x4  }
0x32: {  	[tilespmem:$0x1F970] =	vst v1;
	v1 =	vld [tilespmem:$0x210];
	_ =	sdelay $0x4  }
0x33: {  	[tilespmem:$0x1F980] =	vst v1;
	v1 =	vld [tilespmem:$0x220];
	_ =	sdelay $0x4  }
0x34: {  	[tilespmem:$0x1F9C0] =	vst v1;
	v1 =	vld [tilespmem:$0x230];
	_ =	sdelay $0x4  }
0x35: {  	[tilespmem:$0x1F9F0] =	vst v1;
	v1 =	vld [tilespmem:$0x240];
	_ =	sdelay $0x4  }
0x36: {  	[tilespmem:$0x1FA20] =	vst v1;
	v1 =	vld [tilespmem:$0x250];
	_ =	sdelay $0x4  }
0x37: {  	[tilespmem:$0x1FA50] =	vst v1;
	v1 =	vld [tilespmem:$0x260];
	_ =	sdelay $0x4  }
0x38: {  	[tilespmem:$0x1FA80] =	vst v1;
	v1 =	vld [tilespmem:$0x270];
	_ =	sdelay $0x4  }
0x39: {  	[tilespmem:$0x1FAB0] =	vst v1;
	v1 =	vld [tilespmem:$0x280];
	_ =	sdelay $0x4  }
0x3a: {  	[tilespmem:$0x1FAE0] =	vst v1;
	v1 =	vld [tilespmem:$0x290];
	_ =	sdelay $0x4  }
0x3b: {  	[tilespmem:$0x1FB10] =	vst v1;
	v1 =	vld [tilespmem:$0x2A0];
	_ =	sdelay $0x4  }
0x3c: {  	[tilespmem:$0x1FB40] =	vst v1;
	v1 =	vld [tilespmem:$0x2B0];
	_ =	sdelay $0x4  }
0x3d: {  	[tilespmem:$0x1FB70] =	vst v1;
	v1 =	vld [tilespmem:$0x2C0];
	_ =	sdelay $0x4  }
0x3e: {  	[tilespmem:$0x1FBA0] =	vst v1;
	v1 =	vld [tilespmem:$0x2D0];
	_ =	sdelay $0x4  }
0x3f: {  	[tilespmem:$0x1FBD0] =	vst v1;
	v1 =	vld [tilespmem:$0x2E0];
	_ =	sdelay $0x4  }
0x40: {  	[tilespmem:$0x1FC00] =	vst v1;
	v1 =	vld [tilespmem:$0x2F0];
	_ =	sdelay $0x4  }
0x41: {  	[tilespmem:$0x1FC30] =	vst v1;
	v1 =	vld [tilespmem:$0x300];
	_ =	sdelay $0x4  }
0x42: {  	[tilespmem:$0x1FC60] =	vst v1;
	v1 =	vld [tilespmem:$0x310];
	_ =	sdelay $0x4  }
0x43: {  	[tilespmem:$0x1FC90] =	vst v1;
	v1 =	vld [tilespmem:$0x320];
	_ =	sdelay $0x4  }
0x44: {  	[tilespmem:$0x1FCC0] =	vst v1;
	v1 =	vld [tilespmem:$0x330];
	_ =	sdelay $0x4  }
0x45: {  	[tilespmem:$0x1FCF0] =	vst v1;
	v1 =	vld [tilespmem:$0x340];
	_ =	sdelay $0x4  }
0x46: {  	[tilespmem:$0x1FD20] =	vst v1;
	v1 =	vld [tilespmem:$0x350];
	_ =	sdelay $0x4  }
0x47: {  	[tilespmem:$0x1FD50] =	vst v1;
	v1 =	vld [tilespmem:$0x360];
	_ =	sdelay $0x4  }
0x48: {  	[tilespmem:$0x1FD80] =	vst v1;
	v1 =	vld [tilespmem:$0x370];
	_ =	sdelay $0x4  }
0x49: {  	[tilespmem:$0x1FDB0] =	vst v1;
	v1 =	vld [tilespmem:$0x380];
	_ =	sdelay $0x4  }
0x4a: {  	[tilespmem:$0x1FDE0] =	vst v1;
	v1 =	vld [tilespmem:$0x390];
	_ =	sdelay $0x4  }
0x4b: {  	[tilespmem:$0x1FE10] =	vst v1;
	v1 =	vld [tilespmem:$0x3A0];
	_ =	sdelay $0x4  }
0x4c: {  	[tilespmem:$0x1FE40] =	vst v1;
	v1 =	vld [tilespmem:$0x3B0];
	_ =	sdelay $0x4  }
0x4d: {  	[tilespmem:$0x1FE70] =	vst v1;
	v1 =	vld [tilespmem:$0x3C0];
	_ =	sdelay $0x4  }
0x4e: {  	[tilespmem:$0x1FEA0] =	vst v1;
	v1 =	vld [tilespmem:$0x3D0];
	_ =	sdelay $0x4  }
0x4f: {  	[tilespmem:$0x1FED0] =	vst v1;
	v1 =	vld [tilespmem:$0x3E0];
	_ =	sdelay $0x4  }
0x50: {  	[tilespmem:$0x1FF00] =	vst v1;
	v1 =	vld [tilespmem:$0x3F0];
	_ =	sdelay $0x4  }
0x51: {  	[tilespmem:$0x1FF40] =	vst v1;
	v1 =	vld [tilespmem:$0x400];
	_ =	sdelay $0x4  }
0x52: {  	[tilespmem:$0x1F9A0] =	vst v1;
	v1 =	vld [tilespmem:$0x410];
	_ =	sdelay $0x4  }
0x53: {  	[tilespmem:$0x1F9B0] =	vst v1;
	v1 =	vld [tilespmem:$0x420];
	_ =	sdelay $0x4  }
0x54: {  	[tilespmem:$0x1F9E0] =	vst v1;
	v1 =	vld [tilespmem:$0x430];
	_ =	sdelay $0x4  }
0x55: {  	[tilespmem:$0x1FA10] =	vst v1;
	v1 =	vld [tilespmem:$0x440];
	_ =	sdelay $0x4  }
0x56: {  	[tilespmem:$0x1FA40] =	vst v1;
	v1 =	vld [tilespmem:$0x450];
	_ =	sdelay $0x4  }
0x57: {  	[tilespmem:$0x1FA70] =	vst v1;
	v1 =	vld [tilespmem:$0x460];
	_ =	sdelay $0x4  }
0x58: {  	[tilespmem:$0x1FAA0] =	vst v1;
	v1 =	vld [tilespmem:$0x470];
	_ =	sdelay $0x4  }
0x59: {  	[tilespmem:$0x1FAD0] =	vst v1;
	v1 =	vld [tilespmem:$0x480];
	_ =	sdelay $0x4  }
0x5a: {  	[tilespmem:$0x1FB00] =	vst v1;
	v1 =	vld [tilespmem:$0x490];
	_ =	sdelay $0x4  }
0x5b: {  	[tilespmem:$0x1FB30] =	vst v1;
	v1 =	vld [tilespmem:$0x4A0];
	_ =	sdelay $0x4  }
0x5c: {  	[tilespmem:$0x1FB60] =	vst v1  }
0x5d: {  	v1 =	vld [tilespmem:$0x4B0];
	_ =	sdelay $0x4  }
0x5e: {  	[tilespmem:$0x1FB90] =	vst v1;
	v1 =	vld [tilespmem:$0x4C0];
	_ =	sdelay $0x4  }
0x5f: {  	[tilespmem:$0x1FBC0] =	vst v1;
	v1 =	vld [tilespmem:$0x4D0];
	_ =	sdelay $0x4  }
0x60: {  	[tilespmem:$0x1FBF0] =	vst v1;
	v1 =	vld [tilespmem:$0x4E0];
	_ =	sdelay $0x4  }
0x61: {  	[tilespmem:$0x1FC20] =	vst v1;
	v1 =	vld [tilespmem:$0x4F0];
	_ =	sdelay $0x4  }
0x62: {  	[tilespmem:$0x1FC50] =	vst v1;
	v1 =	vld [tilespmem:$0x500];
	_ =	sdelay $0x4  }
0x63: {  	[tilespmem:$0x1FC80] =	vst v1;
	v1 =	vld [tilespmem:$0x510];
	_ =	sdelay $0x4  }
0x64: {  	[tilespmem:$0x1FCB0] =	vst v1;
	v1 =	vld [tilespmem:$0x520];
	_ =	sdelay $0x4  }
0x65: {  	[tilespmem:$0x1FCE0] =	vst v1;
	v1 =	vld [tilespmem:$0x530];
	_ =	sdelay $0x4  }
0x66: {  	[tilespmem:$0x1FD10] =	vst v1;
	v1 =	vld [tilespmem:$0x540];
	_ =	sdelay $0x4  }
0x67: {  	[tilespmem:$0x1FD40] =	vst v1;
	v1 =	vld [tilespmem:$0x550];
	_ =	sdelay $0x4  }
0x68: {  	[tilespmem:$0x1FD70] =	vst v1;
	v1 =	vld [tilespmem:$0x560];
	_ =	sdelay $0x4  }
0x69: {  	[tilespmem:$0x1FDA0] =	vst v1;
	v1 =	vld [tilespmem:$0x570];
	_ =	sdelay $0x4  }
0x6a: {  	[tilespmem:$0x1FDD0] =	vst v1;
	v1 =	vld [tilespmem:$0x580];
	_ =	sdelay $0x4  }
0x6b: {  	[tilespmem:$0x1FE00] =	vst v1;
	v1 =	vld [tilespmem:$0x590];
	_ =	sdelay $0x4  }
0x6c: {  	[tilespmem:$0x1FE30] =	vst v1;
	v1 =	vld [tilespmem:$0x5A0];
	_ =	sdelay $0x4  }
0x6d: {  	[tilespmem:$0x1FE60] =	vst v1;
	v1 =	vld [tilespmem:$0x5B0];
	_ =	sdelay $0x4  }
0x6e: {  	[tilespmem:$0x1FE90] =	vst v1;
	v1 =	vld [tilespmem:$0x5C0];
	_ =	sdelay $0x4  }
0x6f: {  	[tilespmem:$0x1FEC0] =	vst v1;
	v1 =	vld [tilespmem:$0x5D0];
	_ =	sdelay $0x4  }
0x70: {  	[tilespmem:$0x1FEF0] =	vst v1;
	v1 =	vld [tilespmem:$0x5E0];
	_ =	sdelay $0x4  }
0x71: {  	[tilespmem:$0x1FF30] =	vst v1;
	v1 =	vld [tilespmem:$0x5F0];
	_ =	sdelay $0x4  }
0x72: {  	[tilespmem:$0x1FF70] =	vst v1;
	v1 =	vld [tilespmem:$0x600];
	_ =	sdelay $0x4  }
0x73: {  	[tilespmem:$0x1F450] =	vst v1;
	v1 =	vld [tilespmem:$0x610];
	_ =	sdelay $0x4  }
0x74: {  	[tilespmem:$0x1F460] =	vst v1;
	v1 =	vld [tilespmem:$0x620];
	_ =	sdelay $0x4  }
0x75: {  	[tilespmem:$0x1F490] =	vst v1;
	v1 =	vld [tilespmem:$0x630];
	_ =	sdelay $0x4  }
0x76: {  	[tilespmem:$0x1F4C0] =	vst v1;
	v1 =	vld [tilespmem:$0x640];
	_ =	sdelay $0x4  }
0x77: {  	[tilespmem:$0x1F4F0] =	vst v1;
	v1 =	vld [tilespmem:$0x650];
	_ =	sdelay $0x4  }
0x78: {  	[tilespmem:$0x1F520] =	vst v1;
	v1 =	vld [tilespmem:$0x660];
	_ =	sdelay $0x4  }
0x79: {  	[tilespmem:$0x1F550] =	vst v1;
	v1 =	vld [tilespmem:$0x670];
	_ =	sdelay $0x4  }
0x7a: {  	[tilespmem:$0x1F580] =	vst v1;
	v1 =	vld [tilespmem:$0x680];
	_ =	sdelay $0x4  }
0x7b: {  	[tilespmem:$0x1F5B0] =	vst v1;
	v1 =	vld [tilespmem:$0x690];
	_ =	sdelay $0x4  }
0x7c: {  	[tilespmem:$0x1F5E0] =	vst v1;
	v1 =	vld [tilespmem:$0x6A0];
	_ =	sdelay $0x4  }
0x7d: {  	[tilespmem:$0x1F610] =	vst v1;
	v1 =	vld [tilespmem:$0x6B0];
	_ =	sdelay $0x4  }
0x7e: {  	[tilespmem:$0x1F640] =	vst v1;
	v1 =	vld [tilespmem:$0x6C0];
	_ =	sdelay $0x4  }
0x7f: {  	[tilespmem:$0x1F670] =	vst v1;
	v1 =	vld [tilespmem:$0x6D0];
	_ =	sdelay $0x4  }
0x80: {  	[tilespmem:$0x1F6A0] =	vst v1;
	v1 =	vld [tilespmem:$0x6E0];
	_ =	sdelay $0x4  }
0x81: {  	[tilespmem:$0x1F6D0] =	vst v1;
	v1 =	vld [tilespmem:$0x6F0];
	_ =	sdelay $0x4  }
0x82: {  	[tilespmem:$0x1F700] =	vst v1;
	v1 =	vld [tilespmem:$0x700];
	_ =	sdelay $0x4  }
0x83: {  	[tilespmem:$0x1F730] =	vst v1;
	v1 =	vld [tilespmem:$0x710];
	_ =	sdelay $0x4  }
0x84: {  	[tilespmem:$0x1F760] =	vst v1;
	v1 =	vld [tilespmem:$0x720];
	_ =	sdelay $0x4  }
0x85: {  	[tilespmem:$0x1F790] =	vst v1;
	v1 =	vld [tilespmem:$0x730];
	_ =	sdelay $0x4  }
0x86: {  	[tilespmem:$0x1F7C0] =	vst v1;
	v1 =	vld [tilespmem:$0x740];
	_ =	sdelay $0x4  }
0x87: {  	[tilespmem:$0x1F7F0] =	vst v1;
	v1 =	vld [tilespmem:$0x750];
	_ =	sdelay $0x4  }
0x88: {  	[tilespmem:$0x1F820] =	vst v1;
	v1 =	vld [tilespmem:$0x760];
	_ =	sdelay $0x4  }
0x89: {  	[tilespmem:$0x1F850] =	vst v1;
	v1 =	vld [tilespmem:$0x770];
	_ =	sdelay $0x4  }
0x8a: {  	[tilespmem:$0x1F880] =	vst v1;
	v1 =	vld [tilespmem:$0x780];
	_ =	sdelay $0x4  }
0x8b: {  	[tilespmem:$0x1F8B0] =	vst v1;
	v1 =	vld [tilespmem:$0x790];
	_ =	sdelay $0x4  }
0x8c: {  	[tilespmem:$0x1F8E0] =	vst v1;
	v1 =	vld [tilespmem:$0x7A0];
	_ =	sdelay $0x4  }
0x8d: {  	[tilespmem:$0x1F910] =	vst v1;
	v1 =	vld [tilespmem:$0x7B0];
	_ =	sdelay $0x4  }
0x8e: {  	[tilespmem:$0x1F930] =	vst v1;
	v1 =	vld [tilespmem:$0x7C0];
	_ =	sdelay $0x4  }
0x8f: {  	[tilespmem:$0x1F960] =	vst v1;
	v1 =	vld [tilespmem:$0x7D0];
	_ =	sdelay $0x4  }
0x90: {  	[tilespmem:$0x1FF20] =	vst v1;
	v1 =	vld [tilespmem:$0x7E0];
	_ =	sdelay $0x4  }
0x91: {  	[tilespmem:$0x1FF60] =	vst v1;
	v1 =	vld [tilespmem:$0x7F0];
	_ =	sdelay $0x4  }
0x92: {  	[tilespmem:$0x1FFA0] =	vst v1;
	v1 =	vld [tilespmem:$0x800];
	_ =	sdelay $0x4  }
0x93: {  	[tilespmem:$0x1F410] =	vst v1;
	v1 =	vld [tilespmem:$0x810];
	_ =	sdelay $0x4  }
0x94: {  	[tilespmem:$0x1F420] =	vst v1;
	v1 =	vld [tilespmem:$0x820];
	_ =	sdelay $0x4  }
0x95: {  	[tilespmem:$0x1F440] =	vst v1;
	v1 =	vld [tilespmem:$0x830];
	_ =	sdelay $0x4  }
0x96: {  	[tilespmem:$0x1F480] =	vst v1;
	v1 =	vld [tilespmem:$0x840];
	_ =	sdelay $0x4  }
0x97: {  	[tilespmem:$0x1F4B0] =	vst v1;
	v1 =	vld [tilespmem:$0x850];
	_ =	sdelay $0x4  }
0x98: {  	[tilespmem:$0x1F4E0] =	vst v1;
	v1 =	vld [tilespmem:$0x860];
	_ =	sdelay $0x4  }
0x99: {  	[tilespmem:$0x1F510] =	vst v1;
	v1 =	vld [tilespmem:$0x870];
	_ =	sdelay $0x4  }
0x9a: {  	[tilespmem:$0x1F540] =	vst v1;
	v1 =	vld [tilespmem:$0x880];
	_ =	sdelay $0x4  }
0x9b: {  	[tilespmem:$0x1F570] =	vst v1;
	v1 =	vld [tilespmem:$0x890];
	_ =	sdelay $0x4  }
0x9c: {  	[tilespmem:$0x1F5A0] =	vst v1;
	v1 =	vld [tilespmem:$0x8A0];
	_ =	sdelay $0x4  }
0x9d: {  	[tilespmem:$0x1F5D0] =	vst v1;
	v1 =	vld [tilespmem:$0x8B0];
	_ =	sdelay $0x4  }
0x9e: {  	[tilespmem:$0x1F600] =	vst v1;
	v1 =	vld [tilespmem:$0x8C0];
	_ =	sdelay $0x4  }
0x9f: {  	[tilespmem:$0x1F630] =	vst v1;
	v1 =	vld [tilespmem:$0x8D0];
	_ =	sdelay $0x4  }
0xa0: {  	[tilespmem:$0x1F660] =	vst v1;
	v1 =	vld [tilespmem:$0x8E0];
	_ =	sdelay $0x4  }
0xa1: {  	[tilespmem:$0x1F690] =	vst v1;
	v1 =	vld [tilespmem:$0x8F0];
	_ =	sdelay $0x4  }
0xa2: {  	[tilespmem:$0x1F6C0] =	vst v1;
	v1 =	vld [tilespmem:$0x900];
	_ =	sdelay $0x4  }
0xa3: {  	[tilespmem:$0x1F6F0] =	vst v1;
	v1 =	vld [tilespmem:$0x910];
	_ =	sdelay $0x4  }
0xa4: {  	[tilespmem:$0x1F720] =	vst v1;
	v1 =	vld [tilespmem:$0x920];
	_ =	sdelay $0x4  }
0xa5: {  	[tilespmem:$0x1F750] =	vst v1;
	v1 =	vld [tilespmem:$0x930];
	_ =	sdelay $0x4  }
0xa6: {  	[tilespmem:$0x1F780] =	vst v1;
	v1 =	vld [tilespmem:$0x940];
	_ =	sdelay $0x4  }
0xa7: {  	[tilespmem:$0x1F7B0] =	vst v1;
	v1 =	vld [tilespmem:$0x950];
	_ =	sdelay $0x4  }
0xa8: {  	[tilespmem:$0x1F7E0] =	vst v1;
	v1 =	vld [tilespmem:$0x960];
	_ =	sdelay $0x4  }
0xa9: {  	[tilespmem:$0x1F810] =	vst v1;
	v1 =	vld [tilespmem:$0x970];
	_ =	sdelay $0x4  }
0xaa: {  	[tilespmem:$0x1F840] =	vst v1;
	v1 =	vld [tilespmem:$0x980];
	_ =	sdelay $0x4  }
0xab: {  	[tilespmem:$0x1F870] =	vst v1;
	v1 =	vld [tilespmem:$0x990];
	_ =	sdelay $0x4  }
0xac: {  	[tilespmem:$0x1F8A0] =	vst v1;
	v1 =	vld [tilespmem:$0x9A0];
	_ =	sdelay $0x4  }
0xad: {  	[tilespmem:$0x1F8D0] =	vst v1;
	v1 =	vld [tilespmem:$0x9B0];
	_ =	sdelay $0x4  }
0xae: {  	[tilespmem:$0x1F900] =	vst v1;
	v1 =	vld [tilespmem:$0x9C0];
	_ =	sdelay $0x4  }
0xaf: {  	[tilespmem:$0x1F920] =	vst v1;
	v1 =	vld [tilespmem:$0x9D0];
	_ =	sdelay $0x4  }
0xb0: {  	[tilespmem:$0x1FF50] =	vst v1;
	v1 =	vld [tilespmem:$0x9E0];
	_ =	sdelay $0x4  }
0xb1: {  	[tilespmem:$0x1FF90] =	vst v1;
	v1 =	vld [tilespmem:$0x9F0];
	_ =	sdelay $0x4  }
0xb2: {  	[tilespmem:$0x1FFC0] =	vst v1;
	v1 =	vld [tilespmem:$0xA00];
	_ =	sdelay $0x4  }
0xb3: {  	[tilespmem:$0x1F3D0] =	vst v1;
	v1 =	vld [tilespmem:$0xA10];
	_ =	sdelay $0x4  }
0xb4: {  	[tilespmem:$0x1F3E0] =	vst v1;
	v1 =	vld [tilespmem:$0xA20];
	_ =	sdelay $0x4  }
0xb5: {  	[tilespmem:$0x1F400] =	vst v1;
	v1 =	vld [tilespmem:$0xA30];
	_ =	sdelay $0x4  }
0xb6: {  	[tilespmem:$0x1F430] =	vst v1;
	v1 =	vld [tilespmem:$0xA40];
	_ =	sdelay $0x4  }
0xb7: {  	[tilespmem:$0x1F470] =	vst v1;
	v1 =	vld [tilespmem:$0xA50];
	_ =	sdelay $0x4  }
0xb8: {  	[tilespmem:$0x1F4A0] =	vst v1;
	v1 =	vld [tilespmem:$0xA60];
	_ =	sdelay $0x4  }
0xb9: {  	[tilespmem:$0x1F4D0] =	vst v1;
	v1 =	vld [tilespmem:$0xA70];
	_ =	sdelay $0x4  }
0xba: {  	[tilespmem:$0x1F500] =	vst v1;
	v1 =	vld [tilespmem:$0xA80];
	_ =	sdelay $0x4  }
0xbb: {  	[tilespmem:$0x1F530] =	vst v1;
	v1 =	vld [tilespmem:$0xA90];
	_ =	sdelay $0x4  }
0xbc: {  	[tilespmem:$0x1F560] =	vst v1;
	v1 =	vld [tilespmem:$0xAA0];
	_ =	sdelay $0x4  }
0xbd: {  	[tilespmem:$0x1F590] =	vst v1;
	v1 =	vld [tilespmem:$0xAB0];
	_ =	sdelay $0x4  }
0xbe: {  	[tilespmem:$0x1F5C0] =	vst v1;
	v1 =	vld [tilespmem:$0xAC0];
	_ =	sdelay $0x4  }
0xbf: {  	[tilespmem:$0x1F5F0] =	vst v1;
	v1 =	vld [tilespmem:$0xAD0];
	_ =	sdelay $0x4  }
0xc0: {  	[tilespmem:$0x1F620] =	vst v1;
	v1 =	vld [tilespmem:$0xAE0];
	_ =	sdelay $0x4  }
0xc1: {  	[tilespmem:$0x1F650] =	vst v1;
	v1 =	vld [tilespmem:$0xAF0];
	_ =	sdelay $0x4  }
0xc2: {  	[tilespmem:$0x1F680] =	vst v1;
	v1 =	vld [tilespmem:$0xB00];
	_ =	sdelay $0x4  }
0xc3: {  	[tilespmem:$0x1F6B0] =	vst v1;
	v1 =	vld [tilespmem:$0xB10];
	_ =	sdelay $0x4  }
0xc4: {  	[tilespmem:$0x1F6E0] =	vst v1;
	v1 =	vld [tilespmem:$0xB20];
	_ =	sdelay $0x4  }
0xc5: {  	[tilespmem:$0x1F710] =	vst v1;
	v1 =	vld [tilespmem:$0xB30];
	_ =	sdelay $0x4  }
0xc6: {  	[tilespmem:$0x1F740] =	vst v1;
	v1 =	vld [tilespmem:$0xB40];
	_ =	sdelay $0x4  }
0xc7: {  	[tilespmem:$0x1F770] =	vst v1;
	v1 =	vld [tilespmem:$0xB50];
	_ =	sdelay $0x4  }
0xc8: {  	[tilespmem:$0x1F7A0] =	vst v1;
	v1 =	vld [tilespmem:$0xB60];
	_ =	sdelay $0x4  }
0xc9: {  	[tilespmem:$0x1F7D0] =	vst v1;
	v1 =	vld [tilespmem:$0xB70];
	_ =	sdelay $0x4  }
0xca: {  	[tilespmem:$0x1F800] =	vst v1;
	v1 =	vld [tilespmem:$0xB80];
	_ =	sdelay $0x4  }
0xcb: {  	[tilespmem:$0x1F830] =	vst v1;
	v1 =	vld [tilespmem:$0xB90];
	_ =	sdelay $0x4  }
0xcc: {  	[tilespmem:$0x1F860] =	vst v1;
	v1 =	vld [tilespmem:$0xBA0];
	_ =	sdelay $0x4  }
0xcd: {  	[tilespmem:$0x1F890] =	vst v1;
	v1 =	vld [tilespmem:$0xBB0];
	_ =	sdelay $0x4  }
0xce: {  	[tilespmem:$0x1F8C0] =	vst v1;
	v1 =	vld [tilespmem:$0xBC0];
	_ =	sdelay $0x4  }
0xcf: {  	[tilespmem:$0x1F8F0] =	vst v1;
	v1 =	vld [tilespmem:$0xBD0];
	_ =	sdelay $0x4  }
0xd0: {  	[tilespmem:$0x1FF80] =	vst v1;
	v1 =	vld [tilespmem:$0xBE0];
	_ =	sdelay $0x4  }
0xd1: {  	[tilespmem:$0x1FFB0] =	vst v1;
	v1 =	vld [tilespmem:$0xBF0];
	_ =	sdelay $0x4  }
0xd2: {  	[tilespmem:$0x1FFD0] =	vst v1;
	v1 =	vld [tilespmem:$0xC00];
	_ =	sdelay $0x4  }
0xd3: {  	[tilespmem:$0x1F080] =	vst v1;
	v1 =	vld [tilespmem:$0xC10];
	_ =	sdelay $0x4  }
0xd4: {  	[tilespmem:$0x1F090] =	vst v1;
	v1 =	vld [tilespmem:$0xC20];
	_ =	sdelay $0x4  }
0xd5: {  	[tilespmem:$0x1F0B0] =	vst v1;
	v1 =	vld [tilespmem:$0xC30];
	_ =	sdelay $0x4  }
0xd6: {  	[tilespmem:$0x1F0D0] =	vst v1;
	v1 =	vld [tilespmem:$0xC40];
	_ =	sdelay $0x4  }
0xd7: {  	[tilespmem:$0x1F0F0] =	vst v1;
	v1 =	vld [tilespmem:$0xC50];
	_ =	sdelay $0x4  }
0xd8: {  	[tilespmem:$0x1F110] =	vst v1;
	v1 =	vld [tilespmem:$0xC60];
	_ =	sdelay $0x4  }
0xd9: {  	[tilespmem:$0x1F130] =	vst v1;
	v1 =	vld [tilespmem:$0xC70];
	_ =	sdelay $0x4  }
0xda: {  	[tilespmem:$0x1F150] =	vst v1;
	v1 =	vld [tilespmem:$0xC80];
	_ =	sdelay $0x4  }
0xdb: {  	[tilespmem:$0x1F170] =	vst v1;
	v1 =	vld [tilespmem:$0xC90];
	_ =	sdelay $0x4  }
0xdc: {  	[tilespmem:$0x1F190] =	vst v1;
	v1 =	vld [tilespmem:$0xCA0];
	_ =	sdelay $0x4  }
0xdd: {  	[tilespmem:$0x1F1B0] =	vst v1;
	v1 =	vld [tilespmem:$0xCB0];
	_ =	sdelay $0x4  }
0xde: {  	[tilespmem:$0x1F1D0] =	vst v1;
	v1 =	vld [tilespmem:$0xCC0];
	_ =	sdelay $0x4  }
0xdf: {  	[tilespmem:$0x1F1F0] =	vst v1;
	v1 =	vld [tilespmem:$0xCD0];
	_ =	sdelay $0x4  }
0xe0: {  	[tilespmem:$0x1F210] =	vst v1;
	v1 =	vld [tilespmem:$0xCE0];
	_ =	sdelay $0x4  }
0xe1: {  	[tilespmem:$0x1F230] =	vst v1;
	v1 =	vld [tilespmem:$0xCF0];
	_ =	sdelay $0x4  }
0xe2: {  	[tilespmem:$0x1F250] =	vst v1;
	v1 =	vld [tilespmem:$0xD00];
	_ =	sdelay $0x4  }
0xe3: {  	[tilespmem:$0x1F270] =	vst v1;
	v1 =	vld [tilespmem:$0xD10];
	_ =	sdelay $0x4  }
0xe4: {  	[tilespmem:$0x1F290] =	vst v1;
	v1 =	vld [tilespmem:$0xD20];
	_ =	sdelay $0x4  }
0xe5: {  	[tilespmem:$0x1F2B0] =	vst v1;
	v1 =	vld [tilespmem:$0xD30];
	_ =	sdelay $0x4  }
0xe6: {  	[tilespmem:$0x1F2D0] =	vst v1;
	v1 =	vld [tilespmem:$0xD40];
	_ =	sdelay $0x4  }
0xe7: {  	[tilespmem:$0x1F2F0] =	vst v1;
	v1 =	vld [tilespmem:$0xD50];
	_ =	sdelay $0x4  }
0xe8: {  	[tilespmem:$0x1F310] =	vst v1;
	v1 =	vld [tilespmem:$0xD60];
	_ =	sdelay $0x4  }
0xe9: {  	[tilespmem:$0x1F330] =	vst v1;
	v1 =	vld [tilespmem:$0xD70];
	_ =	sdelay $0x4  }
0xea: {  	[tilespmem:$0x1F350] =	vst v1;
	v1 =	vld [tilespmem:$0xD80];
	_ =	sdelay $0x4  }
0xeb: {  	[tilespmem:$0x1F370] =	vst v1;
	v1 =	vld [tilespmem:$0xD90];
	_ =	sdelay $0x4  }
0xec: {  	[tilespmem:$0x1F390] =	vst v1;
	v1 =	vld [tilespmem:$0xDA0];
	_ =	sdelay $0x4  }
0xed: {  	[tilespmem:$0x1F3B0] =	vst v1;
	v1 =	vld [tilespmem:$0xDB0];
	_ =	sdelay $0x4  }
0xee: {  	[tilespmem:$0x1F3C0] =	vst v1;
	v1 =	vld [tilespmem:$0xDC0];
	_ =	sdelay $0x4  }
0xef: {  	[tilespmem:$0x1F3F0] =	vst v1;
	v1 =	vld [tilespmem:$0xE00];
	_ =	sdelay $0x4  }
0xf0: {  	[tilespmem:$0x1F050] =	vst v1;
	v1 =	vld [tilespmem:$0xE10];
	_ =	sdelay $0x4  }
0xf1: {  	[tilespmem:$0x1F060] =	vst v1;
	v1 =	vld [tilespmem:$0xE20];
	_ =	sdelay $0x4  }
0xf2: {  	[tilespmem:$0x1F070] =	vst v1;
	v1 =	vld [tilespmem:$0xE30];
	_ =	sdelay $0x4  }
0xf3: {  	[tilespmem:$0x1F0A0] =	vst v1;
	v1 =	vld [tilespmem:$0xE40];
	_ =	sdelay $0x4  }
0xf4: {  	[tilespmem:$0x1F0C0] =	vst v1;
	v1 =	vld [tilespmem:$0xE50];
	_ =	sdelay $0x4  }
0xf5: {  	[tilespmem:$0x1F0E0] =	vst v1;
	v1 =	vld [tilespmem:$0xE60];
	_ =	sdelay $0x4  }
0xf6: {  	[tilespmem:$0x1F100] =	vst v1;
	v1 =	vld [tilespmem:$0xE70];
	_ =	sdelay $0x4  }
0xf7: {  	[tilespmem:$0x1F120] =	vst v1;
	v1 =	vld [tilespmem:$0xE80];
	_ =	sdelay $0x4  }
0xf8: {  	[tilespmem:$0x1F140] =	vst v1;
	v1 =	vld [tilespmem:$0xE90];
	_ =	sdelay $0x4  }
0xf9: {  	[tilespmem:$0x1F160] =	vst v1;
	v1 =	vld [tilespmem:$0xEA0];
	_ =	sdelay $0x4  }
0xfa: {  	[tilespmem:$0x1F180] =	vst v1;
	v1 =	vld [tilespmem:$0xEB0];
	_ =	sdelay $0x4  }
0xfb: {  	[tilespmem:$0x1F1A0] =	vst v1;
	v1 =	vld [tilespmem:$0xEC0];
	_ =	sdelay $0x4  }
0xfc: {  	[tilespmem:$0x1F1C0] =	vst v1;
	v1 =	vld [tilespmem:$0xED0];
	_ =	sdelay $0x4  }
0xfd: {  	[tilespmem:$0x1F1E0] =	vst v1;
	v1 =	vld [tilespmem:$0xEE0];
	_ =	sdelay $0x4  }
0xfe: {  	[tilespmem:$0x1F200] =	vst v1;
	v1 =	vld [tilespmem:$0xEF0];
	_ =	sdelay $0x4  }
0xff: {  	[tilespmem:$0x1F220] =	vst v1;
	v1 =	vld [tilespmem:$0xF00];
	_ =	sdelay $0x4  }
0x100: {  	[tilespmem:$0x1F240] =	vst v1;
	v1 =	vld [tilespmem:$0xF10];
	_ =	sdelay $0x4  }
0x101: {  	[tilespmem:$0x1F260] =	vst v1;
	v1 =	vld [tilespmem:$0xF20];
	_ =	sdelay $0x4  }
0x102: {  	[tilespmem:$0x1F280] =	vst v1;
	v1 =	vld [tilespmem:$0xF30];
	_ =	sdelay $0x4  }
0x103: {  	[tilespmem:$0x1F2A0] =	vst v1;
	v1 =	vld [tilespmem:$0xF40];
	_ =	sdelay $0x4  }
0x104: {  	[tilespmem:$0x1F2C0] =	vst v1;
	v1 =	vld [tilespmem:$0xF50];
	_ =	sdelay $0x4  }
0x105: {  	[tilespmem:$0x1F2E0] =	vst v1;
	v1 =	vld [tilespmem:$0xF60];
	_ =	sdelay $0x4  }
0x106: {  	[tilespmem:$0x1F300] =	vst v1;
	v1 =	vld [tilespmem:$0xF70];
	_ =	sdelay $0x4  }
0x107: {  	[tilespmem:$0x1F320] =	vst v1;
	v1 =	vld [tilespmem:$0xF80];
	_ =	sdelay $0x4  }
0x108: {  	[tilespmem:$0x1F340] =	vst v1;
	v1 =	vld [tilespmem:$0xF90];
	_ =	sdelay $0x4  }
0x109: {  	[tilespmem:$0x1F360] =	vst v1;
	v1 =	vld [tilespmem:$0xFA0];
	_ =	sdelay $0x4  }
0x10a: {  	[tilespmem:$0x1F380] =	vst v1;
	v1 =	vld [tilespmem:$0xFB0];
	_ =	sdelay $0x4  }
0x10b: {  	[tilespmem:$0x1F3A0] =	vst v1;
	v1 =	vld [tilespmem:$0x1000];
	_ =	sdelay $0x4  }
0x10c: {  	[tilespmem:$0x1F020] =	vst v1;
	v1 =	vld [tilespmem:$0x1010];
	_ =	sdelay $0x4  }
0x10d: {  	[tilespmem:$0x1F030] =	vst v1;
	v1 =	vld [tilespmem:$0x1020];
	_ =	sdelay $0x4  }
0x10e: {  	[tilespmem:$0x1F040] =	vst v1;
	v1 =	vld [tilespmem:$0x1200];
	_ =	sdelay $0x4  }
0x10f: {  	[tilespmem:$0x1ECD0] =	vst v1;
	v1 =	vld [tilespmem:$0x1210];
	_ =	sdelay $0x4  }
0x110: {  	[tilespmem:$0x1ECE0] =	vst v1;
	v1 =	vld [tilespmem:$0x1220];
	_ =	sdelay $0x4  }
0x111: {  	[tilespmem:$0x1ED00] =	vst v1;
	v1 =	vld [tilespmem:$0x1230];
	_ =	sdelay $0x4  }
0x112: {  	[tilespmem:$0x1ED20] =	vst v1;
	v1 =	vld [tilespmem:$0x1240];
	_ =	sdelay $0x4  }
0x113: {  	[tilespmem:$0x1ED40] =	vst v1;
	v1 =	vld [tilespmem:$0x1250];
	_ =	sdelay $0x4  }
0x114: {  	[tilespmem:$0x1ED60] =	vst v1;
	v1 =	vld [tilespmem:$0x1260];
	_ =	sdelay $0x4  }
0x115: {  	[tilespmem:$0x1ED80] =	vst v1;
	v1 =	vld [tilespmem:$0x1270];
	_ =	sdelay $0x4  }
0x116: {  	[tilespmem:$0x1EDA0] =	vst v1;
	v1 =	vld [tilespmem:$0x1280];
	_ =	sdelay $0x4  }
0x117: {  	[tilespmem:$0x1EDC0] =	vst v1;
	v1 =	vld [tilespmem:$0x1290];
	_ =	sdelay $0x4  }
0x118: {  	[tilespmem:$0x1EDE0] =	vst v1;
	v1 =	vld [tilespmem:$0x12A0];
	_ =	sdelay $0x4  }
0x119: {  	[tilespmem:$0x1EE00] =	vst v1;
	v1 =	vld [tilespmem:$0x12B0];
	_ =	sdelay $0x4  }
0x11a: {  	[tilespmem:$0x1EE20] =	vst v1;
	v1 =	vld [tilespmem:$0x12C0];
	_ =	sdelay $0x4  }
0x11b: {  	[tilespmem:$0x1EE40] =	vst v1;
	v1 =	vld [tilespmem:$0x12D0];
	_ =	sdelay $0x4  }
0x11c: {  	[tilespmem:$0x1EE60] =	vst v1;
	v1 =	vld [tilespmem:$0x12E0];
	_ =	sdelay $0x4  }
0x11d: {  	[tilespmem:$0x1EE80] =	vst v1;
	v1 =	vld [tilespmem:$0x12F0];
	_ =	sdelay $0x4  }
0x11e: {  	[tilespmem:$0x1EEA0] =	vst v1;
	v1 =	vld [tilespmem:$0x1300];
	_ =	sdelay $0x4  }
0x11f: {  	[tilespmem:$0x1EEC0] =	vst v1;
	v1 =	vld [tilespmem:$0x1310];
	_ =	sdelay $0x4  }
0x120: {  	[tilespmem:$0x1EEE0] =	vst v1;
	v1 =	vld [tilespmem:$0x1320];
	_ =	sdelay $0x4  }
0x121: {  	[tilespmem:$0x1EF00] =	vst v1;
	v1 =	vld [tilespmem:$0x1330];
	_ =	sdelay $0x4  }
0x122: {  	[tilespmem:$0x1EF20] =	vst v1;
	v1 =	vld [tilespmem:$0x1340];
	_ =	sdelay $0x4  }
0x123: {  	[tilespmem:$0x1EF40] =	vst v1;
	v1 =	vld [tilespmem:$0x1350];
	_ =	sdelay $0x4  }
0x124: {  	[tilespmem:$0x1EF60] =	vst v1;
	v1 =	vld [tilespmem:$0x1360];
	_ =	sdelay $0x4  }
0x125: {  	[tilespmem:$0x1EF80] =	vst v1;
	v1 =	vld [tilespmem:$0x1370];
	_ =	sdelay $0x4  }
0x126: {  	[tilespmem:$0x1EFA0] =	vst v1;
	v1 =	vld [tilespmem:$0x1380];
	_ =	sdelay $0x4  }
0x127: {  	[tilespmem:$0x1EFC0] =	vst v1;
	v1 =	vld [tilespmem:$0x1390];
	_ =	sdelay $0x4  }
0x128: {  	[tilespmem:$0x1EFE0] =	vst v1;
	v1 =	vld [tilespmem:$0x13A0];
	_ =	sdelay $0x4  }
0x129: {  	[tilespmem:$0x1F000] =	vst v1;
	v1 =	vld [tilespmem:$0x13B0];
	_ =	sdelay $0x4  }
0x12a: {  	[tilespmem:$0x1F010] =	vst v1;
	v1 =	vld [tilespmem:$0x1400];
	_ =	sdelay $0x4  }
0x12b: {  	[tilespmem:$0x1EC80] =	vst v1;
	v1 =	vld [tilespmem:$0x1410];
	_ =	sdelay $0x4  }
0x12c: {  	[tilespmem:$0x1EC90] =	vst v1;
	v1 =	vld [tilespmem:$0x1420];
	_ =	sdelay $0x4  }
0x12d: {  	[tilespmem:$0x1ECB0] =	vst v1;
	v1 =	vld [tilespmem:$0x1430];
	_ =	sdelay $0x4  }
0x12e: {  	[tilespmem:$0x1ECC0] =	vst v1;
	v1 =	vld [tilespmem:$0x1440];
	_ =	sdelay $0x4  }
0x12f: {  	[tilespmem:$0x1ECF0] =	vst v1;
	v1 =	vld [tilespmem:$0x1450];
	_ =	sdelay $0x4  }
0x130: {  	[tilespmem:$0x1ED10] =	vst v1;
	v1 =	vld [tilespmem:$0x1460];
	_ =	sdelay $0x4  }
0x131: {  	[tilespmem:$0x1ED30] =	vst v1;
	v1 =	vld [tilespmem:$0x1470];
	_ =	sdelay $0x4  }
0x132: {  	[tilespmem:$0x1ED50] =	vst v1;
	v1 =	vld [tilespmem:$0x1480];
	_ =	sdelay $0x4  }
0x133: {  	[tilespmem:$0x1ED70] =	vst v1;
	v1 =	vld [tilespmem:$0x1490];
	_ =	sdelay $0x4  }
0x134: {  	[tilespmem:$0x1ED90] =	vst v1;
	v1 =	vld [tilespmem:$0x14A0];
	_ =	sdelay $0x4  }
0x135: {  	[tilespmem:$0x1EDB0] =	vst v1;
	v1 =	vld [tilespmem:$0x14B0];
	_ =	sdelay $0x4  }
0x136: {  	[tilespmem:$0x1EDD0] =	vst v1;
	v1 =	vld [tilespmem:$0x14C0];
	_ =	sdelay $0x4  }
0x137: {  	[tilespmem:$0x1EDF0] =	vst v1;
	v1 =	vld [tilespmem:$0x14D0];
	_ =	sdelay $0x4  }
0x138: {  	[tilespmem:$0x1EE10] =	vst v1;
	v1 =	vld [tilespmem:$0x14E0];
	_ =	sdelay $0x4  }
0x139: {  	[tilespmem:$0x1EE30] =	vst v1;
	v1 =	vld [tilespmem:$0x14F0];
	_ =	sdelay $0x4  }
0x13a: {  	[tilespmem:$0x1EE50] =	vst v1;
	v1 =	vld [tilespmem:$0x1500];
	_ =	sdelay $0x4  }
0x13b: {  	[tilespmem:$0x1EE70] =	vst v1;
	v1 =	vld [tilespmem:$0x1510];
	_ =	sdelay $0x4  }
0x13c: {  	[tilespmem:$0x1EE90] =	vst v1;
	v1 =	vld [tilespmem:$0x1520];
	_ =	sdelay $0x4  }
0x13d: {  	[tilespmem:$0x1EEB0] =	vst v1;
	v1 =	vld [tilespmem:$0x1530];
	_ =	sdelay $0x4  }
0x13e: {  	[tilespmem:$0x1EED0] =	vst v1;
	v1 =	vld [tilespmem:$0x1540];
	_ =	sdelay $0x4  }
0x13f: {  	[tilespmem:$0x1EEF0] =	vst v1;
	v1 =	vld [tilespmem:$0x1550];
	_ =	sdelay $0x4  }
0x140: {  	[tilespmem:$0x1EF10] =	vst v1;
	v1 =	vld [tilespmem:$0x1560];
	_ =	sdelay $0x4  }
0x141: {  	[tilespmem:$0x1EF30] =	vst v1;
	v1 =	vld [tilespmem:$0x1570];
	_ =	sdelay $0x4  }
0x142: {  	[tilespmem:$0x1EF50] =	vst v1;
	v1 =	vld [tilespmem:$0x1580];
	_ =	sdelay $0x4  }
0x143: {  	[tilespmem:$0x1EF70] =	vst v1;
	v1 =	vld [tilespmem:$0x1590];
	_ =	sdelay $0x4  }
0x144: {  	[tilespmem:$0x1EF90] =	vst v1;
	v1 =	vld [tilespmem:$0x15A0];
	_ =	sdelay $0x4  }
0x145: {  	[tilespmem:$0x1EFB0] =	vst v1;
	v1 =	vld [tilespmem:$0x15B0];
	_ =	sdelay $0x4  }
0x146: {  	[tilespmem:$0x1EFD0] =	vst v1;
	v1 =	vld [tilespmem:$0x15C0];
	_ =	sdelay $0x4  }
0x147: {  	[tilespmem:$0x1EFF0] =	vst v1;
	v1 =	vld [tilespmem:$0x1600];
	_ =	sdelay $0x4  }
0x148: {  	[tilespmem:$0x1EC50] =	vst v1;
	v1 =	vld [tilespmem:$0x1610];
	_ =	sdelay $0x4  }
0x149: {  	[tilespmem:$0x1EC60] =	vst v1;
	v1 =	vld [tilespmem:$0x1620];
	_ =	sdelay $0x4  }
0x14a: {  	[tilespmem:$0x1EC70] =	vst v1;
	v1 =	vld [tilespmem:$0x1630];
	_ =	sdelay $0x4  }
0x14b: {  	[tilespmem:$0x1ECA0] =	vst v1;
	v1 =	vld [tilespmem:$0x1800];
	_ =	sdelay $0x4  }
0x14c: {  	[tilespmem:$0x1E900] =	vst v1;
	v1 =	vld [tilespmem:$0x1810];
	_ =	sdelay $0x4  }
0x14d: {  	[tilespmem:$0x1E910] =	vst v1;
	v1 =	vld [tilespmem:$0x1820];
	_ =	sdelay $0x4  }
0x14e: {  	[tilespmem:$0x1E930] =	vst v1;
	v1 =	vld [tilespmem:$0x1830];
	_ =	sdelay $0x4  }
0x14f: {  	[tilespmem:$0x1E950] =	vst v1;
	v1 =	vld [tilespmem:$0x1840];
	_ =	sdelay $0x4  }
0x150: {  	[tilespmem:$0x1E970] =	vst v1;
	v1 =	vld [tilespmem:$0x1850];
	_ =	sdelay $0x4  }
0x151: {  	[tilespmem:$0x1E990] =	vst v1;
	v1 =	vld [tilespmem:$0x1860];
	_ =	sdelay $0x4  }
0x152: {  	[tilespmem:$0x1E9B0] =	vst v1;
	v1 =	vld [tilespmem:$0x1870];
	_ =	sdelay $0x4  }
0x153: {  	[tilespmem:$0x1E9D0] =	vst v1;
	v1 =	vld [tilespmem:$0x1880];
	_ =	sdelay $0x4  }
0x154: {  	[tilespmem:$0x1E9F0] =	vst v1;
	v1 =	vld [tilespmem:$0x1890];
	_ =	sdelay $0x4  }
0x155: {  	[tilespmem:$0x1EA10] =	vst v1;
	v1 =	vld [tilespmem:$0x18A0];
	_ =	sdelay $0x4  }
0x156: {  	[tilespmem:$0x1EA30] =	vst v1;
	v1 =	vld [tilespmem:$0x18B0];
	_ =	sdelay $0x4  }
0x157: {  	[tilespmem:$0x1EA50] =	vst v1  }
0x158: {  	v1 =	vld [tilespmem:$0x18C0];
	_ =	sdelay $0x4  }
0x159: {  	[tilespmem:$0x1EA70] =	vst v1;
	v1 =	vld [tilespmem:$0x18D0];
	_ =	sdelay $0x4  }
0x15a: {  	[tilespmem:$0x1EA90] =	vst v1;
	v1 =	vld [tilespmem:$0x18E0];
	_ =	sdelay $0x4  }
0x15b: {  	[tilespmem:$0x1EAB0] =	vst v1;
	v1 =	vld [tilespmem:$0x18F0];
	_ =	sdelay $0x4  }
0x15c: {  	[tilespmem:$0x1EAD0] =	vst v1;
	v1 =	vld [tilespmem:$0x1900];
	_ =	sdelay $0x4  }
0x15d: {  	[tilespmem:$0x1EAF0] =	vst v1;
	v1 =	vld [tilespmem:$0x1910];
	_ =	sdelay $0x4  }
0x15e: {  	[tilespmem:$0x1EB10] =	vst v1;
	v1 =	vld [tilespmem:$0x1920];
	_ =	sdelay $0x4  }
0x15f: {  	[tilespmem:$0x1EB30] =	vst v1;
	v1 =	vld [tilespmem:$0x1930];
	_ =	sdelay $0x4  }
0x160: {  	[tilespmem:$0x1EB50] =	vst v1;
	v1 =	vld [tilespmem:$0x1940];
	_ =	sdelay $0x4  }
0x161: {  	[tilespmem:$0x1EB70] =	vst v1;
	v1 =	vld [tilespmem:$0x1950];
	_ =	sdelay $0x4  }
0x162: {  	[tilespmem:$0x1EB90] =	vst v1;
	v1 =	vld [tilespmem:$0x1960];
	_ =	sdelay $0x4  }
0x163: {  	[tilespmem:$0x1EBB0] =	vst v1;
	v1 =	vld [tilespmem:$0x1970];
	_ =	sdelay $0x4  }
0x164: {  	[tilespmem:$0x1EBD0] =	vst v1;
	v1 =	vld [tilespmem:$0x1980];
	_ =	sdelay $0x4  }
0x165: {  	[tilespmem:$0x1EBF0] =	vst v1;
	v1 =	vld [tilespmem:$0x1990];
	_ =	sdelay $0x4  }
0x166: {  	[tilespmem:$0x1EC10] =	vst v1;
	v1 =	vld [tilespmem:$0x19A0];
	_ =	sdelay $0x4  }
0x167: {  	[tilespmem:$0x1EC30] =	vst v1;
	v1 =	vld [tilespmem:$0x19B0];
	_ =	sdelay $0x4  }
0x168: {  	[tilespmem:$0x1EC40] =	vst v1;
	v1 =	vld [tilespmem:$0x1A00];
	_ =	sdelay $0x4  }
0x169: {  	[tilespmem:$0x1E8B0] =	vst v1;
	v1 =	vld [tilespmem:$0x1A10];
	_ =	sdelay $0x4  }
0x16a: {  	[tilespmem:$0x1E8C0] =	vst v1;
	v1 =	vld [tilespmem:$0x1A20];
	_ =	sdelay $0x4  }
0x16b: {  	[tilespmem:$0x1E8E0] =	vst v1;
	v1 =	vld [tilespmem:$0x1A30];
	_ =	sdelay $0x4  }
0x16c: {  	[tilespmem:$0x1E8F0] =	vst v1;
	v1 =	vld [tilespmem:$0x1A40];
	_ =	sdelay $0x4  }
0x16d: {  	[tilespmem:$0x1E920] =	vst v1;
	v1 =	vld [tilespmem:$0x1A50];
	_ =	sdelay $0x4  }
0x16e: {  	[tilespmem:$0x1E940] =	vst v1;
	v1 =	vld [tilespmem:$0x1A60];
	_ =	sdelay $0x4  }
0x16f: {  	[tilespmem:$0x1E960] =	vst v1;
	v1 =	vld [tilespmem:$0x1A70];
	_ =	sdelay $0x4  }
0x170: {  	[tilespmem:$0x1E980] =	vst v1;
	v1 =	vld [tilespmem:$0x1A80];
	_ =	sdelay $0x4  }
0x171: {  	[tilespmem:$0x1E9A0] =	vst v1;
	v1 =	vld [tilespmem:$0x1A90];
	_ =	sdelay $0x4  }
0x172: {  	[tilespmem:$0x1E9C0] =	vst v1;
	v1 =	vld [tilespmem:$0x1AA0];
	_ =	sdelay $0x4  }
0x173: {  	[tilespmem:$0x1E9E0] =	vst v1;
	v1 =	vld [tilespmem:$0x1AB0];
	_ =	sdelay $0x4  }
0x174: {  	[tilespmem:$0x1EA00] =	vst v1;
	v1 =	vld [tilespmem:$0x1AC0];
	_ =	sdelay $0x4  }
0x175: {  	[tilespmem:$0x1EA20] =	vst v1;
	v1 =	vld [tilespmem:$0x1AD0];
	_ =	sdelay $0x4  }
0x176: {  	[tilespmem:$0x1EA40] =	vst v1;
	v1 =	vld [tilespmem:$0x1AE0];
	_ =	sdelay $0x4  }
0x177: {  	[tilespmem:$0x1EA60] =	vst v1;
	v1 =	vld [tilespmem:$0x1AF0];
	_ =	sdelay $0x4  }
0x178: {  	[tilespmem:$0x1EA80] =	vst v1;
	v1 =	vld [tilespmem:$0x1B00];
	_ =	sdelay $0x4  }
0x179: {  	[tilespmem:$0x1EAA0] =	vst v1;
	v1 =	vld [tilespmem:$0x1B10];
	_ =	sdelay $0x4  }
0x17a: {  	[tilespmem:$0x1EAC0] =	vst v1;
	v1 =	vld [tilespmem:$0x1B20];
	_ =	sdelay $0x4  }
0x17b: {  	[tilespmem:$0x1EAE0] =	vst v1;
	v1 =	vld [tilespmem:$0x1B30];
	_ =	sdelay $0x4  }
0x17c: {  	[tilespmem:$0x1EB00] =	vst v1;
	v1 =	vld [tilespmem:$0x1B40];
	_ =	sdelay $0x4  }
0x17d: {  	[tilespmem:$0x1EB20] =	vst v1;
	v1 =	vld [tilespmem:$0x1B50];
	_ =	sdelay $0x4  }
0x17e: {  	[tilespmem:$0x1EB40] =	vst v1;
	v1 =	vld [tilespmem:$0x1B60];
	_ =	sdelay $0x4  }
0x17f: {  	[tilespmem:$0x1EB60] =	vst v1;
	v1 =	vld [tilespmem:$0x1B70];
	_ =	sdelay $0x4  }
0x180: {  	[tilespmem:$0x1EB80] =	vst v1;
	v1 =	vld [tilespmem:$0x1B80];
	_ =	sdelay $0x4  }
0x181: {  	[tilespmem:$0x1EBA0] =	vst v1;
	v1 =	vld [tilespmem:$0x1B90];
	_ =	sdelay $0x4  }
0x182: {  	[tilespmem:$0x1EBC0] =	vst v1;
	v1 =	vld [tilespmem:$0x1BA0];
	_ =	sdelay $0x4  }
0x183: {  	[tilespmem:$0x1EBE0] =	vst v1;
	v1 =	vld [tilespmem:$0x1BB0];
	_ =	sdelay $0x4  }
0x184: {  	[tilespmem:$0x1EC00] =	vst v1;
	v1 =	vld [tilespmem:$0x1BC0];
	_ =	sdelay $0x4  }
0x185: {  	[tilespmem:$0x1EC20] =	vst v1;
	v1 =	vld [tilespmem:$0x1C00];
	_ =	sdelay $0x4  }
0x186: {  	[tilespmem:$0x1E880] =	vst v1;
	v1 =	vld [tilespmem:$0x1C10];
	_ =	sdelay $0x4  }
0x187: {  	[tilespmem:$0x1E890] =	vst v1;
	v1 =	vld [tilespmem:$0x1C20];
	_ =	sdelay $0x4  }
0x188: {  	[tilespmem:$0x1E8A0] =	vst v1;
	v1 =	vld [tilespmem:$0x1C30];
	_ =	sdelay $0x4  }
0x189: {  	[tilespmem:$0x1E8D0] =	vst v1;
	v1 =	vld [tilespmem:$0x1E60];
	_ =	sdelay $0x4  }
0x18a: {  	[tilespmem:$0x1E680] =	vst v1;
	v1 =	vld [tilespmem:$0x1E70];
	_ =	sdelay $0x4  }
0x18b: {  	[tilespmem:$0x1E690] =	vst v1;
	v1 =	vld [tilespmem:$0x1E80];
	_ =	sdelay $0x4  }
0x18c: {  	[tilespmem:$0x1E6A0] =	vst v1;
	v1 =	vld [tilespmem:$0x1E90];
	_ =	sdelay $0x4  }
0x18d: {  	[tilespmem:$0x1E6B0] =	vst v1;
	v1 =	vld [tilespmem:$0x1EA0];
	_ =	sdelay $0x4  }
0x18e: {  	[tilespmem:$0x1E6C0] =	vst v1;
	v1 =	vld [tilespmem:$0x1EB0];
	_ =	sdelay $0x4  }
0x18f: {  	[tilespmem:$0x1E6D0] =	vst v1;
	v1 =	vld [tilespmem:$0x1EC0];
	_ =	sdelay $0x4  }
0x190: {  	[tilespmem:$0x1E6E0] =	vst v1;
	v1 =	vld [tilespmem:$0x1ED0];
	_ =	sdelay $0x4  }
0x191: {  	[tilespmem:$0x1E6F0] =	vst v1;
	v1 =	vld [tilespmem:$0x1EE0];
	_ =	sdelay $0x4  }
0x192: {  	[tilespmem:$0x1E700] =	vst v1;
	v1 =	vld [tilespmem:$0x1EF0];
	_ =	sdelay $0x4  }
0x193: {  	[tilespmem:$0x1E710] =	vst v1;
	v1 =	vld [tilespmem:$0x1F00];
	_ =	sdelay $0x4  }
0x194: {  	[tilespmem:$0x1E720] =	vst v1;
	v1 =	vld [tilespmem:$0x1F10];
	_ =	sdelay $0x4  }
0x195: {  	[tilespmem:$0x1E740] =	vst v1;
	v1 =	vld [tilespmem:$0x1F20];
	_ =	sdelay $0x4  }
0x196: {  	[tilespmem:$0x1E760] =	vst v1;
	v1 =	vld [tilespmem:$0x1F30];
	_ =	sdelay $0x4  }
0x197: {  	[tilespmem:$0x1E780] =	vst v1;
	v1 =	vld [tilespmem:$0x1F40];
	_ =	sdelay $0x4  }
0x198: {  	[tilespmem:$0x1E7A0] =	vst v1;
	v1 =	vld [tilespmem:$0x1F50];
	_ =	sdelay $0x4  }
0x199: {  	[tilespmem:$0x1E7C0] =	vst v1;
	v1 =	vld [tilespmem:$0x1F60];
	_ =	sdelay $0x4  }
0x19a: {  	[tilespmem:$0x1E7E0] =	vst v1;
	v1 =	vld [tilespmem:$0x1F70];
	_ =	sdelay $0x1  }
0x19b: {  	v54 =	vld [tilespmem:$0x1E00]  }
0x19c: {  	v53 =	vld [tilespmem:$0x1E10]  }
0x19d: {  	v56 =	vld [tilespmem:$0x1E20]  }
0x19e: {  	[tilespmem:$0x1E800] =	vst v1;
	v1 =	vld [tilespmem:$0x1F80]  }
0x19f: {  	v58 =	vld [tilespmem:$0x1E30]  }
0x1a0: {  	v60 =	vld [tilespmem:$0x1E40]  }
0x1a1: {  	v62 =	vld [tilespmem:$0x1E50]  }
0x1a2: {  	v40 =	vld [tilespmem:$0x2000]  }
0x1a3: {  	[tilespmem:$0x1E820] =	vst v1;
	v1 =	vld [tilespmem:$0x1F90]  }
0x1a4: {  	v39 =	vld [tilespmem:$0x2010]  }
0x1a5: {  	v41 =	vld [tilespmem:$0x2020]  }
0x1a6: {  	v42 =	vld [tilespmem:$0x2030]  }
0x1a7: {  	v43 =	vld [tilespmem:$0x2040]  }
0x1a8: {  	[tilespmem:$0x1E840] =	vst v1;
	v1 =	vld [tilespmem:$0x1FA0]  }
0x1a9: {  	v44 =	vld [tilespmem:$0x2050]  }
0x1aa: {  	v45 =	vld [tilespmem:$0x2060]  }
0x1ab: {  	v46 =	vld [tilespmem:$0x2070]  }
0x1ac: {  	v47 =	vld [tilespmem:$0x2080]  }
0x1ad: {  	[tilespmem:$0x1E860] =	vst v1;
	v1 =	vld [tilespmem:$0x1FB0]  }
0x1ae: {  	v48 =	vld [tilespmem:$0x2090]  }
0x1af: {  	v49 =	vld [tilespmem:$0x20A0]  }
0x1b0: {  	v50 =	vld [tilespmem:$0x20B0]  }
0x1b1: {  	v51 =	vld [tilespmem:$0x20C0]  }
0x1b2: {  	[tilespmem:$0x1E870] =	vst v1;
	v1 =	vld [tilespmem:$0x2130]  }
0x1b3: {  	v52 =	vld [tilespmem:$0x20D0]  }
0x1b4: {  	v55 =	vld [tilespmem:$0x20E0]  }
0x1b5: {  	v57 =	vld [tilespmem:$0x20F0]  }
0x1b6: {  	v59 =	vld [tilespmem:$0x2100]  }
0x1b7: {  	[tilespmem:$0x1E730] =	vst v1;
	v1 =	vld [tilespmem:$0x2140]  }
0x1b8: {  	v61 =	vld [tilespmem:$0x2110]  }
0x1b9: {  	v63 =	vld [tilespmem:$0x2120]  }
0x1ba: {  	v36 =	vld [tilespmem:$0x2200]  }
0x1bb: {  	v35 =	vld [tilespmem:$0x2210]  }
0x1bc: {  	[tilespmem:$0x1E750] =	vst v1;
	v1 =	vld [tilespmem:$0x2150]  }
0x1bd: {  	v37 =	vld [tilespmem:$0x2220]  }
0x1be: {  	v38 =	vld [tilespmem:$0x2230]  }
0x1bf: {  	v8 =	vld [tilespmem:$0x2400]  }
0x1c0: {  	v7 =	vld [tilespmem:$0x2410]  }
0x1c1: {  	[tilespmem:$0x1E770] =	vst v1;
	v1 =	vld [tilespmem:$0x2160]  }
0x1c2: {  	v9 =	vld [tilespmem:$0x2420]  }
0x1c3: {  	v10 =	vld [tilespmem:$0x2430]  }
0x1c4: {  	v11 =	vld [tilespmem:$0x2440]  }
0x1c5: {  	v12 =	vld [tilespmem:$0x2450]  }
0x1c6: {  	[tilespmem:$0x1E790] =	vst v1;
	v1 =	vld [tilespmem:$0x2170]  }
0x1c7: {  	v13 =	vld [tilespmem:$0x2460]  }
0x1c8: {  	v14 =	vld [tilespmem:$0x2470]  }
0x1c9: {  	v15 =	vld [tilespmem:$0x2480]  }
0x1ca: {  	v16 =	vld [tilespmem:$0x2490]  }
0x1cb: {  	[tilespmem:$0x1E7B0] =	vst v1;
	v1 =	vld [tilespmem:$0x2180]  }
0x1cc: {  	v17 =	vld [tilespmem:$0x24A0]  }
0x1cd: {  	v18 =	vld [tilespmem:$0x24B0]  }
0x1ce: {  	v19 =	vld [tilespmem:$0x24C0]  }
0x1cf: {  	v20 =	vld [tilespmem:$0x24D0]  }
0x1d0: {  	[tilespmem:$0x1E7D0] =	vst v1;
	v1 =	vld [tilespmem:$0x2190]  }
0x1d1: {  	v21 =	vld [tilespmem:$0x24E0]  }
0x1d2: {  	v22 =	vld [tilespmem:$0x24F0]  }
0x1d3: {  	v23 =	vld [tilespmem:$0x2500]  }
0x1d4: {  	v24 =	vld [tilespmem:$0x2510]  }
0x1d5: {  	[tilespmem:$0x1E7F0] =	vst v1;
	v1 =	vld [tilespmem:$0x21A0]  }
0x1d6: {  	v25 =	vld [tilespmem:$0x2520]  }
0x1d7: {  	v26 =	vld [tilespmem:$0x2530]  }
0x1d8: {  	v27 =	vld [tilespmem:$0x2540]  }
0x1d9: {  	v28 =	vld [tilespmem:$0x2550]  }
0x1da: {  	[tilespmem:$0x1E810] =	vst v1;
	v1 =	vld [tilespmem:$0x21B0]  }
0x1db: {  	v29 =	vld [tilespmem:$0x2560]  }
0x1dc: {  	v30 =	vld [tilespmem:$0x2570]  }
0x1dd: {  	v31 =	vld [tilespmem:$0x2580]  }
0x1de: {  	v32 =	vld [tilespmem:$0x2590]  }
0x1df: {  	[tilespmem:$0x1E830] =	vst v1;
	v1 =	vld [tilespmem:$0x21C0]  }
0x1e0: {  	v33 =	vld [tilespmem:$0x25A0]  }
0x1e1: {  	v34 =	vld [tilespmem:$0x25B0]  }
0x1e2: {  	v2 =	vld [tilespmem:$0x2600]  }
0x1e3: {  	v3 =	vld [tilespmem:$0x2620]  }
0x1e4: {  	[tilespmem:$0x1E850] =	vst v1;
	v1 =	vld [tilespmem:$0x2610]  }
0x1e5: {  	v4 =	vld [tilespmem:$0x2630]  }
0x1e6: {  	v5 =	vld [tilespmem:$0x2640]  }
0x1e7: {  	v6 =	vld [tilespmem:$0x2650]  }
0x1e8: {  	v39 =	vadd.s32 v39, v40;
	v40 =	vld [tilespmem:$0x2270]  }
0x1e9: {  	v1 =	vadd.s32 v1, v2;
	v2 =	vld [tilespmem:$0x2660]  }
0x1ea: {  	v1 =	vadd.s32 v3, v1;
	v3 =	vld [tilespmem:$0x2670]  }
0x1eb: {  	v1 =	vadd.s32 v4, v1;
	v4 =	vadd.s32 v7, v8;
	v7 =	vld [tilespmem:$0x2680]  }
0x1ec: {  	v1 =	vadd.s32 v1, v5;
	v4 =	vadd.s32 v9, v4;
	v9 =	vld [tilespmem:$0x2690]  }
0x1ed: {  	v1 =	vadd.s32 v6, v1;
	v4 =	vadd.s32 v10, v4;
	v10 =	vld [tilespmem:$0x26A0]  }
0x1ee: {  	v1 =	vadd.s32 v2, v1;
	v2 =	vadd.s32 v4, v11;
	v11 =	vld [tilespmem:$0x26B0]  }
0x1ef: {  	v1 =	vadd.s32 v3, v1;
	v3 =	vld [tilespmem:$0x26C0]  }
0x1f0: {  	v2 =	vadd.s32 v12, v2;
	v12 =	vld [tilespmem:$0x1E680]  }
0x1f1: {  	v2 =	vadd.s32 v13, v2;
	v13 =	vld [tilespmem:$0x26D0]  }
0x1f2: {  	v1 =	vadd.s32 v1, v7;
	v2 =	vadd.s32 v14, v2;
	v14 =	vld [tilespmem:$0x26E0]  }
0x1f3: {  	v1 =	vadd.s32 v9, v1;
	v2 =	vadd.s32 v2, v15;
	v15 =	vld [tilespmem:$0x26F0]  }
0x1f4: {  	v1 =	vadd.s32 v10, v1;
	v10 =	vld [tilespmem:$0x1E8A0]  }
0x1f5: {  	v2 =	vadd.s32 v16, v2;
	v16 =	vld [tilespmem:$0x2700]  }
0x1f6: {  	v1 =	vadd.s32 v11, v1;
	v11 =	vld [tilespmem:$0x1E8B0]  }
0x1f7: {  	v1 =	vadd.s32 v1, v3;
	v3 =	vld [tilespmem:$0x2710]  }
0x1f8: {  	v2 =	vadd.s32 v17, v2;
	v17 =	vld [tilespmem:$0x2300]  }
0x1f9: {  	v2 =	vadd.s32 v18, v2;
	v18 =	vld [tilespmem:$0x2720]  }
0x1fa: {  	v1 =	vadd.s32 v13, v1;
	v13 =	vld [tilespmem:$0x22E0]  }
0x1fb: {  	v2 =	vadd.s32 v2, v19;
	v19 =	vld [tilespmem:$0x2730]  }
0x1fc: {  	v1 =	vadd.s32 v14, v1;
	v14 =	vld [tilespmem:$0x1E690]  }
0x1fd: {  	v2 =	vadd.s32 v20, v2;
	v20 =	vld [tilespmem:$0x2740]  }
0x1fe: {  	v1 =	vadd.s32 v15, v1;
	v15 =	vld [tilespmem:$0x22F0]  }
0x1ff: {  	v2 =	vadd.s32 v21, v2;
	v21 =	vld [tilespmem:$0x2750]  }
0x200: {  	v1 =	vadd.s32 v1, v16;
	v16 =	vld [tilespmem:$0x1E6A0]  }
0x201: {  	v1 =	vadd.s32 v3, v1;
	v3 =	vld [tilespmem:$0x2760]  }
0x202: {  	v2 =	vadd.s32 v22, v2;
	v22 =	vld [tilespmem:$0x1E6D0]  }
0x203: {  	v2 =	vadd.s32 v2, v23;
	v23 =	vld [tilespmem:$0x2770]  }
0x204: {  	v1 =	vadd.s32 v18, v1;
	v18 =	vld [tilespmem:$0x1E6B0]  }
0x205: {  	v2 =	vadd.s32 v24, v2;
	v24 =	vld [tilespmem:$0x2780]  }
0x206: {  	v1 =	vadd.s32 v19, v1;
	v19 =	vld [tilespmem:$0x2310]  }
0x207: {  	v2 =	vadd.s32 v25, v2;
	v25 =	vld [tilespmem:$0x2790]  }
0x208: {  	v1 =	vadd.s32 v1, v20;
	v20 =	vld [tilespmem:$0x1E6C0]  }
0x209: {  	v2 =	vadd.s32 v26, v2;
	v26 =	vld [tilespmem:$0x27A0]  }
0x20a: {  	v1 =	vadd.s32 v21, v1;
	v21 =	vld [tilespmem:$0x2320]  }
0x20b: {  	v1 =	vadd.s32 v3, v1;
	v3 =	vld [tilespmem:$0x27B0]  }
0x20c: {  	v2 =	vadd.s32 v2, v27;
	v27 =	vld [tilespmem:$0x27C0]  }
0x20d: {  	v2 =	vadd.s32 v28, v2;
	v28 =	vld [tilespmem:$0x27D0]  }
0x20e: {  	v1 =	vadd.s32 v23, v1;
	v23 =	vld [tilespmem:$0x2330]  }
0x20f: {  	v2 =	vadd.s32 v29, v2;
	v29 =	vld [tilespmem:$0x25C0]  }
0x210: {  	v1 =	vadd.s32 v1, v24;
	v24 =	vld [tilespmem:$0x1E6E0]  }
0x211: {  	v2 =	vadd.s32 v30, v2;
	v30 =	vld [tilespmem:$0x25D0]  }
0x212: {  	v1 =	vadd.s32 v25, v1;
	v25 =	vld [tilespmem:$0x2340]  }
0x213: {  	v2 =	vadd.s32 v2, v31;
	v31 =	vld [tilespmem:$0x2250]  }
0x214: {  	v1 =	vadd.s32 v26, v1;
	v26 =	vld [tilespmem:$0x1E6F0]  }
0x215: {  	v1 =	vadd.s32 v3, v1;
	v3 =	vld [tilespmem:$0x2240]  }
0x216: {  	v2 =	vadd.s32 v32, v2;
	v32 =	vld [tilespmem:$0x1E720]  }
0x217: {  	v1 =	vadd.s32 v1, v27;
	v27 =	vld [tilespmem:$0x2350]  }
0x218: {  	v2 =	vadd.s32 v33, v2;
	v33 =	vld [tilespmem:$0x2380]  }
0x219: {  	v1 =	vadd.s32 v28, v1;
	v28 =	vld [tilespmem:$0x1E700]  }
0x21a: {  	[tilespmem:$0x1FFE0] =	vst v1;
	v1 =	vadd.s32 v34, v2;
	v2 =	vadd.s32 v35, v36;
	v36 =	vld [tilespmem:$0x2260]  }
0x21b: {  	v34 =	vld [tilespmem:$0x1E730]  }
0x21c: {  	v1 =	vadd.s32 v1, v29;
	v29 =	vld [tilespmem:$0x2360]  }
0x21d: {  	v2 =	vadd.s32 v37, v2;
	v37 =	vld [tilespmem:$0x2390]  }
0x21e: {  	v35 =	vadd.s32 v30, v1;
	v1 =	vadd.s32 v38, v2;
	v2 =	vadd.s32 v41, v39;
	v41 =	vld [tilespmem:$0x2280]  }
0x21f: {  	v30 =	vld [tilespmem:$0x1E710]  }
0x220: {  	v38 =	vld [tilespmem:$0x1E750]  }
0x221: {  	v39 =	vld [tilespmem:$0x1E760]  }
0x222: {  	v1 =	vadd.s32 v1, v3;
	v3 =	vadd.s32 v53, v54;
	v54 =	vld [tilespmem:$0x2290]  }
0x223: {  	v2 =	vadd.s32 v42, v2;
	v42 =	vld [tilespmem:$0x1E780]  }
0x224: {  	v53 =	vld [tilespmem:$0x1E7F0]  }
0x225: {  	v3 =	vadd.s32 v56, v3;
	v56 =	vld [tilespmem:$0x22A0]  }
0x226: {  	v1 =	vadd.s32 v31, v1;
	v31 =	vld [tilespmem:$0x2370]  }
0x227: {  	v2 =	vadd.s32 v2, v43;
	v43 =	vld [tilespmem:$0x23B0]  }
0x228: {  	v3 =	vadd.s32 v58, v3;
	v58 =	vld [tilespmem:$0x22B0]  }
0x229: {  	v1 =	vadd.s32 v36, v1;
	v36 =	vld [tilespmem:$0x1E740]  }
0x22a: {  	v2 =	vadd.s32 v44, v2;
	v44 =	vld [tilespmem:$0x1E790]  }
0x22b: {  	v3 =	vadd.s32 v3, v60;
	v60 =	vld [tilespmem:$0x22C0]  }
0x22c: {  	v1 =	vadd.s32 v40, v1;
	v40 =	vld [tilespmem:$0x23A0]  }
0x22d: {  	v2 =	vadd.s32 v45, v2;
	v45 =	vld [tilespmem:$0x1E7A0]  }
0x22e: {  	v3 =	vadd.s32 v62, v3;
	v62 =	vld [tilespmem:$0x22D0]  }
0x22f: {  	v1 =	vadd.s32 v1, v41;
	v41 =	vld [tilespmem:$0x1E770]  }
0x230: {  	v2 =	vadd.s32 v46, v2;
	v46 =	vld [tilespmem:$0x23C0]  }
0x231: {  	v2 =	vadd.s32 v2, v47;
	v47 =	vld [tilespmem:$0x1E7B0]  }
0x232: {  	v1 =	vadd.s32 v54, v1;
	v54 =	vld [tilespmem:$0x1E800]  }
0x233: {  	v3 =	vadd.s32 v12, v3;
	v12 =	vld [tilespmem:$0x1E8C0]  }
0x234: {  	v2 =	vadd.s32 v48, v2;
	v48 =	vld [tilespmem:$0x1E7C0]  }
0x235: {  	v1 =	vadd.s32 v56, v1;
	v56 =	vld [tilespmem:$0x1E810]  }
0x236: {  	v3 =	vadd.s32 v14, v3;
	v14 =	vld [tilespmem:$0x1C80]  }
0x237: {  	v2 =	vadd.s32 v49, v2;
	v49 =	vld [tilespmem:$0x23D0]  }
0x238: {  	v1 =	vadd.s32 v58, v1;
	v58 =	vld [tilespmem:$0x1FD0]  }
0x239: {  	v3 =	vadd.s32 v3, v16;
	v16 =	vld [tilespmem:$0x1E900]  }
0x23a: {  	v2 =	vadd.s32 v50, v2;
	v50 =	vld [tilespmem:$0x1E7D0]  }
0x23b: {  	v1 =	vadd.s32 v1, v60;
	v60 =	vld [tilespmem:$0x1E840]  }
0x23c: {  	v3 =	vadd.s32 v18, v3;
	v18 =	vld [tilespmem:$0x1C90]  }
0x23d: {  	v2 =	vadd.s32 v2, v51;
	v51 =	vld [tilespmem:$0x1E7E0]  }
0x23e: {  	v1 =	vadd.s32 v62, v1;
	v62 =	vld [tilespmem:$0x1E890]  }
0x23f: {  	v3 =	vadd.s32 v20, v3;
	v20 =	vld [tilespmem:$0x1E940]  }
0x240: {  	v2 =	vadd.s32 v52, v2;
	v52 =	vld [tilespmem:$0x21D0]  }
0x241: {  	v1 =	vadd.s32 v13, v1;
	v13 =	vld [tilespmem:$0x1C70]  }
0x242: {  	v3 =	vadd.s32 v22, v3;
	v22 =	vld [tilespmem:$0x1CB0]  }
0x243: {  	v5 =	vadd.s32 v12, v11;
	v12 =	vld [tilespmem:$0x1EAF0]  }
0x244: {  	v2 =	vadd.s32 v55, v2;
	v55 =	vld [tilespmem:$0x1FC0]  }
0x245: {  	v1 =	vadd.s32 v15, v1;
	v15 =	vld [tilespmem:$0x1E8F0]  }
0x246: {  	v3 =	vadd.s32 v3, v24;
	v24 =	vld [tilespmem:$0x1E970]  }
0x247: {  	v2 =	vadd.s32 v57, v2;
	v57 =	vld [tilespmem:$0x1E820]  }
0x248: {  	v1 =	vadd.s32 v1, v17;
	v17 =	vld [tilespmem:$0x1E910]  }
0x249: {  	v3 =	vadd.s32 v26, v3;
	v26 =	vld [tilespmem:$0x1E980]  }
0x24a: {  	v2 =	vadd.s32 v2, v59;
	v59 =	vld [tilespmem:$0x1E830]  }
0x24b: {  	v1 =	vadd.s32 v19, v1;
	v19 =	vld [tilespmem:$0x1CA0]  }
0x24c: {  	v3 =	vadd.s32 v28, v3;
	v28 =	vld [tilespmem:$0x1CD0]  }
0x24d: {  	v2 =	vadd.s32 v61, v2;
	v61 =	vld [tilespmem:$0x1C40]  }
0x24e: {  	v1 =	vadd.s32 v21, v1;
	v21 =	vld [tilespmem:$0x1E950]  }
0x24f: {  	v3 =	vadd.s32 v30, v3;
	v30 =	vld [tilespmem:$0x1E9B0]  }
0x250: {  	v2 =	vadd.s32 v63, v2;
	v63 =	vld [tilespmem:$0x1C60]  }
0x251: {  	v1 =	vadd.s32 v23, v1;
	v23 =	vld [tilespmem:$0x1E960]  }
0x252: {  	v3 =	vadd.s32 v3, v32;
	v32 =	vld [tilespmem:$0x1E9C0]  }
0x253: {  	v1 =	vadd.s32 v1, v25;
	v25 =	vld [tilespmem:$0x1CC0]  }
0x254: {  	v2 =	vadd.s32 v34, v2;
	v34 =	vld [tilespmem:$0x1CF0]  }
0x255: {  	v3 =	vadd.s32 v36, v3;
	v1 =	vadd.s32 v27, v1;
	v27 =	vld [tilespmem:$0x1E990]  }
0x256: {  	v3 =	vadd.s32 v39, v3;
	v39 =	vld [tilespmem:$0x1E9E0]  }
0x257: {  	v4 =	vadd.s32 v17, v16;
	v16 =	vld [tilespmem:$0x1D90]  }
0x258: {  	v17 =	vld [tilespmem:$0x1EB20]  }
0x259: {  	v2 =	vadd.s32 v2, v38;
	v1 =	vadd.s32 v29, v1;
	v29 =	vld [tilespmem:$0x1E9A0]  }
0x25a: {  	v2 =	vadd.s32 v41, v2;
	v41 =	vld [tilespmem:$0x1D00]  }
0x25b: {  	v3 =	vadd.s32 v42, v3;
	v42 =	vld [tilespmem:$0x1EA00]  }
0x25c: {  	v1 =	vadd.s32 v31, v1;
	v31 =	vld [tilespmem:$0x1CE0]  }
0x25d: {  	v2 =	vadd.s32 v44, v2;
	v44 =	vld [tilespmem:$0x1D10]  }
0x25e: {  	v3 =	vadd.s32 v3, v45;
	v45 =	vld [tilespmem:$0x1EA20]  }
0x25f: {  	v1 =	vadd.s32 v1, v33;
	v33 =	vld [tilespmem:$0x1E9D0]  }
0x260: {  	v2 =	vadd.s32 v47, v2;
	v47 =	vld [tilespmem:$0x1D20]  }
0x261: {  	v3 =	vadd.s32 v48, v3;
	v48 =	vld [tilespmem:$0x1EA40]  }
0x262: {  	v1 =	vadd.s32 v37, v1;
	v2 =	vadd.s32 v2, v50;
	v50 =	vld [tilespmem:$0x1D30]  }
0x263: {  	v3 =	vadd.s32 v51, v3;
	v51 =	vld [tilespmem:$0x1EA60];
	v1 =	vadd.s32 v40, v1  }
0x264: {  	v40 =	vld [tilespmem:$0x1E9F0];
	v1 =	vadd.s32 v43, v1  }
0x265: {  	v2 =	vadd.s32 v53, v2;
	v53 =	vld [tilespmem:$0x1D40];
	v1 =	vadd.s32 v1, v46  }
0x266: {  	v36 =	vadd.s32 v49, v1;
	v1 =	vld [tilespmem:$0x1E850]  }
0x267: {  	v3 =	vadd.s32 v54, v3;
	v54 =	vld [tilespmem:$0x1EA80]  }
0x268: {  	v43 =	vld [tilespmem:$0x1EA10]  }
0x269: {  	v2 =	vadd.s32 v56, v2;
	v56 =	vld [tilespmem:$0x1D50]  }
0x26a: {  	v3 =	vadd.s32 v3, v57;
	v57 =	vld [tilespmem:$0x1EAA0];
	v2 =	vadd.s32 v59, v2  }
0x26b: {  	v1 =	vadd.s32 v2, v1;
	v2 =	vld [tilespmem:$0x1E860]  }
0x26c: {  	v37 =	vadd.s32 v52, v1;
	v1 =	vld [tilespmem:$0x1E870]  }
0x26d: {  	v46 =	vld [tilespmem:$0x1EA30]  }
0x26e: {  	v59 =	vld [tilespmem:$0x1D60]  }
0x26f: {  	v3 =	vadd.s32 v60, v3;
	v60 =	vld [tilespmem:$0x1EAC0]  }
0x270: {  	v49 =	vld [tilespmem:$0x1EA50];
	v2 =	vadd.s32 v2, v3  }
0x271: {  	v1 =	vadd.s32 v1, v2;
	v2 =	vld [tilespmem:$0x1E880]  }
0x272: {  	v52 =	vld [tilespmem:$0x1EA70];
	v1 =	vadd.s32 v1, v55  }
0x273: {  	v38 =	vadd.s32 v58, v1;
	v1 =	vld [tilespmem:$0x1E8D0]  }
0x274: {  	v3 =	vld [tilespmem:$0x1C50]  }
0x275: {  	v55 =	vld [tilespmem:$0x1EA90]  }
0x276: {  	v58 =	vld [tilespmem:$0x1EAB0];
	v2 =	vadd.s32 v62, v2  }
0x277: {  	v62 =	vld [tilespmem:$0x1D70];
	v2 =	vadd.s32 v10, v2  }
0x278: {  	v1 =	vadd.s32 v1, v2;
	v2 =	vld [tilespmem:$0x1E8E0]  }
0x279: {  	v1 =	vadd.s32 v1, v61;
	v61 =	vld [tilespmem:$0x1EAD0]  }
0x27a: {  	v1 =	vadd.s32 v3, v1;
	v3 =	vld [tilespmem:$0x1E920]  }
0x27b: {  	v1 =	vadd.s32 v63, v1;
	v63 =	vld [tilespmem:$0x1EAE0]  }
0x27c: {  	v1 =	vadd.s32 v13, v1;
	v13 =	vld [tilespmem:$0x1D80]  }
0x27d: {  	v2 =	vadd.s32 v2, v5;
	v1 =	vadd.s32 v1, v14;
	v14 =	vld [tilespmem:$0x1EB00]  }
0x27e: {  	v2 =	vadd.s32 v15, v2;
	v15 =	vld [tilespmem:$0x1EB10]  }
0x27f: {  	v1 =	vadd.s32 v18, v1;
	v18 =	vld [tilespmem:$0x1EB30]  }
0x280: {  	v2 =	vadd.s32 v2, v3;
	v3 =	vld [tilespmem:$0x1E930]  }
0x281: {  	v1 =	vadd.s32 v19, v1;
	v19 =	vld [tilespmem:$0x1DA0]  }
0x282: {  	v2 =	vadd.s32 v20, v2;
	v20 =	vld [tilespmem:$0x1EB40]  }
0x283: {  	v1 =	vadd.s32 v22, v1;
	v22 =	vld [tilespmem:$0x1DB0]  }
0x284: {  	v2 =	vadd.s32 v23, v2;
	v23 =	vld [tilespmem:$0x1EB60]  }
0x285: {  	v1 =	vadd.s32 v1, v25;
	v25 =	vld [tilespmem:$0x1DC0]  }
0x286: {  	v2 =	vadd.s32 v26, v2;
	v26 =	vld [tilespmem:$0x1EB80]  }
0x287: {  	v1 =	vadd.s32 v28, v1;
	v28 =	vld [tilespmem:$0x1DD0]  }
0x288: {  	v2 =	vadd.s32 v2, v29;
	v29 =	vld [tilespmem:$0x1EBA0]  }
0x289: {  	v1 =	vadd.s32 v31, v1;
	v31 =	vld [tilespmem:$0x1BD0]  }
0x28a: {  	v2 =	vadd.s32 v32, v2;
	v32 =	vld [tilespmem:$0x1EBC0]  }
0x28b: {  	v3 =	vadd.s32 v3, v4;
	v1 =	vadd.s32 v34, v1;
	v34 =	vld [tilespmem:$0x19C0]  }
0x28c: {  	v3 =	vadd.s32 v21, v3;
	v21 =	vld [tilespmem:$0x1EB50]  }
0x28d: {  	v2 =	vadd.s32 v39, v2;
	v39 =	vld [tilespmem:$0x1EBE0]  }
0x28e: {  	v1 =	vadd.s32 v1, v41;
	v41 =	vld [tilespmem:$0x19D0]  }
0x28f: {  	v3 =	vadd.s32 v3, v24;
	v24 =	vld [tilespmem:$0x1EB70]  }
0x290: {  	v2 =	vadd.s32 v42, v2;
	v42 =	vld [tilespmem:$0x1EC00]  }
0x291: {  	v1 =	vadd.s32 v44, v1;
	v44 =	vld [tilespmem:$0x1EC30]  }
0x292: {  	v3 =	vadd.s32 v27, v3;
	v27 =	vld [tilespmem:$0x1EB90]  }
0x293: {  	v2 =	vadd.s32 v2, v45;
	v45 =	vld [tilespmem:$0x1650]  }
0x294: {  	v1 =	vadd.s32 v47, v1;
	v47 =	vld [tilespmem:$0x1660]  }
0x295: {  	v3 =	vadd.s32 v30, v3;
	v30 =	vld [tilespmem:$0x1EBB0]  }
0x296: {  	v2 =	vadd.s32 v48, v2;
	v48 =	vld [tilespmem:$0x1EC70]  }
0x297: {  	v1 =	vadd.s32 v50, v1;
	v50 =	vld [tilespmem:$0x1EC90]  }
0x298: {  	v3 =	vadd.s32 v33, v3;
	v33 =	vld [tilespmem:$0x1EBD0]  }
0x299: {  	v2 =	vadd.s32 v51, v2;
	v51 =	vld [tilespmem:$0x1670]  }
0x29a: {  	v1 =	vadd.s32 v1, v53;
	v53 =	vld [tilespmem:$0x1ECB0]  }
0x29b: {  	v3 =	vadd.s32 v3, v40;
	v40 =	vld [tilespmem:$0x1EBF0]  }
0x29c: {  	v2 =	vadd.s32 v54, v2;
	v54 =	vld [tilespmem:$0x1680]  }
0x29d: {  	v1 =	vadd.s32 v56, v1;
	v56 =	vld [tilespmem:$0x1ECD0]  }
0x29e: {  	v3 =	vadd.s32 v43, v3;
	v43 =	vld [tilespmem:$0x1640]  }
0x29f: {  	v2 =	vadd.s32 v2, v57;
	v57 =	vld [tilespmem:$0x1ECE0]  }
0x2a0: {  	v1 =	vadd.s32 v59, v1;
	v59 =	vld [tilespmem:$0x1ECF0]  }
0x2a1: {  	v3 =	vadd.s32 v46, v3;
	v46 =	vld [tilespmem:$0x1EC60]  }
0x2a2: {  	v2 =	vadd.s32 v60, v2;
	v60 =	vld [tilespmem:$0x1ED00]  }
0x2a3: {  	v1 =	vadd.s32 v62, v1;
	v62 =	vld [tilespmem:$0x1ED10]  }
0x2a4: {  	v3 =	vadd.s32 v49, v3;
	v49 =	vld [tilespmem:$0x1EC80]  }
0x2a5: {  	v2 =	vadd.s32 v63, v2;
	v63 =	vld [tilespmem:$0x1ED20]  }
0x2a6: {  	v1 =	vadd.s32 v1, v13;
	v13 =	vld [tilespmem:$0x1ED30]  }
0x2a7: {  	v3 =	vadd.s32 v3, v52;
	v52 =	vld [tilespmem:$0x1ECA0]  }
0x2a8: {  	v2 =	vadd.s32 v14, v2;
	v14 =	vld [tilespmem:$0x1ED40]  }
0x2a9: {  	v1 =	vadd.s32 v16, v1;
	v16 =	vld [tilespmem:$0x1ED50]  }
0x2aa: {  	v3 =	vadd.s32 v55, v3;
	v55 =	vld [tilespmem:$0x1ECC0]  }
0x2ab: {  	v2 =	vadd.s32 v2, v17;
	v17 =	vld [tilespmem:$0x1ED60]  }
0x2ac: {  	v1 =	vadd.s32 v19, v1;
	v19 =	vld [tilespmem:$0x1ED70]  }
0x2ad: {  	v3 =	vadd.s32 v58, v3;
	v58 =	vld [tilespmem:$0x1690]  }
0x2ae: {  	v2 =	vadd.s32 v20, v2;
	v20 =	vld [tilespmem:$0x1ED80]  }
0x2af: {  	v1 =	vadd.s32 v22, v1;
	v22 =	vld [tilespmem:$0x1ED90]  }
0x2b0: {  	v9 =	vadd.s32 v57, v56;
	v56 =	vld [tilespmem:$0x1EED0]  }
0x2b1: {  	v57 =	vld [tilespmem:$0x1EEE0]  }
0x2b2: {  	v3 =	vadd.s32 v61, v3;
	v61 =	vld [tilespmem:$0x16A0]  }
0x2b3: {  	v2 =	vadd.s32 v23, v2;
	v23 =	vld [tilespmem:$0x1EDA0]  }
0x2b4: {  	v1 =	vadd.s32 v1, v25;
	v25 =	vld [tilespmem:$0x1EDB0]  }
0x2b5: {  	v8 =	vadd.s32 v60, v9;
	v60 =	vld [tilespmem:$0x1EF00]  }
0x2b6: {  	v3 =	vadd.s32 v3, v12;
	v12 =	vld [tilespmem:$0x16B0]  }
0x2b7: {  	v2 =	vadd.s32 v26, v2;
	v26 =	vld [tilespmem:$0x1EDC0]  }
0x2b8: {  	v6 =	vadd.s32 v50, v49;
	v49 =	vld [tilespmem:$0x1760]  }
0x2b9: {  	v50 =	vld [tilespmem:$0x1EE90]  }
0x2ba: {  	v3 =	vadd.s32 v15, v3;
	v15 =	vld [tilespmem:$0x16C0]  }
0x2bb: {  	v2 =	vadd.s32 v2, v29;
	v29 =	vld [tilespmem:$0x1EDE0]  }
0x2bc: {  	v6 =	vadd.s32 v53, v6;
	v53 =	vld [tilespmem:$0x1EEB0]  }
0x2bd: {  	v3 =	vadd.s32 v18, v3;
	v18 =	vld [tilespmem:$0x16D0]  }
0x2be: {  	v2 =	vadd.s32 v32, v2;
	v32 =	vld [tilespmem:$0x1EE00]  }
0x2bf: {  	v6 =	vadd.s32 v55, v6;
	v55 =	vld [tilespmem:$0x1780]  }
0x2c0: {  	v3 =	vadd.s32 v21, v3;
	v21 =	vld [tilespmem:$0x16E0]  }
0x2c1: {  	v2 =	vadd.s32 v39, v2;
	v39 =	vld [tilespmem:$0x1EE20]  }
0x2c2: {  	v6 =	vadd.s32 v6, v59;
	v59 =	vld [tilespmem:$0x1EEF0]  }
0x2c3: {  	v5 =	vadd.s32 v42, v2;
	v2 =	vld [tilespmem:$0x1EC10]  }
0x2c4: {  	v3 =	vadd.s32 v3, v24;
	v24 =	vld [tilespmem:$0x16F0]  }
0x2c5: {  	v42 =	vld [tilespmem:$0x1EE40]  }
0x2c6: {  	v4 =	vadd.s32 v62, v6;
	v62 =	vld [tilespmem:$0x1EF10]  }
0x2c7: {  	v6 =	vadd.s32 v63, v8;
	v63 =	vld [tilespmem:$0x1EF20]  }
0x2c8: {  	v3 =	vadd.s32 v27, v3;
	v27 =	vld [tilespmem:$0x1700]  }
0x2c9: {  	v4 =	vadd.s32 v13, v4;
	v13 =	vld [tilespmem:$0x1EF30]  }
0x2ca: {  	v6 =	vadd.s32 v6, v14;
	v14 =	vld [tilespmem:$0x1EF40]  }
0x2cb: {  	v3 =	vadd.s32 v30, v3;
	v30 =	vld [tilespmem:$0x1710]  }
0x2cc: {  	v4 =	vadd.s32 v16, v4;
	v16 =	vld [tilespmem:$0x1EF50]  }
0x2cd: {  	v6 =	vadd.s32 v17, v6;
	v17 =	vld [tilespmem:$0x1EF60]  }
0x2ce: {  	v3 =	vadd.s32 v33, v3;
	v33 =	vld [tilespmem:$0x1720]  }
0x2cf: {  	v4 =	vadd.s32 v4, v19;
	v19 =	vld [tilespmem:$0x1EF70]  }
0x2d0: {  	v6 =	vadd.s32 v20, v6;
	v20 =	vld [tilespmem:$0x1EF80]  }
0x2d1: {  	v3 =	vadd.s32 v3, v40;
	v40 =	vld [tilespmem:$0x1730]  }
0x2d2: {  	v4 =	vadd.s32 v22, v4;
	v22 =	vld [tilespmem:$0x1EF90]  }
0x2d3: {  	v6 =	vadd.s32 v23, v6;
	v23 =	vld [tilespmem:$0x1EFA0]  }
0x2d4: {  	v3 =	vadd.s32 v2, v3;
	v2 =	vadd.s32 v28, v1;
	v1 =	vld [tilespmem:$0x1EC20]  }
0x2d5: {  	v28 =	vld [tilespmem:$0x1EDD0]  }
0x2d6: {  	v4 =	vadd.s32 v25, v4;
	v25 =	vld [tilespmem:$0x1EFB0]  }
0x2d7: {  	v6 =	vadd.s32 v6, v26;
	v26 =	vld [tilespmem:$0x1EFC0]  }
0x2d8: {  	v3 =	vadd.s32 v44, v3;
	v44 =	vld [tilespmem:$0x1EE50]  }
0x2d9: {  	v6 =	vadd.s32 v29, v6;
	v29 =	vld [tilespmem:$0x1EFE0];
	v1 =	vadd.s32 v5, v1  }
0x2da: {  	v5 =	vadd.s32 v31, v1;
	v1 =	vld [tilespmem:$0x1EC40]  }
0x2db: {  	v6 =	vadd.s32 v32, v6;
	v32 =	vld [tilespmem:$0x1F000]  }
0x2dc: {  	v6 =	vadd.s32 v39, v6;
	v39 =	vld [tilespmem:$0x1F020]  }
0x2dd: {  	v31 =	vld [tilespmem:$0x1EDF0]  }
0x2de: {  	v6 =	vadd.s32 v6, v42;
	v42 =	vld [tilespmem:$0x1F040]  }
0x2df: {  	v1 =	vadd.s32 v1, v3;
	v3 =	vld [tilespmem:$0x1EC50]  }
0x2e0: {  	v4 =	vadd.s32 v28, v4;
	v28 =	vld [tilespmem:$0x1EFD0]  }
0x2e1: {  	v1 =	vadd.s32 v1, v34;
	v34 =	vld [tilespmem:$0x1EE10]  }
0x2e2: {  	v4 =	vadd.s32 v4, v31;
	v31 =	vld [tilespmem:$0x1EFF0]  }
0x2e3: {  	v1 =	vadd.s32 v41, v1;
	v41 =	vld [tilespmem:$0x1EE30]  }
0x2e4: {  	v3 =	vadd.s32 v46, v3;
	v46 =	vld [tilespmem:$0x1750]  }
0x2e5: {  	v3 =	vadd.s32 v48, v3;
	v48 =	vld [tilespmem:$0x1EE80]  }
0x2e6: {  	v4 =	vadd.s32 v34, v4;
	v34 =	vld [tilespmem:$0x1F010]  }
0x2e7: {  	v3 =	vadd.s32 v52, v3;
	v52 =	vld [tilespmem:$0x1770]  }
0x2e8: {  	v4 =	vadd.s32 v41, v4;
	v41 =	vld [tilespmem:$0x1060]  }
0x2e9: {  	v3 =	vadd.s32 v3, v43;
	v43 =	vld [tilespmem:$0x1740]  }
0x2ea: {  	v3 =	vadd.s32 v45, v3;
	v45 =	vld [tilespmem:$0x1EE60]  }
0x2eb: {  	v3 =	vadd.s32 v47, v3;
	v47 =	vld [tilespmem:$0x1EE70]  }
0x2ec: {  	v3 =	vadd.s32 v51, v3;
	v51 =	vld [tilespmem:$0x1EEA0]  }
0x2ed: {  	v3 =	vadd.s32 v3, v54;
	v54 =	vld [tilespmem:$0x1EEC0]  }
0x2ee: {  	v3 =	vadd.s32 v58, v3;
	v58 =	vld [tilespmem:$0x1790]  }
0x2ef: {  	v3 =	vadd.s32 v61, v3;
	v61 =	vld [tilespmem:$0x17A0]  }
0x2f0: {  	v3 =	vadd.s32 v12, v3;
	v12 =	vld [tilespmem:$0x17B0]  }
0x2f1: {  	v3 =	vadd.s32 v3, v15;
	v15 =	vld [tilespmem:$0x17C0]  }
0x2f2: {  	v3 =	vadd.s32 v18, v3;
	v18 =	vld [tilespmem:$0x17D0]  }
0x2f3: {  	v3 =	vadd.s32 v21, v3;
	v21 =	vld [tilespmem:$0x15D0]  }
0x2f4: {  	v3 =	vadd.s32 v24, v3;
	v24 =	vld [tilespmem:$0x13C0]  }
0x2f5: {  	v3 =	vadd.s32 v3, v27;
	v27 =	vld [tilespmem:$0x1030]  }
0x2f6: {  	v3 =	vadd.s32 v30, v3;
	v30 =	vld [tilespmem:$0x1040]  }
0x2f7: {  	v3 =	vadd.s32 v33, v3;
	v33 =	vld [tilespmem:$0x1050]  }
0x2f8: {  	v3 =	vadd.s32 v40, v3;
	v40 =	vld [tilespmem:$0x1F030]  }
0x2f9: {  	v3 =	vadd.s32 v3, v43;
	v43 =	vld [tilespmem:$0x1F050]  }
0x2fa: {  	v4 =	vadd.s32 v44, v4;
	v44 =	vld [tilespmem:$0x1F060]  }
0x2fb: {  	v6 =	vadd.s32 v45, v6;
	v45 =	vld [tilespmem:$0x1070]  }
0x2fc: {  	v4 =	vadd.s32 v4, v47;
	v47 =	vld [tilespmem:$0x1F080]  }
0x2fd: {  	v6 =	vadd.s32 v48, v6;
	v48 =	vld [tilespmem:$0x1F090]  }
0x2fe: {  	v4 =	vadd.s32 v50, v4;
	v50 =	vld [tilespmem:$0x1F0A0]  }
0x2ff: {  	v6 =	vadd.s32 v51, v6;
	v51 =	vld [tilespmem:$0x1F0B0]  }
0x300: {  	v4 =	vadd.s32 v53, v4;
	v53 =	vld [tilespmem:$0x1F0C0]  }
0x301: {  	v6 =	vadd.s32 v6, v54;
	v54 =	vld [tilespmem:$0x1F0D0]  }
0x302: {  	v4 =	vadd.s32 v56, v4;
	v56 =	vld [tilespmem:$0x1F0E0]  }
0x303: {  	v6 =	vadd.s32 v57, v6;
	v57 =	vld [tilespmem:$0x1F0F0]  }
0x304: {  	v4 =	vadd.s32 v4, v59;
	v59 =	vld [tilespmem:$0x1F100]  }
0x305: {  	v6 =	vadd.s32 v60, v6;
	v60 =	vld [tilespmem:$0x1F110]  }
0x306: {  	v4 =	vadd.s32 v62, v4;
	v62 =	vld [tilespmem:$0x1F120]  }
0x307: {  	v6 =	vadd.s32 v63, v6;
	v4 =	vadd.s32 v13, v4;
	v63 =	vld [tilespmem:$0x1F130]  }
0x308: {  	v6 =	vadd.s32 v6, v14;
	v4 =	vadd.s32 v16, v4;
	v16 =	vld [tilespmem:$0x10D0]  }
0x309: {  	v6 =	vadd.s32 v17, v6;
	v17 =	vld [tilespmem:$0x1F140]  }
0x30a: {  	v4 =	vadd.s32 v4, v19;
	v19 =	vld [tilespmem:$0x10E0]  }
0x30b: {  	v6 =	vadd.s32 v20, v6;
	v20 =	vld [tilespmem:$0x1F160]  }
0x30c: {  	v4 =	vadd.s32 v22, v4;
	v22 =	vld [tilespmem:$0x10F0]  }
0x30d: {  	v6 =	vadd.s32 v23, v6;
	v23 =	vld [tilespmem:$0x1F180]  }
0x30e: {  	v3 =	vadd.s32 v46, v3;
	v46 =	vld [tilespmem:$0x1F070]  }
0x30f: {  	v4 =	vadd.s32 v25, v4;
	v25 =	vld [tilespmem:$0x1100]  }
0x310: {  	v6 =	vadd.s32 v6, v26;
	v26 =	vld [tilespmem:$0x1F1A0]  }
0x311: {  	v3 =	vadd.s32 v49, v3;
	v49 =	vld [tilespmem:$0x1080]  }
0x312: {  	v4 =	vadd.s32 v28, v4;
	v28 =	vld [tilespmem:$0x1110]  }
0x313: {  	v6 =	vadd.s32 v29, v6;
	v29 =	vld [tilespmem:$0x1F1C0]  }
0x314: {  	v3 =	vadd.s32 v52, v3;
	v52 =	vld [tilespmem:$0x1090]  }
0x315: {  	v4 =	vadd.s32 v4, v31;
	v31 =	vld [tilespmem:$0x1120]  }
0x316: {  	v6 =	vadd.s32 v32, v6;
	v32 =	vld [tilespmem:$0x1F1E0]  }
0x317: {  	v3 =	vadd.s32 v3, v55;
	v55 =	vld [tilespmem:$0x10A0]  }
0x318: {  	v4 =	vadd.s32 v21, v4;
	v21 =	vld [tilespmem:$0x1F170]  }
0x319: {  	v6 =	vadd.s32 v34, v6;
	v34 =	vld [tilespmem:$0x1130]  }
0x31a: {  	v9 =	vadd.s32 v40, v39;
	v39 =	vld [tilespmem:$0x1F200]  }
0x31b: {  	v40 =	vld [tilespmem:$0x1F210]  }
0x31c: {  	v3 =	vadd.s32 v58, v3;
	v58 =	vld [tilespmem:$0x10B0]  }
0x31d: {  	v6 =	vadd.s32 v6, v24;
	v24 =	vld [tilespmem:$0x1F190]  }
0x31e: {  	v8 =	vadd.s32 v42, v9;
	v42 =	vld [tilespmem:$0x1F220]  }
0x31f: {  	v9 =	vadd.s32 v44, v43;
	v43 =	vld [tilespmem:$0x1F230]  }
0x320: {  	v44 =	vld [tilespmem:$0x1150]  }
0x321: {  	v10 =	vadd.s32 v48, v47;
	v47 =	vld [tilespmem:$0x1160]  }
0x322: {  	v48 =	vld [tilespmem:$0x1F260]  }
0x323: {  	v3 =	vadd.s32 v61, v3;
	v61 =	vld [tilespmem:$0x10C0]  }
0x324: {  	v8 =	vadd.s32 v27, v8;
	v27 =	vld [tilespmem:$0x1F1B0]  }
0x325: {  	v9 =	vadd.s32 v46, v9;
	v46 =	vld [tilespmem:$0x1F250]  }
0x326: {  	v7 =	vadd.s32 v8, v30;
	v30 =	vld [tilespmem:$0x1F1D0]  }
0x327: {  	v8 =	vadd.s32 v50, v9;
	v50 =	vld [tilespmem:$0x1170]  }
0x328: {  	v9 =	vadd.s32 v51, v10;
	v51 =	vld [tilespmem:$0x1F280]  }
0x329: {  	v7 =	vadd.s32 v33, v7;
	v33 =	vld [tilespmem:$0x1F1F0]  }
0x32a: {  	v3 =	vadd.s32 v12, v3;
	v8 =	vadd.s32 v8, v53;
	v53 =	vld [tilespmem:$0x1180]  }
0x32b: {  	v3 =	vadd.s32 v3, v15;
	v9 =	vadd.s32 v54, v9;
	v54 =	vld [tilespmem:$0x1F2A0]  }
0x32c: {  	v3 =	vadd.s32 v18, v3;
	v18 =	vld [tilespmem:$0x1F150]  }
0x32d: {  	v7 =	vadd.s32 v41, v7;
	v41 =	vld [tilespmem:$0x1140]  }
0x32e: {  	v8 =	vadd.s32 v56, v8;
	v56 =	vld [tilespmem:$0x1190]  }
0x32f: {  	v9 =	vadd.s32 v9, v57;
	v57 =	vld [tilespmem:$0x1F2C0]  }
0x330: {  	v7 =	vadd.s32 v45, v7;
	v45 =	vld [tilespmem:$0x1F240]  }
0x331: {  	v8 =	vadd.s32 v59, v8;
	v59 =	vld [tilespmem:$0x11A0]  }
0x332: {  	v9 =	vadd.s32 v60, v9;
	v60 =	vld [tilespmem:$0x1F2E0]  }
0x333: {  	v7 =	vadd.s32 v7, v49;
	v49 =	vld [tilespmem:$0x1F270]  }
0x334: {  	v8 =	vadd.s32 v62, v8;
	v62 =	vld [tilespmem:$0x11B0]  }
0x335: {  	v9 =	vadd.s32 v63, v9;
	v63 =	vld [tilespmem:$0x1F300]  }
0x336: {  	v7 =	vadd.s32 v52, v7;
	v52 =	vld [tilespmem:$0x1F290]  }
0x337: {  	v8 =	vadd.s32 v8, v17;
	v17 =	vld [tilespmem:$0x11C0]  }
0x338: {  	v7 =	vadd.s32 v55, v7;
	v55 =	vld [tilespmem:$0x1F2B0]  }
0x339: {  	v8 =	vadd.s32 v20, v8;
	v20 =	vld [tilespmem:$0xFC0]  }
0x33a: {  	v7 =	vadd.s32 v58, v7;
	v58 =	vld [tilespmem:$0x1F2D0]  }
0x33b: {  	v9 =	vadd.s32 v18, v9;
	v18 =	vld [tilespmem:$0x1F320]  }
0x33c: {  	v8 =	vadd.s32 v23, v8;
	v23 =	vld [tilespmem:$0x1F360]  }
0x33d: {  	v7 =	vadd.s32 v7, v61;
	v61 =	vld [tilespmem:$0x1F2F0]  }
0x33e: {  	v9 =	vadd.s32 v9, v21;
	v21 =	vld [tilespmem:$0x1F340]  }
0x33f: {  	v8 =	vadd.s32 v26, v8;
	v26 =	vld [tilespmem:$0x1F390]  }
0x340: {  	v7 =	vadd.s32 v16, v7;
	v16 =	vld [tilespmem:$0x1F310]  }
0x341: {  	v9 =	vadd.s32 v24, v9;
	v24 =	vld [tilespmem:$0x1F370]  }
0x342: {  	v8 =	vadd.s32 v8, v29;
	v29 =	vld [tilespmem:$0x1F3C0]  }
0x343: {  	v7 =	vadd.s32 v19, v7;
	v19 =	vld [tilespmem:$0x1F330]  }
0x344: {  	v9 =	vadd.s32 v27, v9;
	v27 =	vld [tilespmem:$0x1F3A0]  }
0x345: {  	v8 =	vadd.s32 v32, v8;
	v32 =	vld [tilespmem:$0x1F3F0]  }
0x346: {  	v7 =	vadd.s32 v22, v7;
	v22 =	vld [tilespmem:$0x1F350]  }
0x347: {  	v9 =	vadd.s32 v30, v9;
	v30 =	vld [tilespmem:$0x1F3D0]  }
0x348: {  	v8 =	vadd.s32 v39, v8;
	v39 =	vld [tilespmem:$0x1F420]  }
0x349: {  	v7 =	vadd.s32 v7, v25;
	v25 =	vld [tilespmem:$0x1F380]  }
0x34a: {  	v9 =	vadd.s32 v9, v33;
	v33 =	vld [tilespmem:$0x1F400]  }
0x34b: {  	v8 =	vadd.s32 v42, v8;
	v42 =	vld [tilespmem:$0x1F450]  }
0x34c: {  	v7 =	vadd.s32 v28, v7;
	v28 =	vld [tilespmem:$0x1F3B0]  }
0x34d: {  	v9 =	vadd.s32 v40, v9;
	v40 =	vld [tilespmem:$0x1F430]  }
0x34e: {  	v8 =	vadd.s32 v8, v45;
	v45 =	vld [tilespmem:$0x1F480]  }
0x34f: {  	v7 =	vadd.s32 v31, v7;
	v31 =	vld [tilespmem:$0x1F3E0]  }
0x350: {  	v9 =	vadd.s32 v43, v9;
	v43 =	vld [tilespmem:$0x1F460]  }
0x351: {  	v8 =	vadd.s32 v48, v8;
	v48 =	vld [tilespmem:$0x1F4B0]  }
0x352: {  	v7 =	vadd.s32 v34, v7;
	v34 =	vld [tilespmem:$0x1F410]  }
0x353: {  	v9 =	vadd.s32 v46, v9;
	v46 =	vld [tilespmem:$0x1F490]  }
0x354: {  	v8 =	vadd.s32 v51, v8;
	v51 =	vld [tilespmem:$0x1F4E0]  }
0x355: {  	v7 =	vadd.s32 v7, v41;
	v41 =	vld [tilespmem:$0x1F440]  }
0x356: {  	v9 =	vadd.s32 v9, v49;
	v49 =	vld [tilespmem:$0x1F4C0]  }
0x357: {  	v8 =	vadd.s32 v54, v8;
	v54 =	vld [tilespmem:$0x1F510]  }
0x358: {  	v7 =	vadd.s32 v44, v7;
	v44 =	vld [tilespmem:$0x1F470]  }
0x359: {  	v9 =	vadd.s32 v52, v9;
	v52 =	vld [tilespmem:$0x1F4F0]  }
0x35a: {  	v8 =	vadd.s32 v8, v57;
	v57 =	vld [tilespmem:$0x1F540]  }
0x35b: {  	v7 =	vadd.s32 v47, v7;
	v47 =	vld [tilespmem:$0x1F4A0]  }
0x35c: {  	v9 =	vadd.s32 v55, v9;
	v55 =	vld [tilespmem:$0x1F520]  }
0x35d: {  	v8 =	vadd.s32 v60, v8;
	v60 =	vld [tilespmem:$0x1F570]  }
0x35e: {  	v7 =	vadd.s32 v50, v7;
	v50 =	vld [tilespmem:$0x1F4D0]  }
0x35f: {  	v9 =	vadd.s32 v58, v9;
	v58 =	vld [tilespmem:$0x1F550]  }
0x360: {  	v8 =	vadd.s32 v63, v8;
	v63 =	vld [tilespmem:$0x1F5A0]  }
0x361: {  	v10 =	vadd.s32 v31, v30;
	v30 =	vld [tilespmem:$0x1F690]  }
0x362: {  	v31 =	vld [tilespmem:$0x1F6A0]  }
0x363: {  	v12 =	vadd.s32 v43, v42;
	v42 =	vld [tilespmem:$0x1F710]  }
0x364: {  	v43 =	vld [tilespmem:$0x1F720]  }
0x365: {  	v7 =	vadd.s32 v7, v53;
	v53 =	vld [tilespmem:$0x1F500]  }
0x366: {  	v9 =	vadd.s32 v9, v61;
	v61 =	vld [tilespmem:$0x1F580]  }
0x367: {  	v8 =	vadd.s32 v18, v8;
	v18 =	vld [tilespmem:$0x1F5D0]  }
0x368: {  	v10 =	vadd.s32 v33, v10;
	v33 =	vld [tilespmem:$0x1F6C0]  }
0x369: {  	v11 =	vadd.s32 v39, v34;
	v34 =	vld [tilespmem:$0x1F6D0]  }
0x36a: {  	v39 =	vld [tilespmem:$0x1F6E0]  }
0x36b: {  	v12 =	vadd.s32 v46, v12;
	v46 =	vld [tilespmem:$0x1F750]  }
0x36c: {  	v7 =	vadd.s32 v56, v7;
	v56 =	vld [tilespmem:$0x1F530]  }
0x36d: {  	v9 =	vadd.s32 v16, v9;
	v16 =	vld [tilespmem:$0x1F5B0]  }
0x36e: {  	v8 =	vadd.s32 v8, v21;
	v21 =	vld [tilespmem:$0x1F600]  }
0x36f: {  	v10 =	vadd.s32 v40, v10;
	v40 =	vld [tilespmem:$0x1F6F0]  }
0x370: {  	v11 =	vadd.s32 v41, v11;
	v41 =	vld [tilespmem:$0x1F700]  }
0x371: {  	v12 =	vadd.s32 v49, v12;
	v49 =	vld [tilespmem:$0x1F780]  }
0x372: {  	v7 =	vadd.s32 v59, v7;
	v59 =	vld [tilespmem:$0x1F560]  }
0x373: {  	v9 =	vadd.s32 v19, v9;
	v19 =	vld [tilespmem:$0x1F5E0]  }
0x374: {  	v8 =	vadd.s32 v23, v8;
	v23 =	vld [tilespmem:$0x1F620]  }
0x375: {  	v10 =	vadd.s32 v10, v44;
	v44 =	vld [tilespmem:$0x1F730]  }
0x376: {  	v11 =	vadd.s32 v45, v11;
	v45 =	vld [tilespmem:$0x1F740]  }
0x377: {  	v12 =	vadd.s32 v12, v52;
	v52 =	vld [tilespmem:$0x1F7B0]  }
0x378: {  	v7 =	vadd.s32 v62, v7;
	v62 =	vld [tilespmem:$0x1F590]  }
0x379: {  	v9 =	vadd.s32 v22, v9;
	v22 =	vld [tilespmem:$0x1F610]  }
0x37a: {  	v8 =	vadd.s32 v25, v8;
	v25 =	vld [tilespmem:$0x1F640]  }
0x37b: {  	v10 =	vadd.s32 v47, v10;
	v47 =	vld [tilespmem:$0x1F760]  }
0x37c: {  	v11 =	vadd.s32 v11, v48;
	v48 =	vld [tilespmem:$0x1F770]  }
0x37d: {  	v12 =	vadd.s32 v55, v12;
	v55 =	vld [tilespmem:$0x1F7E0]  }
0x37e: {  	v7 =	vadd.s32 v7, v17;
	v17 =	vld [tilespmem:$0x1F5C0]  }
0x37f: {  	v9 =	vadd.s32 v9, v24;
	v24 =	vld [tilespmem:$0x1F630]  }
0x380: {  	v8 =	vadd.s32 v27, v8;
	v27 =	vld [tilespmem:$0x1F660]  }
0x381: {  	v10 =	vadd.s32 v50, v10;
	v50 =	vld [tilespmem:$0x1F790]  }
0x382: {  	v11 =	vadd.s32 v51, v11;
	v51 =	vld [tilespmem:$0x1F7A0]  }
0x383: {  	v12 =	vadd.s32 v58, v12;
	v58 =	vld [tilespmem:$0x1F810]  }
0x384: {  	v8 =	vadd.s32 v8, v20;
	v20 =	vld [tilespmem:$0x1F5F0]  }
0x385: {  	v9 =	vadd.s32 v26, v9;
	v26 =	vld [tilespmem:$0x1F650]  }
0x386: {  	v10 =	vadd.s32 v53, v10;
	v53 =	vld [tilespmem:$0x1F7C0]  }
0x387: {  	v11 =	vadd.s32 v54, v11;
	v54 =	vld [tilespmem:$0x1F7D0]  }
0x388: {  	v12 =	vadd.s32 v61, v12;
	v61 =	vld [tilespmem:$0x1F840]  }
0x389: {  	v9 =	vadd.s32 v28, v9;
	v28 =	vld [tilespmem:$0x1F670]  }
0x38a: {  	v10 =	vadd.s32 v10, v56;
	v56 =	vld [tilespmem:$0x1F7F0]  }
0x38b: {  	v11 =	vadd.s32 v57, v11;
	v57 =	vld [tilespmem:$0x1F800]  }
0x38c: {  	v12 =	vadd.s32 v12, v16;
	v16 =	vld [tilespmem:$0x1F870]  }
0x38d: {  	v9 =	vadd.s32 v29, v9;
	v29 =	vld [tilespmem:$0x1F680]  }
0x38e: {  	v10 =	vadd.s32 v59, v10;
	v59 =	vld [tilespmem:$0x1F820]  }
0x38f: {  	v11 =	vadd.s32 v11, v60;
	v60 =	vld [tilespmem:$0x1F830]  }
0x390: {  	v12 =	vadd.s32 v19, v12;
	v19 =	vld [tilespmem:$0x1F8A0]  }
0x391: {  	v9 =	vadd.s32 v9, v32;
	v32 =	vld [tilespmem:$0x1F6B0]  }
0x392: {  	v10 =	vadd.s32 v62, v10;
	v62 =	vld [tilespmem:$0x1F850]  }
0x393: {  	v11 =	vadd.s32 v63, v11;
	v63 =	vld [tilespmem:$0x1F860]  }
0x394: {  	v12 =	vadd.s32 v22, v12;
	v22 =	vld [tilespmem:$0x1F8D0]  }
0x395: {  	v10 =	vadd.s32 v17, v10;
	v17 =	vld [tilespmem:$0x1F880]  }
0x396: {  	v11 =	vadd.s32 v18, v11;
	v18 =	vld [tilespmem:$0x1F890]  }
0x397: {  	v12 =	vadd.s32 v25, v12;
	v25 =	vld [tilespmem:$0x1F900]  }
0x398: {  	v10 =	vadd.s32 v10, v20;
	v20 =	vld [tilespmem:$0x1F8B0]  }
0x399: {  	v11 =	vadd.s32 v21, v11;
	v21 =	vld [tilespmem:$0x1F8C0]  }
0x39a: {  	v10 =	vadd.s32 v23, v10;
	v23 =	vld [tilespmem:$0x1F8E0]  }
0x39b: {  	v11 =	vadd.s32 v11, v24;
	v24 =	vld [tilespmem:$0x1F8F0]  }
0x39c: {  	v12 =	vadd.s32 v12, v28;
	v28 =	vld [tilespmem:$0x1F930]  }
0x39d: {  	v10 =	vadd.s32 v26, v10;
	v26 =	vld [tilespmem:$0x1F910]  }
0x39e: {  	v11 =	vadd.s32 v27, v11;
	v27 =	vld [tilespmem:$0x1F920]  }
0x39f: {  	v12 =	vadd.s32 v31, v12;
	v31 =	vld [tilespmem:$0x1F960]  }
0x3a0: {  	v10 =	vadd.s32 v29, v10;
	v29 =	vld [tilespmem:$0x1F940]  }
0x3a1: {  	v11 =	vadd.s32 v30, v11;
	v30 =	vld [tilespmem:$0x1F950]  }
0x3a2: {  	v12 =	vadd.s32 v34, v12;
	v34 =	vld [tilespmem:$0x1F990]  }
0x3a3: {  	v10 =	vadd.s32 v10, v32;
	v32 =	vld [tilespmem:$0x1F970]  }
0x3a4: {  	v11 =	vadd.s32 v33, v11;
	v33 =	vld [tilespmem:$0x1F980]  }
0x3a5: {  	v12 =	vadd.s32 v41, v12;
	v41 =	vld [tilespmem:$0x1F9C0]  }
0x3a6: {  	v10 =	vadd.s32 v39, v10;
	v39 =	vld [tilespmem:$0x1F9A0]  }
0x3a7: {  	v11 =	vadd.s32 v11, v40;
	v40 =	vld [tilespmem:$0x1F9B0]  }
0x3a8: {  	v12 =	vadd.s32 v12, v44;
	v44 =	vld [tilespmem:$0x1F9F0]  }
0x3a9: {  	v10 =	vadd.s32 v42, v10;
	v42 =	vld [tilespmem:$0x1F9D0]  }
0x3aa: {  	v11 =	vadd.s32 v43, v11;
	v43 =	vld [tilespmem:$0x1F9E0]  }
0x3ab: {  	v12 =	vadd.s32 v47, v12;
	v47 =	vld [tilespmem:$0x1FA20]  }
0x3ac: {  	v10 =	vadd.s32 v45, v10;
	v45 =	vld [tilespmem:$0x1FA00]  }
0x3ad: {  	v11 =	vadd.s32 v46, v11;
	v46 =	vld [tilespmem:$0x1FA10]  }
0x3ae: {  	v12 =	vadd.s32 v50, v12;
	v50 =	vld [tilespmem:$0x1FA50]  }
0x3af: {  	v10 =	vadd.s32 v10, v48;
	v48 =	vld [tilespmem:$0x1FA30]  }
0x3b0: {  	v11 =	vadd.s32 v49, v11;
	v49 =	vld [tilespmem:$0x1FA40]  }
0x3b1: {  	v12 =	vadd.s32 v53, v12;
	v53 =	vld [tilespmem:$0x1FA80]  }
0x3b2: {  	v13 =	vadd.s32 v30, v29;
	v29 =	vld [tilespmem:$0x1FBC0]  }
0x3b3: {  	v30 =	vld [tilespmem:$0x1FBD0]  }
0x3b4: {  	v10 =	vadd.s32 v51, v10;
	v51 =	vld [tilespmem:$0x1FA60]  }
0x3b5: {  	v11 =	vadd.s32 v11, v52;
	v52 =	vld [tilespmem:$0x1FA70]  }
0x3b6: {  	v12 =	vadd.s32 v12, v56;
	v56 =	vld [tilespmem:$0x1FAB0]  }
0x3b7: {  	v14 =	vadd.s32 v33, v32;
	v32 =	vld [tilespmem:$0x1FBF0]  }
0x3b8: {  	v33 =	vld [tilespmem:$0x1FC00]  }
0x3b9: {  	v13 =	vadd.s32 v34, v13;
	v34 =	vld [tilespmem:$0x1FC10]  }
0x3ba: {  	v10 =	vadd.s32 v54, v10;
	v54 =	vld [tilespmem:$0x1FA90]  }
0x3bb: {  	v11 =	vadd.s32 v55, v11;
	v55 =	vld [tilespmem:$0x1FAA0]  }
0x3bc: {  	v12 =	vadd.s32 v59, v12;
	v59 =	vld [tilespmem:$0x1FAE0]  }
0x3bd: {  	v15 =	vadd.s32 v40, v39;
	v39 =	vld [tilespmem:$0x1FC20]  }
0x3be: {  	v40 =	vld [tilespmem:$0x1FC30]  }
0x3bf: {  	v14 =	vadd.s32 v41, v14;
	v41 =	vld [tilespmem:$0x1FC40]  }
0x3c0: {  	v10 =	vadd.s32 v57, v10;
	v57 =	vld [tilespmem:$0x1FAC0]  }
0x3c1: {  	v11 =	vadd.s32 v58, v11;
	v58 =	vld [tilespmem:$0x1FAD0]  }
0x3c2: {  	v12 =	vadd.s32 v62, v12;
	v62 =	vld [tilespmem:$0x1FB10]  }
0x3c3: {  	v13 =	vadd.s32 v42, v13;
	v42 =	vld [tilespmem:$0x1FC50]  }
0x3c4: {  	v15 =	vadd.s32 v43, v15;
	v43 =	vld [tilespmem:$0x1FC60]  }
0x3c5: {  	v14 =	vadd.s32 v44, v14;
	v44 =	vld [tilespmem:$0x1FC70]  }
0x3c6: {  	v10 =	vadd.s32 v10, v60;
	v60 =	vld [tilespmem:$0x1FAF0]  }
0x3c7: {  	v11 =	vadd.s32 v61, v11;
	v61 =	vld [tilespmem:$0x1FB00]  }
0x3c8: {  	v12 =	vadd.s32 v17, v12;
	v17 =	vld [tilespmem:$0xDE0]  }
0x3c9: {  	v13 =	vadd.s32 v13, v45;
	v45 =	vld [tilespmem:$0x1FC80]  }
0x3ca: {  	v15 =	vadd.s32 v46, v15;
	v46 =	vld [tilespmem:$0x1FC90]  }
0x3cb: {  	v14 =	vadd.s32 v14, v47;
	v47 =	vld [tilespmem:$0x1FCA0]  }
0x3cc: {  	v10 =	vadd.s32 v63, v10;
	v63 =	vld [tilespmem:$0x1FB20]  }
0x3cd: {  	v12 =	vadd.s32 v12, v20;
	v20 =	vld [tilespmem:$0x1FB30]  }
0x3ce: {  	v11 =	vadd.s32 v11, v16;
	v16 =	vld [tilespmem:$0xDD0]  }
0x3cf: {  	v13 =	vadd.s32 v48, v13;
	v48 =	vld [tilespmem:$0x1FCB0]  }
0x3d0: {  	v15 =	vadd.s32 v15, v49;
	v49 =	vld [tilespmem:$0x1FCC0]  }
0x3d1: {  	v14 =	vadd.s32 v50, v14;
	v50 =	vld [tilespmem:$0x1FCD0]  }
0x3d2: {  	v12 =	vadd.s32 v23, v12;
	v23 =	vld [tilespmem:$0x1FB60]  }
0x3d3: {  	v10 =	vadd.s32 v18, v10;
	v18 =	vld [tilespmem:$0xDF0]  }
0x3d4: {  	v11 =	vadd.s32 v19, v11;
	v19 =	vld [tilespmem:$0xFD0]  }
0x3d5: {  	v13 =	vadd.s32 v51, v13;
	v51 =	vld [tilespmem:$0x1FCE0]  }
0x3d6: {  	v15 =	vadd.s32 v52, v15;
	v52 =	vld [tilespmem:$0x1FCF0]  }
0x3d7: {  	v14 =	vadd.s32 v53, v14;
	v53 =	vld [tilespmem:$0x1FD00]  }
0x3d8: {  	v10 =	vadd.s32 v21, v10;
	v21 =	vld [tilespmem:$0x1FB40]  }
0x3d9: {  	v11 =	vadd.s32 v22, v11;
	v22 =	vld [tilespmem:$0x1FB50]  }
0x3da: {  	v12 =	vadd.s32 v26, v12;
	v26 =	vld [tilespmem:$0x1FB90]  }
0x3db: {  	v13 =	vadd.s32 v54, v13;
	v54 =	vld [tilespmem:$0x1FD10]  }
0x3dc: {  	v15 =	vadd.s32 v55, v15;
	v55 =	vld [tilespmem:$0x1FD20]  }
0x3dd: {  	v14 =	vadd.s32 v56, v14;
	v56 =	vld [tilespmem:$0x1FD30]  }
0x3de: {  	v10 =	vadd.s32 v10, v24;
	v24 =	vld [tilespmem:$0x1FB70]  }
0x3df: {  	v11 =	vadd.s32 v25, v11;
	v25 =	vld [tilespmem:$0x1FB80]  }
0x3e0: {  	v12 =	vadd.s32 v28, v12;
	v28 =	vld [tilespmem:$0x1FBB0]  }
0x3e1: {  	v13 =	vadd.s32 v13, v57;
	v57 =	vld [tilespmem:$0x1FD40]  }
0x3e2: {  	v15 =	vadd.s32 v58, v15;
	v58 =	vld [tilespmem:$0x1FD50]  }
0x3e3: {  	v14 =	vadd.s32 v14, v59;
	v59 =	vld [tilespmem:$0x1FD60]  }
0x3e4: {  	v11 =	vadd.s32 v11, v27;
	v27 =	vld [tilespmem:$0x1FBA0]  }
0x3e5: {  	v12 =	vadd.s32 v12, v31;
	v31 =	vld [tilespmem:$0x1FBE0]  }
0x3e6: {  	v13 =	vadd.s32 v60, v13;
	v60 =	vld [tilespmem:$0x1FD70]  }
0x3e7: {  	v15 =	vadd.s32 v15, v61;
	v61 =	vld [tilespmem:$0x1FD80]  }
0x3e8: {  	v14 =	vadd.s32 v62, v14;
	v62 =	vld [tilespmem:$0x1FD90]  }
0x3e9: {  	v15 =	vadd.s32 v20, v15;
	v20 =	vld [tilespmem:$0xFE0]  }
0x3ea: {  	v13 =	vadd.s32 v63, v13;
	v63 =	vld [tilespmem:$0x1FDA0]  }
0x3eb: {  	v15 =	vadd.s32 v23, v15;
	v23 =	vld [tilespmem:$0x11E0]  }
0x3ec: {  	v14 =	vadd.s32 v21, v14;
	v21 =	vld [tilespmem:$0xFF0]  }
0x3ed: {  	v13 =	vadd.s32 v22, v13;
	v22 =	vld [tilespmem:$0x11D0]  }
0x3ee: {  	v15 =	vadd.s32 v26, v15;
	v26 =	vld [tilespmem:$0x13E0]  }
0x3ef: {  	v14 =	vadd.s32 v24, v14;
	v24 =	vld [tilespmem:$0x11F0]  }
0x3f0: {  	v13 =	vadd.s32 v13, v25;
	v25 =	vld [tilespmem:$0x13D0]  }
0x3f1: {  	v15 =	vadd.s32 v15, v29;
	v29 =	vld [tilespmem:$0x1FDC0]  }
0x3f2: {  	v13 =	vadd.s32 v28, v13;
	v28 =	vld [tilespmem:$0x1FDB0]  }
0x3f3: {  	v15 =	vadd.s32 v32, v15;
	v32 =	vld [tilespmem:$0x1FDF0]  }
0x3f4: {  	v14 =	vadd.s32 v14, v27;
	v27 =	vld [tilespmem:$0x13F0]  }
0x3f5: {  	v14 =	vadd.s32 v30, v14;
	v30 =	vld [tilespmem:$0x1FDD0]  }
0x3f6: {  	v13 =	vadd.s32 v31, v13;
	v31 =	vld [tilespmem:$0x1FDE0]  }
0x3f7: {  	v15 =	vadd.s32 v39, v15;
	v39 =	vld [tilespmem:$0x1FE20]  }
0x3f8: {  	v14 =	vadd.s32 v33, v14;
	v33 =	vld [tilespmem:$0x1FE00]  }
0x3f9: {  	v13 =	vadd.s32 v34, v13;
	v34 =	vld [tilespmem:$0x1FE10]  }
0x3fa: {  	v15 =	vadd.s32 v42, v15;
	v42 =	vld [tilespmem:$0x1FE50]  }
0x3fb: {  	v14 =	vadd.s32 v40, v14;
	v40 =	vld [tilespmem:$0x1FE30]  }
0x3fc: {  	v13 =	vadd.s32 v13, v41;
	v41 =	vld [tilespmem:$0x1FE40]  }
0x3fd: {  	v15 =	vadd.s32 v15, v45;
	v45 =	vld [tilespmem:$0x1FE80]  }
0x3fe: {  	v14 =	vadd.s32 v14, v43;
	v43 =	vld [tilespmem:$0x1FE60]  }
0x3ff: {  	v13 =	vadd.s32 v44, v13;
	v44 =	vld [tilespmem:$0x1FE70]  }
0x400: {  	v15 =	vadd.s32 v48, v15;
	v48 =	vld [tilespmem:$0x1FEB0]  }
0x401: {  	v14 =	vadd.s32 v46, v14;
	v46 =	vld [tilespmem:$0x1FE90]  }
0x402: {  	v13 =	vadd.s32 v47, v13;
	v47 =	vld [tilespmem:$0x1FEA0]  }
0x403: {  	v15 =	vadd.s32 v51, v15;
	v51 =	vld [tilespmem:$0x1FEE0]  }
0x404: {  	v14 =	vadd.s32 v49, v14;
	v49 =	vld [tilespmem:$0x1FEC0]  }
0x405: {  	v13 =	vadd.s32 v50, v13;
	v50 =	vld [tilespmem:$0x1FED0]  }
0x406: {  	v15 =	vadd.s32 v54, v15;
	v54 =	vld [tilespmem:$0x1FF10]  }
0x407: {  	v14 =	vadd.s32 v52, v14;
	v52 =	vld [tilespmem:$0x1FEF0]  }
0x408: {  	v13 =	vadd.s32 v13, v53;
	v53 =	vld [tilespmem:$0x1FF00]  }
0x409: {  	v15 =	vadd.s32 v15, v57;
	v57 =	vld [tilespmem:$0x1FF40]  }
0x40a: {  	v14 =	vadd.s32 v14, v55;
	v55 =	vld [tilespmem:$0x1FF20]  }
0x40b: {  	v13 =	vadd.s32 v56, v13;
	v56 =	vld [tilespmem:$0x1FF30]  }
0x40c: {  	v9 =	vadd.s32 v16, v9;
	v15 =	vadd.s32 v60, v15;
	v60 =	vld [tilespmem:$0x1FF60]  }
0x40d: {  	v8 =	vadd.s32 v19, v8;
	v14 =	vadd.s32 v58, v14;
	v13 =	vadd.s32 v59, v13;
	v58 =	vld [tilespmem:$0x1BE0]  }
0x40e: {  	v9 =	vadd.s32 v17, v9;
	v59 =	vld [tilespmem:$0x1FF50];
	v14 =	vadd.s32 v61, v14;
	v13 =	vadd.s32 v62, v13  }
0x40f: {  	v15 =	vadd.s32 v63, v15;
	v63 =	vld [tilespmem:$0x1FF80];
	v14 =	vadd.s32 v28, v14;
	v13 =	vadd.s32 v13, v29  }
0x410: {  	v15 =	vadd.s32 v30, v15;
	v30 =	vld [tilespmem:$0x17E0];
	v14 =	vadd.s32 v14, v31;
	v13 =	vadd.s32 v32, v13  }
0x411: {  	v61 =	vld [tilespmem:$0x1FF70];
	v15 =	vadd.s32 v15, v33;
	v14 =	vadd.s32 v34, v14;
	v13 =	vadd.s32 v39, v13  }
0x412: {  	v15 =	vadd.s32 v40, v15;
	v40 =	vld [tilespmem:$0x1FFA0];
	v14 =	vadd.s32 v41, v14;
	v13 =	vadd.s32 v42, v13  }
0x413: {  	v15 =	vadd.s32 v43, v15;
	v39 =	vld [tilespmem:$0x1FF90];
	v14 =	vadd.s32 v44, v14;
	v13 =	vadd.s32 v13, v45  }
0x414: {  	v43 =	vld [tilespmem:$0x1FFC0];
	v15 =	vadd.s32 v46, v15;
	v14 =	vadd.s32 v14, v47;
	v13 =	vadd.s32 v48, v13  }
0x415: {  	v42 =	vld [tilespmem:$0x1FFB0];
	v15 =	vadd.s32 v15, v49;
	v14 =	vadd.s32 v50, v14;
	v13 =	vadd.s32 v51, v13  }
0x416: {  	v45 =	vld [tilespmem:$0x1FFD0];
	v15 =	vadd.s32 v52, v15;
	v14 =	vadd.s32 v53, v14;
	v13 =	vadd.s32 v54, v13  }
0x417: {  	v28 =	vld [tilespmem:$0x15E0];
	v12 =	vadd.s32 v55, v12;
	v15 =	vadd.s32 v56, v15;
	v14 =	vadd.s32 v57, v14;
	(xrf0) =	vadd.scan.msk.s32 $0xffff, v13  }
0x418: {  	v29 =	vld [tilespmem:$0x15F0];
	v11 =	vadd.s32 v59, v11;
	v12 =	vadd.s32 v60, v12;
	v15 =	vadd.s32 v61, v15;
	(xrf0) =	vadd.scan.msk.s32 $0xffff, v14  }
0x419: {  	v31 =	vld [tilespmem:$0x17F0];
	v10 =	vadd.s32 v63, v10;
	v12 =	vadd.s32 v40, v12;
	v11 =	vadd.s32 v39, v11;
	(xrf0) =	vadd.scan.msk.s32 $0xffff, v15  }
0x41a: {  	v9 =	vadd.s32 v18, v9;
	v32 =	vld [tilespmem:$0x19E0];
	v10 =	vadd.s32 v42, v10;
	v11 =	vadd.s32 v43, v11;
	(xrf0) =	vadd.scan.msk.s32 $0xffff, v12  }
0x41b: {  	v7 =	vadd.s32 v22, v7;
	v6 =	vadd.s32 v25, v6;
	v33 =	vld [tilespmem:$0x19F0];
	v10 =	vadd.s32 v45, v10;
	(xrf0) =	vadd.scan.msk.s32 $0xffff, v11  }
0x41c: {  	v8 =	vadd.s32 v20, v8;
	v7 =	vadd.s32 v23, v7;
	v6 =	vadd.s32 v26, v6;
	v41 =	vld [tilespmem:$0x1DE0];
	(xrf0) =	vadd.scan.msk.s32 $0xffff, v10  }
0x41d: {  	v8 =	vadd.s32 v21, v8;
	v7 =	vadd.s32 v24, v7;
	v6 =	vadd.s32 v27, v6;
	v44 =	vld [tilespmem:$0x1DF0];
	(xrf0) =	vadd.scan.msk.s32 $0xffff, v9;
	v49, _, _ =	vpop (xrf0)  }
0x41e: {  	v62 =	vld [tilespmem:$0x1BF0];
	v3 =	vadd.s32 v30, v3;
	v4 =	vadd.s32 v28, v4;
	(v2sf) =	vpush v49, $0xF;
	(xrf0) =	vadd.scan.msk.s32 $0xffff, v8;
	v51, _, _ =	vpop (xrf0)  }
0x41f: {  	v1 =	vadd.s32 v32, v1;
	v3 =	vadd.s32 v31, v3;
	(v2sf) =	vpush v51, $0xF;
	(xrf0) =	vadd.scan.msk.s32 $0xffff, v7;
	v53, _, _ =	vpop (xrf0)  }
0x420: {  	v46 =	vld [tilespmem:$0x1FE0];
	v4 =	vadd.s32 v29, v4;
	v1 =	vadd.s32 v33, v1;
	(v2sf) =	vpush v53, $0xF;
	(xrf0) =	vadd.scan.msk.s32 $0xffff, v6;
	v55, _, _ =	vpop (xrf0)  }
0x421: {  	v63 =	vld [tilespmem:$0x1FFE0];
	v2 =	vadd.s32 v41, v2;
	(v2sf) =	vpush v55, $0xF;
	(xrf0) =	vadd.scan.msk.s32 $0xffff, v4;
	v57, _, _ =	vpop (xrf0)  }
0x422: {  	v5 =	vadd.s32 v58, v5;
	v47 =	vld [tilespmem:$0x1FF0];
	v2 =	vadd.s32 v44, v2;
	(v2sf) =	vpush v57, $0xF;
	(xrf0) =	vadd.scan.msk.s32 $0xffff, v3;
	v3, _, _ =	vpop (xrf0)  }
0x423: {  	v5 =	vadd.s32 v62, v5;
	v48 =	vld [tilespmem:$0x21E0];
	(v2sf) =	vpush v3, $0xF;
	(xrf0) =	vadd.scan.msk.s32 $0xffff, v1;
	v1, _, _ =	vpop (xrf0)  }
0x424: {  	v52 =	vld [tilespmem:$0x23E0];
	(v2sf) =	vpush v1, $0xF;
	(xrf0) =	vadd.scan.msk.s32 $0xffff, v5;
	v59, _, _ =	vpop (xrf0)  }
0x425: {  	v50 =	vld [tilespmem:$0x21F0];
	(v2sf) =	vpush v59, $0xF;
	(xrf0) =	vadd.scan.msk.s32 $0xffff, v2;
	v2, _, _ =	vpop (xrf0)  }
0x426: {  	v56 =	vld [tilespmem:$0x25E0];
	(v2sf) =	vpush v2, $0xF  }
0x427: {  	v54 =	vld [tilespmem:$0x23F0];
	v2, _, _ =	vpop (xrf0)  }
0x428: {  	v3 =	vld [tilespmem:$0x27E0];
	(v2sf) =	vpush v2, $0xF  }
0x429: {  	v1 =	vld [tilespmem:$0x27F0];
	v2, _, _ =	vpop (xrf0)  }
0x42a: {  	v58 =	vld [tilespmem:$0x25F0];
	(v2sf) =	vpush v2, $0xF  }
0x42b: {  	v11 =	vadd.s32 v46, v38;
	v2, _, _ =	vpop (xrf0)  }
0x42c: {  	v60 =	vadd.s32 v48, v37;
	v10 =	vadd.s32 v47, v11;
	(v2sf) =	vpush v2, $0xF  }
0x42d: {  	v61 =	vadd.s32 v52, v36;
	v62 =	vadd.s32 v50, v60;
	(xrf0) =	vadd.scan.msk.s32 $0xffff, v10;
	v3 =	vadd.s32 v3, v63;
	s13 =	spop (v2sf)  }
0x42e: {  	v6 =	vadd.s32 v56, v35;
	v5 =	vadd.s32 v54, v61;
	(xrf0) =	vadd.scan.msk.s32 $0xffff, v62;
	v1 =	vadd.s32 v1, v3;
	v2, _, _ =	vpop (xrf0);
	s21 =	spop (v2sf)  }
0x42f: {  	v4 =	vadd.s32 v58, v6;
	(xrf0) =	vadd.scan.msk.s32 $0xffff, v5;
	(v2sf) =	vpush v2, $0xF;
	s20 =	spop (v2sf)  }
0x430: {  	(xrf0) =	vadd.scan.msk.s32 $0xffff, v4;
	s2 =	sadd.s32 s13, s21;
	s28 =	spop (v2sf)  }
0x431: {  	(xrf0) =	vadd.scan.msk.s32 $0xffff, v1;
	v1, _, _ =	vpop (xrf0);
	s3 =	sadd.s32 s2, s20;
	s24 =	spop (v2sf)  }
0x432: {  	(v2sf) =	vpush v1, $0xF;
	v1, _, _ =	vpop (xrf0);
	s4 =	sadd.s32 s3, s28;
	s31 =	spop (v2sf)  }
0x433: {  	(v2sf) =	vpush v1, $0xF;
	s5 =	sadd.s32 s4, s24;
	s29 =	spop (v2sf)  }
0x434: {  	v1, _, _ =	vpop (xrf0);
	s6 =	sadd.s32 s5, s31;
	s14 =	spop (v2sf)  }
0x435: {  	(v2sf) =	vpush v1, $0xF;
	v1, _, _ =	vpop (xrf0);
	s1 =	sadd.s32 s6, s29;
	[dreg:$0x17] =	wrdreg s14;
	s7 =	spop (v2sf)  }
0x436: {  	(v2sf) =	vpush v1, $0xF;
	v1, _, _ =	vpop (xrf0);
	s14 =	sadd.s32 s1, s14;
	[dreg:$0x16] =	wrdreg s7  }
0x437: {  	(v2sf) =	vpush v1, $0xF;
	v1, _, _ =	vpop (xrf0);
	s15 =	spop (v2sf);
	[dreg:$0x1a] =	wrdreg s14  }
0x438: {  	(v2sf) =	vpush v1, $0xF;
	v1, _, _ =	vpop (xrf0);
	s26 =	sadd.s32 s14, s7;
	[dreg:$0x14] =	wrdreg s15  }
0x439: {  	(v2sf) =	vpush v1, $0xF;
	s9 =	spop (v2sf);
	[dreg:$0x19] =	wrdreg s26  }
0x43a: {  	s0 =	sadd.s32 s26, s15;
	[dreg:$0x13] =	wrdreg s9  }
0x43b: {  	[smem:$0x7DC] =	sst s0;
	s8 =	spop (v2sf)  }
0x43c: {  	s30 =	sadd.s32 s0, s9;
	[dreg:$0x12] =	wrdreg s8  }
0x43d: {  	s25 =	sadd.s32 s30, s8;
	s8 =	rddreg [dreg:$0x5]  }
0x43e: {  	s16 =	spop (v2sf);
	[smem:$0x7F4] =	sst s30  }
0x43f: {  	[dreg:$0x11] =	wrdreg s16  }
0x440: {  	s23 =	sadd.s32 s25, s16;
	[smem:$0x7F6] =	sst s25  }
0x441: {  	[smem:$0x7F8] =	sst s23;
	s17 =	spop (v2sf)  }
0x442: {  	[dreg:$0xf] =	wrdreg s17;
	s18 =	spop (v2sf)  }
0x443: {  	s22 =	sadd.s32 s23, s17;
	[dreg:$0xe] =	wrdreg s18  }
0x444: {  	s19 =	spop (v2sf);
	s18 =	sadd.s32 s22, s18;
	[dreg:$0x1f] =	wrdreg s22  }
0x445: {  	[dreg:$0xd] =	wrdreg s19;
	s0 =	spop (v2sf);
	s17 =	sadd.s32 s18, s19  }
0x446: {  	[dreg:$0x1e] =	wrdreg s18;
	s7 =	spop (v2sf);
	s16 =	sadd.s32 s17, s0  }
0x447: {  	[dreg:$0xc] =	wrdreg s0;
	s9 =	spop (v2sf);
	s15 =	sadd.s32 s16, s7  }
0x448: {  	[dreg:$0x1d] =	wrdreg s17;
	s10 =	spop (v2sf);
	s19 =	sadd.s32 s15, s9  }
0x449: {  	[dreg:$0xb] =	wrdreg s7;
	s0 =	sadd.s32 s19, s10  }
0x44a: {  	[dreg:$0x1c] =	wrdreg s16;
	s7 =	sadd.s32 $0xFFFFFFFF, s0  }
0x44b: {  	[dreg:$0xa] =	wrdreg s9;
	p0 =	sgt.s32 s7, $0x0  }
0x44c: {  	p1 =	slt.s32 s2, $0x1;
	s9 =	rddreg [dreg:$0x3];
	s7 =	simm.s32 @!p0 $0x0  }
0x44d: {  	[dreg:$0x9] =	wrdreg s0;
	s0 =	smin.u32 s8, s7;
	s7 =	smin.u32 s9, s7  }
0x44e: {  	[dreg:$0x1b] =	wrdreg s15;
	s10 =	simm.s32 $0x1;
	p0 =	sle.s32 s2, s7  }
0x44f: {  	s9 =	simm.s32 $0x1;
	p2 =	sle.s32 s14, s7;
	s8 =	simm.s32 @!p0 $0x0  }
0x450: {  	s8 =	simm.s32 @p0 $0x1;
	p0 =	sgt.s32 s2, s0;
	s2 =	simm.s32 @!p1 $0x0  }
0x451: {  	p3 =	sle.s32 s26, s7;
	p5 =	sle.s32 s30, s7;
	s2 =	simm.s32 @p1 $0x1  }
0x452: {  	p1 =	sgt.s32 s13, s0;
	[smem:$0x7F2] =	sst s2;
	s2 =	simm.s32 $0x1  }
0x453: {  	p6 =	sle.s32 s25, s7;
	s2 =	simm.s32 @!p1 $0x2;
	p1 =	sle.s32 s3, s7  }
0x454: {  	[smem:$0x7DD] =	sst s8;
	s9 =	simm.s32 @!p0 $0x0;
	s8 =	simm.s32 @!p1 $0x0  }
0x455: {  	p0 =	slt.s32 s3, $0x1;
	s2 =	ssub.s32 s2, s9;
	s8 =	simm.s32 @p1 $0x1  }
0x456: {  	p1 =	sle.s32 s3, s0;
	s3 =	simm.s32 @!p0 $0x0;
	[smem:$0x7DE] =	sst s8  }
0x457: {  	s3 =	simm.s32 @p0 $0x1;
	s10 =	simm.s32 @!p1 $0x0;
	s8 =	sld [smem:$0x7DD]  }
0x458: {  	p0 =	sle.s32 s4, s7;
	p1 =	slt.s32 s4, $0x1;
	[smem:$0x7F3] =	sst s3  }
0x459: {  	s3 =	simm.s32 @!p0 $0x0;
	s2 =	sadd.s32 s10, s2;
	s9 =	sld [smem:$0x7DE]  }
0x45a: {  	s3 =	simm.s32 @p0 $0x1;
	p0 =	sle.s32 s4, s0;
	s4 =	simm.s32 @!p1 $0x0  }
0x45b: {  	[smem:$0x7DF] =	sst s3;
	s3 =	simm.s32 $0x1;
	s4 =	simm.s32 @p1 $0x1  }
0x45c: {  	p1 =	slt.s32 s5, $0x1;
	s3 =	simm.s32 @!p0 $0x0;
	p0 =	sle.s32 s5, s7  }
0x45d: {  	[smem:$0x7F5] =	sst s4;
	s4 =	simm.s32 @!p0 $0x0;
	s2 =	sadd.s32 s3, s2  }
0x45e: {  	s4 =	simm.s32 @p0 $0x1;
	p0 =	sle.s32 s5, s0;
	s5 =	simm.s32 @!p1 $0x0  }
0x45f: {  	[smem:$0x7E0] =	sst s4;
	s4 =	simm.s32 $0x1;
	s5 =	simm.s32 @p1 $0x1  }
0x460: {  	p1 =	slt.s32 s6, $0x1;
	s4 =	simm.s32 @!p0 $0x0;
	p0 =	sle.s32 s6, s7  }
0x461: {  	[smem:$0x7F7] =	sst s5;
	s5 =	simm.s32 @!p1 $0x0;
	s3 =	simm.s32 @!p0 $0x0  }
0x462: {  	s5 =	simm.s32 @p1 $0x1;
	s2 =	sadd.s32 s4, s2;
	s3 =	simm.s32 @p0 $0x1  }
0x463: {  	p0 =	sle.s32 s6, s0;
	[smem:$0x7E1] =	sst s3;
	s3 =	simm.s32 $0x1  }
0x464: {  	p1 =	slt.s32 s1, $0x1;
	s3 =	simm.s32 @!p0 $0x0;
	p0 =	sle.s32 s1, s7  }
0x465: {  	[smem:$0x7F9] =	sst s5;
	s4 =	simm.s32 @!p0 $0x0;
	s10 =	sadd.s32 s3, s2  }
0x466: {  	s2 =	simm.s32 $0x1;
	s3 =	simm.s32 @!p6 $0x0;
	s4 =	simm.s32 @p0 $0x1  }
0x467: {  	p0 =	sle.s32 s1, s0;
	s1 =	simm.s32 @!p1 $0x0;
	s3 =	simm.s32 @p6 $0x1  }
0x468: {  	p6 =	sle.s32 s23, s7;
	[smem:$0x7E2] =	sst s4;
	s4 =	simm.s32 $0x1  }
0x469: {  	s1 =	simm.s32 @p1 $0x1;
	p1 =	sle.s32 s26, s0;
	[smem:$0x7E3] =	sst s3  }
0x46a: {  	s3 =	simm.s32 @!p6 $0x0;
	s26 =	smov.u32 s19;
	[smem:$0x7FA] =	sst s1  }
0x46b: {  	s4 =	simm.s32 @!p0 $0x0;
	p0 =	sle.s32 s14, s0;
	s14 =	sld [smem:$0x7DC]  }
0x46c: {  	s3 =	simm.s32 @p6 $0x1;
	p6 =	sle.s32 s22, s7;
	[dreg:$0x18] =	wrdreg s26  }
0x46d: {  	s1 =	sadd.s32 s4, s10;
	[smem:$0x7E4] =	sst s3;
	s3 =	simm.s32 @!p6 $0x0  }
0x46e: {  	s2 =	simm.s32 @!p0 $0x0;
	s3 =	simm.s32 @p6 $0x1;
	p6 =	sle.s32 s18, s7  }
0x46f: {  	p0 =	sgt.s32 s13, s7;
	[smem:$0x7E5] =	sst s3;
	s3 =	simm.s32 @!p6 $0x0  }
0x470: {  	s10 =	sld [smem:$0x7DF];
	s3 =	simm.s32 @p6 $0x1;
	p6 =	sle.s32 s17, s7  }
0x471: {  	s1 =	sadd.s32 s2, s1;
	[smem:$0x7E6] =	sst s3;
	s3 =	simm.s32 @!p6 $0x0  }
0x472: {  	s4 =	sld [smem:$0x7E4];
	s3 =	simm.s32 @p6 $0x1;
	p6 =	sle.s32 s16, s7  }
0x473: {  	s2 =	simm.s32 $0x1;
	[smem:$0x7E7] =	sst s3;
	s3 =	simm.s32 @!p6 $0x0  }
0x474: {  	s5 =	sld [smem:$0x7E5];
	s3 =	simm.s32 @p6 $0x1;
	p6 =	sle.s32 s15, s7  }
0x475: {  	p4 =	sle.s32 s14, s7;
	[smem:$0x7E8] =	sst s3;
	s3 =	simm.s32 @!p6 $0x0  }
0x476: {  	s3 =	simm.s32 @p6 $0x1;
	p6 =	sle.s32 s19, s7;
	s19 =	smov.u32 s14  }
0x477: {  	[smem:$0x7E9] =	sst s3;
	s3 =	simm.s32 $0x1;
	s6 =	simm.s32 @!p6 $0x0  }
0x478: {  	s7 =	simm.s32 $0x1;
	s6 =	simm.s32 @p6 $0x1;
	s3 =	simm.s32 @!p1 $0x0  }
0x479: {  	p1 =	sle.s32 s14, s0;
	p6 =	sle.s32 s23, s0;
	s14 =	simm.s32 $0x1  }
0x47a: {  	s23 =	sld [smem:$0x7E2];
	s1 =	sadd.s32 s3, s1;
	s2 =	simm.s32 @!p1 $0x0  }
0x47b: {  	[smem:$0x7EA] =	sst s6;
	s1 =	sadd.s32 s2, s1;
	s2 =	simm.s32 @!p6 $0x0  }
0x47c: {  	p1 =	sle.s32 s30, s0;
	s2 =	simm.s32 @p6 $0x1;
	p6 =	sle.s32 s22, s0  }
0x47d: {  	s3 =	simm.s32 $0x1;
	[smem:$0x7EB] =	sst s2;
	s2 =	simm.s32 @!p6 $0x0  }
0x47e: {  	s6 =	sld [smem:$0x7E6];
	s2 =	simm.s32 @p6 $0x1;
	p6 =	sle.s32 s18, s0  }
0x47f: {  	s30 =	simm.s32 $0x1;
	[smem:$0x7EC] =	sst s2;
	s2 =	simm.s32 @!p6 $0x0  }
0x480: {  	s3 =	simm.s32 @!p1 $0x0;
	s2 =	simm.s32 @p6 $0x1;
	p6 =	sle.s32 s17, s0  }
0x481: {  	p1 =	sle.s32 s25, s0;
	[smem:$0x7ED] =	sst s2;
	s2 =	simm.s32 @!p6 $0x0  }
0x482: {  	s22 =	sld [smem:$0x7E1];
	s2 =	simm.s32 @p6 $0x1;
	p6 =	sle.s32 s16, s0  }
0x483: {  	s25 =	simm.s32 $0x1;
	[smem:$0x7EE] =	sst s2;
	s2 =	simm.s32 @!p6 $0x0  }
0x484: {  	s18 =	sld [smem:$0x7E0];
	s17 =	sadd.s32 s3, s1;
	s2 =	simm.s32 @p6 $0x1  }
0x485: {  	p6 =	sle.s32 s15, s0;
	s15 =	simm.s32 $0x1;
	[smem:$0x7EF] =	sst s2  }
0x486: {  	s2 =	simm.s32 @!p6 $0x0;
	s15 =	simm.s32 @!p0 $0x2;
	p0 =	seq.s32 s8, $0x1  }
0x487: {  	s8 =	simm.s32 $0x1;
	s2 =	simm.s32 @p6 $0x1;
	p6 =	sle.s32 s26, s0  }
0x488: {  	s14 =	simm.s32 @!p0 $0x0;
	p0 =	seq.s32 s9, $0x1;
	s26 =	simm.s32 $0x1  }
0x489: {  	s9 =	simm.s32 $0x1;
	[smem:$0x7F0] =	sst s2;
	s0 =	simm.s32 @!p6 $0x0  }
0x48a: {  	s2 =	simm.s32 $0x1;
	s16 =	sadd.s32 s14, s15;
	s0 =	simm.s32 @p6 $0x1  }
0x48b: {  	s15 =	sshll.u32 s15, $0xB;
	[smem:$0x7F1] =	sst s0;
	s0 =	simm.s32 $0x1  }
0x48c: {  	s14 =	sshll.u32 s14, $0xB;
	s0 =	simm.s32 @!p0 $0x0;
	p0 =	seq.s32 s10, $0x1  }
0x48d: {  	s10 =	simm.s32 $0x1;
	[dreg:$0x10] =	wrdreg s0;
	s2 =	simm.s32 @!p0 $0x0  }
0x48e: {  	p0 =	seq.s32 s18, $0x1;
	s1 =	sadd.s32 s0, s16;
	s18 =	simm.s32 $0x1  }
0x48f: {  	s16 =	simm.s32 $0x1;
	[dreg:$0x15] =	wrdreg s2;
	s30 =	simm.s32 @!p0 $0x0  }
0x490: {  	p0 =	seq.s32 s22, $0x1;
	s1 =	sadd.s32 s2, s1;
	s22 =	simm.s32 $0x1  }
0x491: {  	s18 =	simm.s32 @!p4 $0x0;
	s16 =	simm.s32 @!p5 $0x0;
	s2 =	sld [smem:$0x7E3]  }
0x492: {  	s26 =	simm.s32 @!p0 $0x0;
	p0 =	seq.s32 s23, $0x1;
	s1 =	sadd.s32 s30, s1  }
0x493: {  	s23 =	simm.s32 $0x1;
	s25 =	simm.s32 @!p0 $0x0;
	s1 =	sadd.s32 s26, s1  }
0x494: {  	s22 =	simm.s32 @!p3 $0x0;
	s23 =	simm.s32 @!p2 $0x0;
	s1 =	sadd.s32 s25, s1  }
0x495: {  	p0 =	seq.s32 s2, $0x1;
	s2 =	sld [smem:$0x7EA];
	s1 =	sadd.s32 s23, s1  }
0x496: {  	s10 =	simm.s32 @!p0 $0x0;
	p0 =	seq.s32 s4, $0x1;
	s4 =	sld [smem:$0x7E8]  }
0x497: {  	s1 =	sadd.s32 s22, s1;
	s9 =	simm.s32 @!p0 $0x0;
	p0 =	seq.s32 s5, $0x1  }
0x498: {  	s5 =	simm.s32 $0x1;
	s3 =	sadd.s32 s18, s1;
	s1 =	simm.s32 $0x1  }
0x499: {  	s8 =	simm.s32 @!p0 $0x0;
	s0 =	sadd.s32 s16, s3;
	s3 =	sld [smem:$0x7E7]  }
0x49a: {  	p0 =	seq.s32 s6, $0x1;
	s6 =	simm.s32 $0x1;
	s1 =	simm.s32 @!p1 $0x0  }
0x49b: {  	s7 =	simm.s32 @!p0 $0x0;
	s0 =	sadd.s32 s10, s0;
	s17 =	sadd.s32 s1, s17  }
0x49c: {  	s0 =	sadd.s32 s9, s0;
	p0 =	seq.s32 s3, $0x1;
	s3 =	sld [smem:$0x7E9]  }
0x49d: {  	s1 =	sld [smem:$0x7EB];
	s0 =	sadd.s32 s8, s0;
	s6 =	simm.s32 @!p0 $0x0  }
0x49e: {  	s0 =	sadd.s32 s7, s0;
	p0 =	seq.s32 s4, $0x1;
	s4 =	simm.s32 $0x1  }
0x49f: {  	s5 =	simm.s32 @!p0 $0x0;
	s0 =	sadd.s32 s6, s0;
	p0 =	seq.s32 s3, $0x1  }
0x4a0: {  	s3 =	simm.s32 $0x1;
	s4 =	simm.s32 @!p0 $0x0;
	p0 =	seq.s32 s2, $0x1  }
0x4a1: {  	p2 =	slt.s32 s13, $0x1;
	s0 =	sadd.s32 s5, s0;
	s3 =	simm.s32 @!p0 $0x0  }
0x4a2: {  	s2 =	sadd.s32 s4, s0;
	s0 =	simm.s32 $0x1;
	p0 =	seq.s32 s1, $0x1  }
0x4a3: {  	s18 =	sshll.u32 s18, $0xB;
	s0 =	simm.s32 @!p0 $0x0;
	s1 =	sadd.s32 s3, s2  }
0x4a4: {  	s3 =	sshll.u32 s3, $0xB;
	p0 =	sgt.u32 s1, $0x1;
	p1 =	sgt.u32 s1, $0x2  }
0x4a5: {  	s13 =	simm.s32 @!p0 $0x0;
	s21 =	simm.s32 @!p1 $0x0;
	p0 =	sgt.u32 s1, $0x3  }
0x4a6: {  	s0 =	sadd.s32 s0, s17;
	s17 =	sadd.s32 s21, s13;
	s20 =	simm.s32 @!p0 $0x0  }
0x4a7: {  	p0 =	sgt.u32 s1, $0x4;
	s13 =	simm.s32 $0x1;
	s21 =	sld [smem:$0x7EC]  }
0x4a8: {  	s2 =	sadd.s32 s20, s17;
	s28 =	simm.s32 @!p0 $0x0;
	s17 =	rddreg [dreg:$0x17]  }
0x4a9: {  	p0 =	sgt.u32 s1, $0x5;
	s20 =	sld [smem:$0x7EF];
	s2 =	sadd.s32 s28, s2  }
0x4aa: {  	s24 =	simm.s32 @!p0 $0x0;
	p0 =	sgt.u32 s1, $0x6;
	s28 =	sld [smem:$0x7EE]  }
0x4ab: {  	p1 =	seq.s32 s21, $0x1;
	s2 =	sadd.s32 s24, s2;
	s24 =	sld [smem:$0x7ED]  }
0x4ac: {  	s31 =	simm.s32 @!p0 $0x0;
	p0 =	sgt.u32 s1, $0x7;
	s21 =	sld [smem:$0x7F0]  }
0x4ad: {  	s13 =	simm.s32 @!p1 $0x0;
	s2 =	sadd.s32 s31, s2;
	s29 =	simm.s32 @!p0 $0x0  }
0x4ae: {  	p0 =	sgt.u32 s1, $0x8;
	s31 =	simm.s32 $0x1;
	s0 =	sadd.s32 s13, s0  }
0x4af: {  	s13 =	simm.s32 $0x1;
	s2 =	sadd.s32 s29, s2;
	s17 =	simm.s32 @!p0 $0x0  }
0x4b0: {  	p0 =	sgt.u32 s1, $0x9;
	s29 =	simm.s32 $0x1;
	p1 =	seq.s32 s24, $0x1  }
0x4b1: {  	s2 =	sadd.s32 s17, s2;
	s17 =	rddreg [dreg:$0x14];
	s13 =	simm.s32 @!p1 $0x0  }
0x4b2: {  	p1 =	seq.s32 s28, $0x1;
	s0 =	sadd.s32 s13, s0;
	s13 =	simm.s32 $0x1  }
0x4b3: {  	s24 =	sld [smem:$0x7F1];
	s13 =	simm.s32 @!p1 $0x0;
	p1 =	seq.s32 s20, $0x1  }
0x4b4: {  	s20 =	sshll.u32 s5, $0xB;
	s0 =	sadd.s32 s13, s0;
	s13 =	rddreg [dreg:$0x16]  }
0x4b5: {  	s5 =	sshll.u32 s10, $0xB;
	s10 =	sld [smem:$0x7F2];
	s13 =	simm.s32 @!p0 $0x0  }
0x4b6: {  	p0 =	sgt.u32 s1, $0xA;
	s2 =	sadd.s32 s13, s2;
	s13 =	simm.s32 $0x1  }
0x4b7: {  	s17 =	simm.s32 @!p0 $0x0;
	p0 =	sgt.u32 s1, $0xB;
	s13 =	simm.s32 @!p1 $0x0  }
0x4b8: {  	s2 =	sadd.s32 s17, s2;
	s0 =	sadd.s32 s13, s0;
	s13 =	rddreg [dreg:$0x13]  }
0x4b9: {  	p1 =	seq.s32 s21, $0x1;
	s17 =	rddreg [dreg:$0x12];
	s13 =	simm.s32 @!p0 $0x0  }
0x4ba: {  	s21 =	sshll.u32 s6, $0xB;
	p0 =	sgt.u32 s1, $0xC;
	s2 =	sadd.s32 s13, s2  }
0x4bb: {  	s13 =	simm.s32 $0x1;
	s17 =	simm.s32 @!p0 $0x0;
	p0 =	sgt.u32 s1, $0xD  }
0x4bc: {  	s13 =	simm.s32 @!p1 $0x0;
	s2 =	sadd.s32 s17, s2;
	s17 =	rddreg [dreg:$0xf]  }
0x4bd: {  	p1 =	seq.s32 s24, $0x1;
	s0 =	sadd.s32 s13, s0;
	s13 =	rddreg [dreg:$0x11]  }
0x4be: {  	s24 =	sshll.u32 s7, $0xB;
	s7 =	sshll.u32 s16, $0xB;
	s13 =	simm.s32 @!p0 $0x0  }
0x4bf: {  	p0 =	sgt.u32 s1, $0xE;
	s2 =	sadd.s32 s13, s2;
	s13 =	simm.s32 $0x1  }
0x4c0: {  	s17 =	simm.s32 @!p0 $0x0;
	p0 =	sgt.u32 s1, $0xF;
	s13 =	simm.s32 @!p1 $0x0  }
0x4c1: {  	s28 =	sadd.s32 s17, s2;
	s2 =	rddreg [dreg:$0xe];
	s17 =	sshll.u32 s4, $0xB  }
0x4c2: {  	s4 =	rddreg [dreg:$0xc];
	s13 =	sadd.s32 s13, s0;
	s2 =	simm.s32 @!p0 $0x0  }
0x4c3: {  	s0 =	sadd.s32 s2, s28;
	s2 =	sadd.s32 s14, s15;
	s14 =	rddreg [dreg:$0xd]  }
0x4c4: {  	s16 =	simm.s32 $0x2;
	s28 =	sshll.u32 s8, $0xB;
	s8 =	rddreg [dreg:$0x1a]  }
0x4c5: {  	s16 =	simm.s32 @!p2 $0x1;
	p0 =	sgt.u32 s1, $0x10;
	s15 =	sld [smem:$0x7F4]  }
0x4c6: {  	s2 =	sadd.s32 s3, s2;
	s14 =	simm.s32 @!p0 $0x0;
	p0 =	sgt.u32 s1, $0x11  }
0x4c7: {  	p3 =	slt.s32 s8, $0x1;
	s3 =	sld [smem:$0x7F9];
	s8 =	simm.s32 $0x1  }
0x4c8: {  	s0 =	sadd.s32 s14, s0;
	s2 =	sadd.s32 s17, s2;
	s14 =	sld [smem:$0x7F3]  }
0x4c9: {  	s4 =	simm.s32 @!p0 $0x0;
	s17 =	sld [smem:$0x7F5];
	s2 =	sadd.s32 s20, s2  }
0x4ca: {  	s0 =	sadd.s32 s4, s0;
	s4 =	sshll.u32 s9, $0xB;
	s9 =	rddreg [dreg:$0x19]  }
0x4cb: {  	p0 =	sgt.u32 s1, $0x12;
	s2 =	sadd.s32 s21, s2;
	s21 =	sld [smem:$0x7F7]  }
0x4cc: {  	s20 =	simm.s32 $0x1;
	p2 =	slt.s32 s9, $0x1;
	s9 =	rddreg [dreg:$0x1d]  }
0x4cd: {  	p6 =	seq.s32 s3, $0x1;
	s3 =	rddreg [dreg:$0x18];
	s2 =	sadd.s32 s24, s2  }
0x4ce: {  	p1 =	seq.s32 s17, $0x1;
	s24 =	sld [smem:$0x7F8];
	s2 =	sadd.s32 s28, s2  }
0x4cf: {  	s17 =	simm.s32 $0x1;
	s2 =	sadd.s32 s4, s2;
	s4 =	rddreg [dreg:$0xb]  }
0x4d0: {  	s29 =	simm.s32 @!p1 $0x0;
	p1 =	seq.s32 s21, $0x1;
	s4 =	simm.s32 @!p0 $0x0  }
0x4d1: {  	s6 =	sadd.s32 s5, s2;
	p0 =	seq.s32 s10, $0x1;
	s5 =	simm.s32 $0x1  }
0x4d2: {  	s31 =	simm.s32 @!p1 $0x0;
	p1 =	slt.s32 s24, $0x1;
	s24 =	simm.s32 $0x1  }
0x4d3: {  	s20 =	simm.s32 @!p0 $0x0;
	p0 =	slt.s32 s19, $0x1;
	s19 =	sld [smem:$0x7F6]  }
0x4d4: {  	s10 =	simm.s32 $0x1;
	s28 =	sadd.s32 s4, s0;
	s4 =	rddreg [dreg:$0x1f]  }
0x4d5: {  	s0 =	sadd.s32 s7, s6;
	s24 =	simm.s32 @!p6 $0x0;
	s6 =	sld [smem:$0x7FA]  }
0x4d6: {  	s7 =	rddreg [dreg:$0x1e];
	s10 =	simm.s32 @!p3 $0x0;
	p3 =	slt.s32 s9, $0x1  }
0x4d7: {  	s9 =	sshll.u32 s25, $0xB;
	s2 =	simm.s32 @!p0 $0x0;
	p6 =	slt.s32 s4, $0x1  }
0x4d8: {  	s0 =	sadd.s32 s18, s0;
	s4 =	sshll.u32 s22, $0xB;
	s22 =	rddreg [dreg:$0x15]  }
0x4d9: {  	s18 =	sshll.u32 s30, $0xB;
	s30 =	rddreg [dreg:$0x10];
	s2 =	simm.s32 @p0 $0x1  }
0x4da: {  	p0 =	seq.s32 s14, $0x1;
	s14 =	rddreg [dreg:$0x1c];
	s0 =	sadd.s32 s4, s0  }
0x4db: {  	s4 =	simm.s32 $0x1;
	[smem:$0x7FB] =	sst s2;
	s5 =	simm.s32 @!p0 $0x0  }
0x4dc: {  	p0 =	slt.s32 s15, $0x1;
	p5 =	slt.s32 s19, $0x1;
	p4 =	seq.s32 s6, $0x1  }
0x4dd: {  	s15 =	rddreg [dreg:$0x1b];
	s19 =	simm.s32 $0x1;
	s6 =	sshll.u32 s23, $0xB  }
0x4de: {  	s4 =	simm.s32 @!p3 $0x0;
	s23 =	sshll.u32 s22, $0xB;
	s8 =	simm.s32 @!p4 $0x0  }
0x4df: {  	p4 =	slt.s32 s7, $0x1;
	s7 =	simm.s32 $0x1;
	s21 =	sld [smem:$0x7FB]  }
0x4e0: {  	s19 =	simm.s32 @!p0 $0x0;
	s0 =	sadd.s32 s6, s0;
	s6 =	simm.s32 $0x1  }
0x4e1: {  	s2 =	simm.s32 @!p4 $0x0;
	s7 =	simm.s32 @!p2 $0x0;
	p2 =	slt.s32 s14, $0x1  }
0x4e2: {  	s0 =	sadd.s32 s9, s0;
	s9 =	simm.s32 $0x1;
	s2 =	simm.s32 @p4 $0x1  }
0x4e3: {  	p4 =	slt.s32 s15, $0x1;
	s15 =	sshll.u32 s26, $0xB;
	s9 =	simm.s32 @!p2 $0x0  }
0x4e4: {  	[smem:$0x7FC] =	sst s2;
	s2 =	simm.s32 @!p4 $0x0;
	s0 =	sadd.s32 s15, s0  }
0x4e5: {  	s15 =	sadd.s32 $0xFFFFFFFF, s1;
	s2 =	simm.s32 @p4 $0x1;
	p4 =	seq.s32 s21, $0x1  }
0x4e6: {  	s21 =	simm.s32 $0x1;
	s14 =	sld [smem:$0x7FC];
	s0 =	sadd.s32 s18, s0  }
0x4e7: {  	s18 =	simm.s32 $0x1;
	s13 =	smax.u32 s13, s15;
	[smem:$0x7FD] =	sst s2  }
0x4e8: {  	s17 =	simm.s32 @!p4 $0x0;
	p4 =	slt.s32 s3, $0x1;
	s2 =	simm.s32 $0x1  }
0x4e9: {  	s21 =	simm.s32 @!p5 $0x0;
	s3 =	simm.s32 $0x1;
	s26 =	sld [smem:$0x7FD]  }
0x4ea: {  	s25 =	sadd.s32 s23, s0;
	s0 =	rddreg [dreg:$0xa];
	s23 =	simm.s32 $0x0  }
0x4eb: {  	s2 =	simm.s32 @!p1 $0x0;
	s3 =	simm.s32 @!p6 $0x0;
	p0 =	seq.s32 s14, $0x1  }
0x4ec: {  	s14 =	simm.s32 $0x1;
	s6 =	simm.s32 @!p0 $0x0;
	p0 =	seq.s32 s26, $0x1  }
0x4ed: {  	s14 =	simm.s32 @!p0 $0x0;
	p0 =	sgt.u32 s1, $0x13;
	s1 =	sshll.u32 s30, $0xB  }
0x4ee: {  	s18 =	simm.s32 @!p4 $0x0;
	s0 =	simm.s32 @!p0 $0x0;
	s1 =	sadd.s32 s1, s25  }
0x4ef: {  	s25 =	sshll.u32 s15, $0x9;
	s0 =	sadd.s32 s0, s28;
	s22 =	sshra.s32 s1, $0x2  }
.LBB2_2:
0x4f0: {  	v1 =	vmov s22;
	_ =	sdelay $0x3  }
0x4f1: {  	s1 =	simm.s32 $0xFFFFFE00  }
0x4f2: {  	v2 =	vld.idx.msk [tilespmem:v1+s1+$0x0 ss:$0x1], $0xffff;
	_ =	sdelay $0x4  }
0x4f3: {  	(xrf0) =	vadd.scan.msk.s32 $0xffff, v2;
	_ =	sdelay $0x5  }
0x4f4: {  	vm0 =	vgt.s32 v2, $0x0;
	v2 =	vsub.s32 s23, v2;
	v3, _, _ =	vpop (xrf0)  }
0x4f5: {  	v2 =	vadd.s32 v3, v2;
	(v2sf) =	vpush v3, $0xF;
	_ =	sdelay $0x3  }
0x4f6: {  	v4 =	vor.u32 s25, v0  }
0x4f7: {  	s30 =	simm.s32 $0xFFFFFE10;
	s28 =	simm.s32 $0xFFFFF880;
	s26 =	smov.u32 s25;
	[tilespmem:v2+s11+$0x0] =	vst.idx.msk vm0, v4  }
.LBB2_3:
0x4f8: {  	p0 =	sne.s32 s28, $0xFFFFFFC0;
	v2 =	vld.idx.msk [tilespmem:v1+s30+$0x0 ss:$0x1], $0xffff;
	_ =	sdelay $0x5  }
0x4f9: {  	vm0 =	vgt.s32 v2, $0x0;
	(xrf0) =	vadd.scan.msk.s32 $0xffff, v2;
	_ =	sdelay $0x2  }
0x4fa: {  	s1 =	spop (v2sf)  }
0x4fb: {  	s23 =	sadd.s32 s23, s1  }
0x4fc: {  	v2 =	vsub.s32 s23, v2  }
0x4fd: {  	v3, _, _ =	vpop (xrf0)  }
0x4fe: {  	v2 =	vadd.s32 v3, v2;
	(v2sf) =	vpush v3, $0xF  }
.Ltmp0:
0x4ff: {  	(pc) =	sbr.rel @p0 .LBB2_3-.Ltmp0, $4  }
0x500: {  	_ = 	snop  }
0x501: {  	s26 =	sadd.s32 $0x10, s26  }
0x502: {  	v3 =	vor.u32 s26, v0  }
0x503: {  	s30 =	sshra.s32 s28, $0x2;
	s28 =	sadd.s32 $0x40, s28;
	[tilespmem:v2+s11+$0x0] =	vst.idx.msk vm0, v3  }
0x504: {  	_ =	sdelay $0x3  }
0x505: {  	v1 =	vld.idx.msk [tilespmem:v1+s30+$0x0 ss:$0x1], $0xffff;
	_ =	sdelay $0x4  }
0x506: {  	(xrf0) =	vadd.scan.msk.s32 $0xffff, v1;
	_ =	sdelay $0x5  }
0x507: {  	v2, _, _ =	vpop (xrf0)  }
0x508: {  	(v2sf) =	vpush v2, $0xF;
	_ =	sdelay $0x7  }
0x509: {  	s1 =	spop (v2sf)  }
0x50a: {  	s1 =	sadd.s32 s23, s1  }
0x50b: {  	vm0 =	vgt.s32 v1, $0x0;
	v1 =	vsub.s32 s1, v1  }
0x50c: {  	p0 =	slt.s32 s15, s13;
	v1 =	vadd.s32 v2, v1  }
.Ltmp1:
0x50d: {  	_ = 	snop;
	(pc) =	sbr.rel @p0 .LBB2_2-.Ltmp1, $4  }
0x50e: {  	_ = 	snop  }
0x50f: {  	s26 =	sadd.s32 $0x10, s26  }
0x510: {  	s30 =	sadd.s32 $0x1, s15;
	s22 =	sadd.s32 $0x200, s22;
	v2 =	vor.u32 s26, v0;
	s28 =	spop (v2sf)  }
0x511: {  	s25 =	sadd.s32 $0x200, s25;
	s15 =	smov.u32 s30;
	[tilespmem:v1+s11+$0x0] =	vst.idx.msk vm0, v2;
	s23 =	sadd.s32 s1, s28  }
0x512: {  	s1 =	sshll.u32 s16, $0xB;
	s13 =	sshll.u32 s20, $0xB  }
0x513: {  	s30 =	sshll.u32 s18, $0xB;
	s1 =	sadd.s32 s13, s1  }
0x514: {  	s15 =	sadd.s32 s20, s16;
	s20 =	sshll.u32 s14, $0xB;
	s1 =	sadd.s32 s30, s1  }
0x515: {  	s22 =	sshll.u32 s9, $0xB;
	s15 =	sadd.s32 s5, s15;
	s1 =	sadd.s32 s20, s1  }
0x516: {  	s23 =	sshll.u32 s4, $0xB;
	s15 =	sadd.s32 s29, s15;
	s1 =	sadd.s32 s22, s1  }
0x517: {  	s25 =	sshll.u32 s6, $0xB;
	s15 =	sadd.s32 s31, s15;
	s1 =	sadd.s32 s23, s1  }
0x518: {  	s26 =	sshll.u32 s3, $0xB;
	s15 =	sadd.s32 s24, s15;
	s1 =	sadd.s32 s25, s1  }
0x519: {  	s28 =	sshll.u32 s2, $0xB;
	s15 =	sadd.s32 s8, s15;
	s1 =	sadd.s32 s26, s1  }
0x51a: {  	s30 =	sshll.u32 s21, $0xB;
	s15 =	sadd.s32 s10, s15;
	s1 =	sadd.s32 s28, s1  }
0x51b: {  	s16 =	sshll.u32 s19, $0xB;
	s15 =	sadd.s32 s7, s15;
	s1 =	sadd.s32 s30, s1  }
0x51c: {  	s15 =	sadd.s32 s17, s15;
	s17 =	sshll.u32 s17, $0xB;
	s1 =	sadd.s32 s16, s1  }
0x51d: {  	s15 =	sadd.s32 s19, s15;
	s19 =	sshll.u32 s7, $0xB;
	s1 =	sadd.s32 s17, s1  }
0x51e: {  	s20 =	sadd.s32 s21, s15;
	s21 =	sshll.u32 s10, $0xB;
	s1 =	sadd.s32 s19, s1  }
0x51f: {  	s23 =	sshll.u32 s8, $0xB;
	s1 =	sadd.s32 s21, s1  }
0x520: {  	s25 =	sshll.u32 s24, $0xB;
	s1 =	sadd.s32 s23, s1  }
0x521: {  	s26 =	sshll.u32 s31, $0xB;
	s1 =	sadd.s32 s25, s1  }
0x522: {  	s28 =	sshll.u32 s29, $0xB;
	s1 =	sadd.s32 s26, s1  }
0x523: {  	s29 =	sshll.u32 s5, $0xB;
	s1 =	sadd.s32 s28, s1  }
0x524: {  	s22 =	sadd.s32 s2, s20;
	s1 =	sadd.s32 s29, s1  }
0x525: {  	s2 =	sadd.s32 s3, s22;
	s3 =	sshra.s32 s1, $0x2  }
0x526: {  	v1 =	vmov s3;
	_ =	sdelay $0x3  }
0x527: {  	s31 =	simm.s32 $0xFFFFFE00  }
0x528: {  	v2 =	vld.idx.msk [tilespmem:v1+s31+$0x0 ss:$0x1], $0xffff;
	_ =	sdelay $0x4  }
0x529: {  	s2 =	sadd.s32 s6, s2;
	(xrf0) =	vadd.scan.msk.s32 $0xffff, v2  }
0x52a: {  	s2 =	sadd.s32 s4, s2  }
0x52b: {  	s2 =	sadd.s32 s9, s2  }
0x52c: {  	s2 =	sadd.s32 s14, s2  }
0x52d: {  	s2 =	sadd.s32 s18, s2  }
0x52e: {  	s30 =	sshll.u32 s2, $0x9;
	s2 =	simm.s32 $0x0  }
0x52f: {  	vm0 =	vgt.s32 v2, $0x0;
	v2 =	vsub.s32 s2, v2;
	v3, _, _ =	vpop (xrf0)  }
0x530: {  	v2 =	vadd.s32 v3, v2;
	(v2sf) =	vpush v3, $0xF;
	_ =	sdelay $0x2  }
0x531: {  	s1 =	sadd.s32 $0xFFFFFE00, s30  }
0x532: {  	v4 =	vor.u32 s1, v0  }
0x533: {  	s4 =	simm.s32 $0xFFFFFE10;
	s3 =	simm.s32 $0xFFFFF880;
	[tilespmem:v2+s12+$0x0] =	vst.idx.msk vm0, v4  }
.LBB2_6:
0x534: {  	p0 =	sne.s32 s3, $0xFFFFFFC0;
	v2 =	vld.idx.msk [tilespmem:v1+s4+$0x0 ss:$0x1], $0xffff;
	_ =	sdelay $0x5  }
0x535: {  	vm0 =	vgt.s32 v2, $0x0;
	(xrf0) =	vadd.scan.msk.s32 $0xffff, v2;
	_ =	sdelay $0x2  }
0x536: {  	s4 =	spop (v2sf)  }
0x537: {  	s2 =	sadd.s32 s2, s4  }
0x538: {  	v2 =	vsub.s32 s2, v2  }
0x539: {  	v3, _, _ =	vpop (xrf0)  }
0x53a: {  	v2 =	vadd.s32 v3, v2;
	(v2sf) =	vpush v3, $0xF  }
.Ltmp2:
0x53b: {  	(pc) =	sbr.rel @p0 .LBB2_6-.Ltmp2, $4  }
0x53c: {  	_ = 	snop  }
0x53d: {  	s1 =	sadd.s32 $0x10, s1  }
0x53e: {  	v3 =	vor.u32 s1, v0  }
0x53f: {  	s4 =	sshra.s32 s3, $0x2;
	s3 =	sadd.s32 $0x40, s3;
	[tilespmem:v2+s12+$0x0] =	vst.idx.msk vm0, v3  }
0x540: {  	_ =	sdelay $0x3  }
0x541: {  	v1 =	vld.idx.msk [tilespmem:v1+s4+$0x0 ss:$0x1], $0xffff;
	_ =	sdelay $0x4  }
0x542: {  	(xrf0) =	vadd.scan.msk.s32 $0xffff, v1;
	_ =	sdelay $0x2  }
0x543: {  	v3 =	vld [tilespmem:$0x1FFF0]  }
0x544: {  	s3 =	spop (v2sf)  }
0x545: {  	s2 =	sadd.s32 s2, s3  }
0x546: {  	vm0 =	vgt.s32 v1, $0x0;
	v2, _, _ =	vpop (xrf0);
	v1 =	vsub.s32 s2, v1  }
0x547: {  	s21 =	rddreg [dreg:$0x9];
	(v2sf) =	vpush v2, $0xF;
	v1 =	vadd.s32 v2, v1;
	v2 =	vmov s0  }
0x548: {  	vm1 =	vlt.s32 v3, s21;
	v2 =	vsub.s32 v3, v2  }
0x549: {  	v2 =	vnsel vm1, $0x0, v2  }
0x54a: {  	s22 =	sadd.s32 $0x10, s1  }
0x54b: {  	v3 =	vor.u32 s22, v0  }
0x54c: {  	[tilespmem:v1+s12+$0x0] =	vst.idx.msk vm0, v3  }
0x54d: {  	v1 =	vld.msk [tilespmem:$0x3000 ss:$0x0], $0xffff  }
0x54e: {  	v2 =	vld.idx.msk [tilespmem:v2+s11+$0x0], $0xffff;
	_ =	sdelay $0x4  }
0x54f: {  	s24 =	simm.s32 $0x10;
	v1 =	vsel vm1, v2, v1  }
0x550: {  	s25 =	simm.s32 $0x3200;
	s26 =	simm.s32 $0x3210;
	s0 =	rddreg [dreg:$0x4];
	[tilespmem:$0x3200] =	vst v1  }
0x551: {  	[tilespmem:s26], [sflag:$0x1] =	stream.indirect.gather [hbm4b:s0+s24], $0x80, s25, s24, $0xb8;
	[tilespmem:$0x3A10] =	vst v63  }
0x552: {  	s28 =	simm.s32 $0x1;
	s23 =	spop (v2sf)  }
0x553: {  	_ =	swait.ge [sflag:s28], $0x800  }
0x554: {  	s4 =	simm.s32 $0x0;
	[sflag:s28] =	ssyncset.done $0x0  }
0x555: {  	s1 =	simm.s32 $0x2;
	s29 =	rddreg [dreg:$0x6];
	[sflag:s28] =	ssyncadd.s32 $0xFFFFF800  }
0x556: {  	[hbm4b:s29+s4] =	stream.linear.scatter [tilespmem:s26], [sflag:$0x2], $0x800, $0x38;
	[tilespmem:$0x3A10] =	vst v63  }
0x557: {  	_ =	swait.ge [sflag:s1], $0x800  }
0x558: {  	s30 =	rddreg [dreg:$0x8]  }
0x559: {  	s31 =	rddreg [dreg:$0x7];
	s2 =	sadd.s32 $0x1, s30  }
0x55a: {  	p0 =	sne.s32 s2, s31  }
.Ltmp3:
0x55b: {  	_ = 	snop;
	(pc) =	sbr.rel @p0 .LBB2_1-.Ltmp3, $3  }
0x55c: {  	_ =	sdelay $0x1  }
0x55d: {  	[sflag:s1] =	ssyncset.done $0x0  }
0x55e: {  	[sflag:s1] =	ssyncadd.s32 $0xFFFFF800  }
0x55f: {  	_ =	sfence.sel $0x180000  }
0x560: {  	[bflag:$0x0] =	sbarrier.arrive $0xFFFF  }
0x561: {  	_ =	strace $0x9000004A  }
0x562: {  	s0 =	stileid.u32;
	[bflag:$0x2] =	sbarrier.arrive $0xFFFF  }
0x563: {  	p0 =	sne.s32 s0, $0x0;
	s0 =	rddreg [dreg:$0x2]  }
0x564: {  	s0 =	sadd.s32 @!p0 $0x100000, s0  }
0x565: {  	[sflag:s0] =	ssyncadd.tile.s32 @!p0 $0x1;
	_ =	shalt  }
.Lfunc_end2:
_tile_overlayer_lowered:
.L_overlay_start_2:
0x566: {  	(tag) =	ssettag $0x2  }
0x567: {  	s0 =	rddreg [dreg:$0x0];
	s2 =	stileid.u32  }
0x568: {  	s1 =	rddreg [dreg:$0x1];
	p0 =	sne.s32 s2, $0x0  }
0x569: {  	s3 =	rddreg [dreg:$0x2];
	[bflag:$0x3] =	sbarrier.arrive $0xFFFF;
	s2 =	simm.s32 @!p0 $0x1C02  }
0x56a: {  	[timem:s3], [sflag:s2] =	dma.local @!p0 [hbm:s0], s1  }
0x56b: {  	s0 =	simm.s32 @!p0 $0x2  }
0x56c: {  	_ =	swait.ge @!p0 [sflag:s0], s1  }
0x56d: {  	s1 =	ssub.s32 @!p0 $0x0, s1;
	[sflag:s0] =	ssyncset.done @!p0 $0x0  }
0x56e: {  	[sflag:s0] =	ssyncadd.s32 @!p0 s1  }
0x56f: {  	[bflag:$0x3] =	sbarrier.arrive $0xFFFF  }
0x570: {  	_ =	shalt  }

</sc_bundles>
